<compile_context>
chip_gen: v7x
topology: tpu7x:2x2x1
jax: 0.10.2.dev20260603
libtpu: 0.0.44.dev20260713+nightly
codegen_flags: <defaults>
</compile_context>

<pallas_src>
import functools

import jax
import jax.numpy as jnp
from jax import lax
from jax.experimental import pallas as pl
from jax.experimental.pallas import tpu as pltpu
from jax.experimental.pallas import tpu_sc as plsc

B, C, H, W = 2, 256, 128, 128
R = 1000
PH, PW = 7, 7
P = PH * PW
SPATIAL_SCALE = 0.25

NC, NS, L = 2, 16, 16
NW = NC * NS
S_PAD = 49152
SPW = S_PAD // NW
CS = 32
NCHUNK = SPW // CS
NGRP = SPW // L

_mesh = plsc.VectorSubcoreMesh(core_axis_name="c", subcore_axis_name="s")


@functools.partial(
    pl.kernel,
    out_type=jax.ShapeDtypeStruct((S_PAD * C,), jnp.float32),
    mesh=_mesh,
    compiler_params=pltpu.CompilerParams(needs_layout_passes=False),
    scratch_types=[
        pltpu.VMEM((R * 5,), jnp.float32),
        pltpu.VMEM((SPW * 4,), jnp.int32),
        pltpu.VMEM((SPW * 4,), jnp.float32),
        pltpu.VMEM((CS * 4, C), jnp.float32),
        pltpu.VMEM((CS * 4, C), jnp.float32),
        pltpu.VMEM((CS * C,), jnp.float32),
        pltpu.VMEM((CS * C,), jnp.float32),
        pltpu.SemaphoreType.DMA,
        pltpu.SemaphoreType.DMA,
        pltpu.SemaphoreType.DMA,
        pltpu.SemaphoreType.DMA,
    ],
)
def _roi_sample_sc(table_hbm, rois_hbm, out_hbm, rois_v, idx_v, wts_v,
                   rb0, rb1, ob0, ob1, sg0, sg1, so0, so1):
    wid = lax.axis_index("s") * NC + lax.axis_index("c")
    wbase = wid * SPW

    pltpu.sync_copy(rois_hbm, rois_v)

    iota = lax.iota(jnp.int32, L)
    zero16 = jnp.zeros((L,), jnp.int32)

    @pl.loop(0, NGRP)
    def _compute_indices(g):
        s_glob = wbase + g * L + iota
        r_raw = s_glob // P
        p = s_glob - r_raw * P
        r = jnp.minimum(r_raw, R - 1)
        r5 = r * 5
        b = plsc.load_gather(rois_v, [r5]).astype(jnp.int32)
        x1 = plsc.load_gather(rois_v, [r5 + 1])
        y1 = plsc.load_gather(rois_v, [r5 + 2])
        x2 = plsc.load_gather(rois_v, [r5 + 3])
        y2 = plsc.load_gather(rois_v, [r5 + 4])
        relx = (p % PW).astype(jnp.float32) * (1.0 / PW) + (0.5 / PW)
        rely = (p // PW).astype(jnp.float32) * (1.0 / PH) + (0.5 / PH)
        px = (x1 + relx * (x2 - x1)) * SPATIAL_SCALE - 0.5
        py = (y1 + rely * (y2 - y1)) * SPATIAL_SCALE - 0.5
        x0 = (px + 1.0).astype(jnp.int32) - 1
        y0 = (py + 1.0).astype(jnp.int32) - 1
        wx1 = px - x0.astype(jnp.float32)
        wx0 = 1.0 - wx1
        wy1 = py - y0.astype(jnp.float32)
        wy0 = 1.0 - wy1
        vx0 = jnp.where(x0 >= 0, 1.0, 0.0)
        vx1 = jnp.where(x0 + 1 <= W - 1, 1.0, 0.0)
        vy0 = jnp.where(y0 >= 0, 1.0, 0.0)
        vy1 = jnp.where(y0 + 1 <= H - 1, 1.0, 0.0)
        xc0 = jnp.clip(x0, 0, W - 1)
        xc1 = jnp.clip(x0 + 1, 0, W - 1)
        yc0 = jnp.clip(y0, 0, H - 1)
        yc1 = jnp.clip(y0 + 1, 0, H - 1)
        base = b * (H * W)
        row0 = base + yc0 * W
        row1 = base + yc1 * W
        pos = iota * 4 + g * (4 * L)
        plsc.store_scatter(idx_v, [pos], row0 + xc0)
        plsc.store_scatter(idx_v, [pos + 1], row0 + xc1)
        plsc.store_scatter(idx_v, [pos + 2], row1 + xc0)
        plsc.store_scatter(idx_v, [pos + 3], row1 + xc1)
        plsc.store_scatter(wts_v, [pos], wy0 * wx0 * vy0 * vx0)
        plsc.store_scatter(wts_v, [pos + 1], wy0 * wx1 * vy0 * vx1)
        plsc.store_scatter(wts_v, [pos + 2], wy1 * wx0 * vy1 * vx0)
        plsc.store_scatter(wts_v, [pos + 3], wy1 * wx1 * vy1 * vx1)

    def issue_gather(c, rb, sg):
        pltpu.async_copy(
            table_hbm.at[idx_v.at[pl.ds(c * (CS * 4), CS * 4)]], rb, sg)

    def wait_gather(c, rb, sg):
        pltpu.make_async_copy(
            table_hbm.at[idx_v.at[pl.ds(c * (CS * 4), CS * 4)]], rb, sg
        ).wait()

    def out_slice(c):
        return out_hbm.at[pl.ds((wbase + c * CS) * C, CS * C)]

    def compute(c, rb, ob):
        @pl.loop(0, CS)
        def _point(s):
            k4 = c * (CS * 4) + s * 4
            w0 = plsc.load_gather(wts_v, [zero16 + k4])
            w1 = plsc.load_gather(wts_v, [zero16 + (k4 + 1)])
            w2 = plsc.load_gather(wts_v, [zero16 + (k4 + 2)])
            w3 = plsc.load_gather(wts_v, [zero16 + (k4 + 3)])
            rbs = s * 4
            for g in range(0, C // L, 4):
                accs = []
                for q in range(4):
                    cq = pl.ds((g + q) * L, L)
                    t0 = rb[rbs, cq] * w0
                    t1 = rb[rbs + 1, cq] * w1
                    t2 = rb[rbs + 2, cq] * w2
                    t3 = rb[rbs + 3, cq] * w3
                    accs.append((t0 + t1) + (t2 + t3))
                for q in range(4):
                    ob[pl.ds(s * C + (g + q) * L, L)] = accs[q]

    def half(c, rb, sg, ob, so, rb_next, sg_next):
        @pl.when(c >= 2)
        def _wait_prev_out():
            pltpu.make_async_copy(ob, out_slice(0), so).wait()

        @pl.when(c + 1 < NCHUNK)
        def _prefetch_next():
            issue_gather(c + 1, rb_next, sg_next)

        wait_gather(c, rb, sg)
        compute(c, rb, ob)
        pltpu.async_copy(ob, out_slice(c), so)

    issue_gather(0, rb0, sg0)

    @pl.loop(0, NCHUNK, step=2)
    def _chunk_pair(c):
        half(c, rb0, sg0, ob0, so0, rb1, sg1)
        half(c + 1, rb1, sg1, ob1, so1, rb0, sg0)

    pltpu.make_async_copy(ob0, out_slice(0), so0).wait()
    pltpu.make_async_copy(ob1, out_slice(0), so1).wait()


def kernel(features, rois):
    table = features.transpose(0, 2, 3, 1).reshape(B * H * W, C)
    out_flat = _roi_sample_sc(table, rois.reshape(-1))
    out = out_flat.reshape(S_PAD, C)[: R * P]
    return out.reshape(R, P, C).transpose(0, 2, 1).reshape(R, C, PH, PW)

# --- scband reference (transcript-rebuilt; emitter-appended) ---
"""Pipeline reference for scband-simple-ro-ialign-38551626449367 (READ-ONLY COPY).

The authoritative reference and input builder live on the scoring server;
editing this copy changes nothing except your own understanding.
"""

import jax, jax.numpy as jnp
import numpy as np

B, C, H, W = 2, 256, 128, 128
R = 1000
OUT_SIZE = (7, 7)
SPATIAL_SCALE = 0.25
IMG = 512.0


def setup_inputs(seed: int = 0):
    key = jax.random.key(seed)
    k1, k2, k3, k4 = jax.random.split(key, 4)
    features = jax.random.normal(k1, (B, C, H, W), dtype=jnp.float32)
    batch_idx = jax.random.randint(k2, (R,), 0, B).astype(jnp.float32)
    xy1 = jax.random.uniform(k3, (R, 2), dtype=jnp.float32) * (IMG - 64.0)
    wh = jax.random.uniform(k4, (R, 2), dtype=jnp.float32) * 120.0 + 8.0
    xy2 = jnp.minimum(xy1 + wh, IMG - 1.0)
    rois = jnp.concatenate([batch_idx[:, None], xy1[:, 0:1], xy1[:, 1:2], xy2[:, 0:1], xy2[:, 1:2]], axis=1)
    return {"features": features, "rois": rois}


def _generate_grid(ph, pw):
    # rel points in [0,1], matching F.affine_grid(identity, align_corners=False) then (g+1)/2
    xs = (jnp.arange(pw, dtype=jnp.float32) + 0.5) / pw
    ys = (jnp.arange(ph, dtype=jnp.float32) + 0.5) / ph
    gy, gx = jnp.meshgrid(ys, xs, indexing="ij")
    return jnp.stack([gx.reshape(-1), gy.reshape(-1)], axis=-1)  # [P, 2] as (x, y)


def _point_sample(feat, px, py):
    # feat: [C, Hf, Wf]; px, py: [R, P] pixel-index coords (grid_sample align_corners=False, zeros padding)
    Cf, Hf, Wf = feat.shape
    x0 = jnp.floor(px)
    y0 = jnp.floor(py)
    wx1 = px - x0
    wx0 = 1.0 - wx1
    wy1 = py - y0
    wy0 = 1.0 - wy1

    def gather(yy, xx):
        valid = (xx >= 0) & (xx <= Wf - 1) & (yy >= 0) & (yy <= Hf - 1)
        xc = jnp.clip(xx, 0, Wf - 1).astype(jnp.int32)
        yc = jnp.clip(yy, 0, Hf - 1).astype(jnp.int32)
        vals = feat[:, yc, xc]  # [C, R, P]
        return jnp.where(valid[None, :, :], vals, 0.0)

    out = (gather(y0, x0) * (wy0 * wx0)[None]
           + gather(y0, x0 + 1.0) * (wy0 * wx1)[None]
           + gather(y0 + 1.0, x0) * (wy1 * wx0)[None]
           + gather(y0 + 1.0, x0 + 1.0) * (wy1 * wx1)[None])
    return out  # [C, R, P]


def reference(features, rois):
    ph, pw = OUT_SIZE
    rel = _generate_grid(ph, pw)  # [P, 2]
    x1, y1, x2, y2 = rois[:, 1], rois[:, 2], rois[:, 3], rois[:, 4]
    # rel_roi_point -> abs_img_point
    ax = x1[:, None] + rel[None, :, 0] * (x2 - x1)[:, None]
    ay = y1[:, None] + rel[None, :, 1] * (y2 - y1)[:, None]
    # point_sample with scale_factor = 1/spatial_scale divides abs points by it -> feature coords
    fx = ax * SPATIAL_SCALE
    fy = ay * SPATIAL_SCALE
    # grid_sample align_corners=False pixel mapping: pix = coord - 0.5
    px = fx - 0.5
    py = fy - 0.5
    Rr = rois.shape[0]
    out = jnp.zeros((Rr, C, ph, pw), dtype=features.dtype)
    for b in range(B):
        sampled = _point_sample(features[b], px, py)  # [C, R, P]
        sampled = jnp.transpose(sampled, (1, 0, 2)).reshape(Rr, C, ph, pw)
        mask = rois[:, 0] == b
        out = jnp.where(mask[:, None, None, None], sampled, out)
    return out

if __name__ == "__main__":
    import jax
    _d = setup_inputs()
    print(jax.jit(kernel)(*tuple(_d.values())))

</pallas_src>

<mosaic_0001>
#map = affine_map<(d0, d1) -> (0, 0)>
#map1 = affine_map<(d0, d1) -> (0)>
module attributes {stable_mosaic.version = 14 : i64} {
  func.func @_roi_sample_sc(%arg0: i32, %arg1: i32, %arg2: memref<32768x256xf32, #tpu.memory_space<hbm>>, %arg3: memref<5000xf32, #tpu.memory_space<hbm>>, %arg4: memref<12582912xf32, #tpu.memory_space<hbm>>, %arg5: memref<5000xf32, #tpu.memory_space<vmem>>, %arg6: memref<6144xi32, #tpu.memory_space<vmem>>, %arg7: memref<6144xf32, #tpu.memory_space<vmem>>, %arg8: memref<128x256xf32, #tpu.memory_space<vmem>>, %arg9: memref<128x256xf32, #tpu.memory_space<vmem>>, %arg10: memref<8192xf32, #tpu.memory_space<vmem>>, %arg11: memref<8192xf32, #tpu.memory_space<vmem>>, %arg12: memref<!tpu.dma_semaphore, #tpu.memory_space<semaphore_mem>>, %arg13: memref<!tpu.dma_semaphore, #tpu.memory_space<semaphore_mem>>, %arg14: memref<!tpu.dma_semaphore, #tpu.memory_space<semaphore_mem>>, %arg15: memref<!tpu.dma_semaphore, #tpu.memory_space<semaphore_mem>>) attributes {dimension_semantics = [#tpu.dimension_semantics<core_parallel>, #tpu.dimension_semantics<subcore_parallel>], iteration_bounds = array<i64: 2, 16>, scalar_prefetch = 0 : i64, scratch_operands = 11 : i64, tpu.core_type = #tpu.core_type<sc_vector_subcore>, window_params = [{transform_indices = #map}, {transform_indices = #map1}, {transform_indices = #map1}]} {
    %mul3A = arith.constant 2 : i32
    %mul3A_0 = arith.muli %arg1, %mul3A : i32
    %add3A = arith.addi %mul3A_0, %arg0 : i32
    %mul3A_1 = arith.constant 1536 : i32
    %mul3A_2 = arith.muli %add3A, %mul3A_1 : i32
    "tpu.region"() ({
      %run_scoped3A = tpu.sem_alloc : memref<!tpu.dma_semaphore, #tpu.memory_space<semaphore_mem>>
      tpu.enqueue_dma source(%arg3 : memref<5000xf32, #tpu.memory_space<hbm>>) target(%arg5 : memref<5000xf32, #tpu.memory_space<vmem>>) target_semaphore(%run_scoped3A : memref<!tpu.dma_semaphore, #tpu.memory_space<semaphore_mem>>)
      tpu.wait_dma2 semaphore(%run_scoped3A : memref<!tpu.dma_semaphore, #tpu.memory_space<semaphore_mem>>) src(%arg3 : memref<5000xf32, #tpu.memory_space<hbm>>) dst(%arg5 : memref<5000xf32, #tpu.memory_space<vmem>>)
      tpu.yield
    }) : () -> ()
    %iota3A = tpu.iota {dimensions = array<i32: 0>} : vector<16xi32>
    %broadcast_in_dim3A = arith.constant 0 : i32
    %broadcast_in_dim3A_3 = vector.broadcast %broadcast_in_dim3A : i32 to vector<16xi32>
    %scan3A = arith.constant 0 : i32
    %scan3A_4 = arith.constant 96 : i32
    %scan3A_5 = arith.addi %scan3A, %scan3A_4 : i32
    %scan3A_6 = arith.constant 1 : i32
    scf.for %scan3A_28 = %scan3A to %scan3A_5 step %scan3A_6  : i32 {
      %mul3A_29 = arith.constant 1 : i32
      %mul3A_30 = arith.muli %scan3A_28, %mul3A_29 : i32
      %add3A_31 = arith.constant 0 : i32
      %add3A_32 = arith.addi %add3A_31, %mul3A_30 : i32
      %mul3A_33 = arith.constant 16 : i32
      %mul3A_34 = arith.muli %add3A_32, %mul3A_33 : i32
      %add3A_35 = arith.addi %mul3A_2, %mul3A_34 : i32
      %add3A_36 = vector.broadcast %add3A_35 : i32 to vector<16xi32>
      %add3A_37 = arith.addi %add3A_36, %iota3A : vector<16xi32>
      %jit3A = arith.constant 49 : i32
      %div3A = vector.broadcast %jit3A : i32 to vector<16xi32>
      %div3A_38 = arith.divsi %add3A_37, %div3A : vector<16xi32>
      %sign3A = arith.constant 0 : i32
      %sign3A_39 = vector.broadcast %sign3A : i32 to vector<16xi32>
      %sign3A_40 = arith.cmpi sgt, %add3A_37, %sign3A_39 : vector<16xi32>
      %sign3A_41 = arith.extui %sign3A_40 : vector<16xi1> to vector<16xi32>
      %sign3A_42 = arith.constant 0 : i32
      %sign3A_43 = vector.broadcast %sign3A_42 : i32 to vector<16xi32>
      %sign3A_44 = arith.cmpi slt, %add3A_37, %sign3A_43 : vector<16xi32>
      %sign3A_45 = arith.extui %sign3A_44 : vector<16xi1> to vector<16xi32>
      %sign3A_46 = arith.subi %sign3A_41, %sign3A_45 : vector<16xi32>
      %sign3A_47 = arith.constant 0 : i32
      %sign3A_48 = arith.cmpi sgt, %jit3A, %sign3A_47 : i32
      %sign3A_49 = arith.extui %sign3A_48 : i1 to i32
      %sign3A_50 = arith.constant 0 : i32
      %sign3A_51 = arith.cmpi slt, %jit3A, %sign3A_50 : i32
      %sign3A_52 = arith.extui %sign3A_51 : i1 to i32
      %sign3A_53 = arith.subi %sign3A_49, %sign3A_52 : i32
      %ne3A = vector.broadcast %sign3A_53 : i32 to vector<16xi32>
      %ne3A_54 = arith.cmpi ne, %sign3A_46, %ne3A : vector<16xi32>
      %rem3A = vector.broadcast %jit3A : i32 to vector<16xi32>
      %rem3A_55 = arith.remsi %add3A_37, %rem3A : vector<16xi32>
      %ne3A_56 = arith.constant 0 : i32
      %ne3A_57 = vector.broadcast %ne3A_56 : i32 to vector<16xi32>
      %ne3A_58 = arith.cmpi ne, %rem3A_55, %ne3A_57 : vector<16xi32>
      %and3A = arith.andi %ne3A_54, %ne3A_58 : vector<16xi1>
      %sub3A = arith.constant 1 : i32
      %sub3A_59 = vector.broadcast %sub3A : i32 to vector<16xi32>
      %sub3A_60 = arith.subi %div3A_38, %sub3A_59 : vector<16xi32>
      %select_n3A = arith.select %and3A, %sub3A_60, %div3A_38 : vector<16xi1>, vector<16xi32>
      %mul3A_61 = arith.constant 49 : i32
      %mul3A_62 = vector.broadcast %mul3A_61 : i32 to vector<16xi32>
      %mul3A_63 = arith.muli %select_n3A, %mul3A_62 : vector<16xi32>
      %sub3A_64 = arith.subi %add3A_37, %mul3A_63 : vector<16xi32>
      %min3A = arith.constant 999 : i32
      %min3A_65 = vector.broadcast %min3A : i32 to vector<16xi32>
      %min3A_66 = arith.minsi %select_n3A, %min3A_65 : vector<16xi32>
      %mul3A_67 = arith.constant 5 : i32
      %mul3A_68 = vector.broadcast %mul3A_67 : i32 to vector<16xi32>
      %mul3A_69 = arith.muli %min3A_66, %mul3A_68 : vector<16xi32>
      %gather3A = tpu.vector_load_idx %arg5[%mul3A_69] : memref<5000xf32, #tpu.memory_space<vmem>>[vector<16xi32>], vector<16xf32>,
      %convert_element_type3A = arith.fptosi %gather3A : vector<16xf32> to vector<16xi32>
      %add3A_70 = arith.constant 1 : i32
      %add3A_71 = vector.broadcast %add3A_70 : i32 to vector<16xi32>
      %add3A_72 = arith.addi %mul3A_69, %add3A_71 : vector<16xi32>
      %gather3A_73 = tpu.vector_load_idx %arg5[%add3A_72] : memref<5000xf32, #tpu.memory_space<vmem>>[vector<16xi32>], vector<16xf32>,
      %add3A_74 = arith.constant 2 : i32
      %add3A_75 = vector.broadcast %add3A_74 : i32 to vector<16xi32>
      %add3A_76 = arith.addi %mul3A_69, %add3A_75 : vector<16xi32>
      %gather3A_77 = tpu.vector_load_idx %arg5[%add3A_76] : memref<5000xf32, #tpu.memory_space<vmem>>[vector<16xi32>], vector<16xf32>,
      %add3A_78 = arith.constant 3 : i32
      %add3A_79 = vector.broadcast %add3A_78 : i32 to vector<16xi32>
      %add3A_80 = arith.addi %mul3A_69, %add3A_79 : vector<16xi32>
      %gather3A_81 = tpu.vector_load_idx %arg5[%add3A_80] : memref<5000xf32, #tpu.memory_space<vmem>>[vector<16xi32>], vector<16xf32>,
      %add3A_82 = arith.constant 4 : i32
      %add3A_83 = vector.broadcast %add3A_82 : i32 to vector<16xi32>
      %add3A_84 = arith.addi %mul3A_69, %add3A_83 : vector<16xi32>
      %gather3A_85 = tpu.vector_load_idx %arg5[%add3A_84] : memref<5000xf32, #tpu.memory_space<vmem>>[vector<16xi32>], vector<16xf32>,
      %jit3A_86 = arith.constant 7 : i32
      %eq3A = arith.constant 0 : i32
      %eq3A_87 = arith.cmpi eq, %jit3A_86, %eq3A : i32
      %jit3A_88 = arith.constant 1 : i32
      %select_n3A_89 = arith.select %eq3A_87, %jit3A_88, %jit3A_86 : i32
      %rem3A_90 = vector.broadcast %select_n3A_89 : i32 to vector<16xi32>
      %rem3A_91 = arith.remsi %sub3A_64, %rem3A_90 : vector<16xi32>
      %ne3A_92 = arith.constant 0 : i32
      %ne3A_93 = vector.broadcast %ne3A_92 : i32 to vector<16xi32>
      %ne3A_94 = arith.cmpi ne, %rem3A_91, %ne3A_93 : vector<16xi32>
      %lt3A = arith.constant 0 : i32
      %lt3A_95 = vector.broadcast %lt3A : i32 to vector<16xi32>
      %lt3A_96 = arith.cmpi slt, %rem3A_91, %lt3A_95 : vector<16xi32>
      %lt3A_97 = arith.constant 0 : i32
      %lt3A_98 = arith.cmpi slt, %select_n3A_89, %lt3A_97 : i32
      %ne3A_99 = vector.broadcast %lt3A_98 : i1 to vector<16xi1>
      %ne3A_100 = vector.broadcast %ne3A_99 : vector<16xi1> to vector<16xi1>
      %ne3A_101 = arith.xori %lt3A_96, %ne3A_100 : vector<16xi1>
      %and3A_102 = arith.andi %ne3A_101, %ne3A_94 : vector<16xi1>
      %add3A_103 = vector.broadcast %select_n3A_89 : i32 to vector<16xi32>
      %add3A_104 = arith.addi %rem3A_91, %add3A_103 : vector<16xi32>
      %select_n3A_105 = arith.select %and3A_102, %add3A_104, %rem3A_91 : vector<16xi1>, vector<16xi32>
      %convert_element_type3A_106 = arith.sitofp %select_n3A_105 : vector<16xi32> to vector<16xf32>
      %mul3A_107 = arith.constant 0.142857149 : f32
      %mul3A_108 = vector.broadcast %mul3A_107 : f32 to vector<16xf32>
      %mul3A_109 = arith.mulf %convert_element_type3A_106, %mul3A_108 : vector<16xf32>
      %add3A_110 = arith.constant 0.0714285746 : f32
      %add3A_111 = vector.broadcast %add3A_110 : f32 to vector<16xf32>
      %add3A_112 = arith.addf %mul3A_109, %add3A_111 : vector<16xf32>
      %jit3A_113 = arith.constant 7 : i32
      %div3A_114 = vector.broadcast %jit3A_113 : i32 to vector<16xi32>
      %div3A_115 = arith.divsi %sub3A_64, %div3A_114 : vector<16xi32>
      %sign3A_116 = arith.constant 0 : i32
      %sign3A_117 = vector.broadcast %sign3A_116 : i32 to vector<16xi32>
      %sign3A_118 = arith.cmpi sgt, %sub3A_64, %sign3A_117 : vector<16xi32>
      %sign3A_119 = arith.extui %sign3A_118 : vector<16xi1> to vector<16xi32>
      %sign3A_120 = arith.constant 0 : i32
      %sign3A_121 = vector.broadcast %sign3A_120 : i32 to vector<16xi32>
      %sign3A_122 = arith.cmpi slt, %sub3A_64, %sign3A_121 : vector<16xi32>
      %sign3A_123 = arith.extui %sign3A_122 : vector<16xi1> to vector<16xi32>
      %sign3A_124 = arith.subi %sign3A_119, %sign3A_123 : vector<16xi32>
      %sign3A_125 = arith.constant 0 : i32
      %sign3A_126 = arith.cmpi sgt, %jit3A_113, %sign3A_125 : i32
      %sign3A_127 = arith.extui %sign3A_126 : i1 to i32
      %sign3A_128 = arith.constant 0 : i32
      %sign3A_129 = arith.cmpi slt, %jit3A_113, %sign3A_128 : i32
      %sign3A_130 = arith.extui %sign3A_129 : i1 to i32
      %sign3A_131 = arith.subi %sign3A_127, %sign3A_130 : i32
      %ne3A_132 = vector.broadcast %sign3A_131 : i32 to vector<16xi32>
      %ne3A_133 = arith.cmpi ne, %sign3A_124, %ne3A_132 : vector<16xi32>
      %rem3A_134 = vector.broadcast %jit3A_113 : i32 to vector<16xi32>
      %rem3A_135 = arith.remsi %sub3A_64, %rem3A_134 : vector<16xi32>
      %ne3A_136 = arith.constant 0 : i32
      %ne3A_137 = vector.broadcast %ne3A_136 : i32 to vector<16xi32>
      %ne3A_138 = arith.cmpi ne, %rem3A_135, %ne3A_137 : vector<16xi32>
      %and3A_139 = arith.andi %ne3A_133, %ne3A_138 : vector<16xi1>
      %sub3A_140 = arith.constant 1 : i32
      %sub3A_141 = vector.broadcast %sub3A_140 : i32 to vector<16xi32>
      %sub3A_142 = arith.subi %div3A_115, %sub3A_141 : vector<16xi32>
      %select_n3A_143 = arith.select %and3A_139, %sub3A_142, %div3A_115 : vector<16xi1>, vector<16xi32>
      %convert_element_type3A_144 = arith.sitofp %select_n3A_143 : vector<16xi32> to vector<16xf32>
      %mul3A_145 = arith.constant 0.142857149 : f32
      %mul3A_146 = vector.broadcast %mul3A_145 : f32 to vector<16xf32>
      %mul3A_147 = arith.mulf %convert_element_type3A_144, %mul3A_146 : vector<16xf32>
      %add3A_148 = arith.constant 0.0714285746 : f32
      %add3A_149 = vector.broadcast %add3A_148 : f32 to vector<16xf32>
      %add3A_150 = arith.addf %mul3A_147, %add3A_149 : vector<16xf32>
      %sub3A_151 = arith.subf %gather3A_81, %gather3A_73 : vector<16xf32>
      %mul3A_152 = arith.mulf %add3A_112, %sub3A_151 : vector<16xf32>
      %add3A_153 = arith.addf %gather3A_73, %mul3A_152 : vector<16xf32>
      %mul3A_154 = arith.constant 2.500000e-01 : f32
      %mul3A_155 = vector.broadcast %mul3A_154 : f32 to vector<16xf32>
      %mul3A_156 = arith.mulf %add3A_153, %mul3A_155 : vector<16xf32>
      %sub3A_157 = arith.constant 5.000000e-01 : f32
      %sub3A_158 = vector.broadcast %sub3A_157 : f32 to vector<16xf32>
      %sub3A_159 = arith.subf %mul3A_156, %sub3A_158 : vector<16xf32>
      %sub3A_160 = arith.subf %gather3A_85, %gather3A_77 : vector<16xf32>
      %mul3A_161 = arith.mulf %add3A_150, %sub3A_160 : vector<16xf32>
      %add3A_162 = arith.addf %gather3A_77, %mul3A_161 : vector<16xf32>
      %mul3A_163 = arith.constant 2.500000e-01 : f32
      %mul3A_164 = vector.broadcast %mul3A_163 : f32 to vector<16xf32>
      %mul3A_165 = arith.mulf %add3A_162, %mul3A_164 : vector<16xf32>
      %sub3A_166 = arith.constant 5.000000e-01 : f32
      %sub3A_167 = vector.broadcast %sub3A_166 : f32 to vector<16xf32>
      %sub3A_168 = arith.subf %mul3A_165, %sub3A_167 : vector<16xf32>
      %add3A_169 = arith.constant 1.000000e+00 : f32
      %add3A_170 = vector.broadcast %add3A_169 : f32 to vector<16xf32>
      %add3A_171 = arith.addf %sub3A_159, %add3A_170 : vector<16xf32>
      %convert_element_type3A_172 = arith.fptosi %add3A_171 : vector<16xf32> to vector<16xi32>
      %sub3A_173 = arith.constant 1 : i32
      %sub3A_174 = vector.broadcast %sub3A_173 : i32 to vector<16xi32>
      %sub3A_175 = arith.subi %convert_element_type3A_172, %sub3A_174 : vector<16xi32>
      %add3A_176 = arith.constant 1.000000e+00 : f32
      %add3A_177 = vector.broadcast %add3A_176 : f32 to vector<16xf32>
      %add3A_178 = arith.addf %sub3A_168, %add3A_177 : vector<16xf32>
      %convert_element_type3A_179 = arith.fptosi %add3A_178 : vector<16xf32> to vector<16xi32>
      %sub3A_180 = arith.constant 1 : i32
      %sub3A_181 = vector.broadcast %sub3A_180 : i32 to vector<16xi32>
      %sub3A_182 = arith.subi %convert_element_type3A_179, %sub3A_181 : vector<16xi32>
      %convert_element_type3A_183 = arith.sitofp %sub3A_175 : vector<16xi32> to vector<16xf32>
      %sub3A_184 = arith.subf %sub3A_159, %convert_element_type3A_183 : vector<16xf32>
      %sub3A_185 = arith.constant 1.000000e+00 : f32
      %sub3A_186 = vector.broadcast %sub3A_185 : f32 to vector<16xf32>
      %sub3A_187 = arith.subf %sub3A_186, %sub3A_184 : vector<16xf32>
      %convert_element_type3A_188 = arith.sitofp %sub3A_182 : vector<16xi32> to vector<16xf32>
      %sub3A_189 = arith.subf %sub3A_168, %convert_element_type3A_188 : vector<16xf32>
      %sub3A_190 = arith.constant 1.000000e+00 : f32
      %sub3A_191 = vector.broadcast %sub3A_190 : f32 to vector<16xf32>
      %sub3A_192 = arith.subf %sub3A_191, %sub3A_189 : vector<16xf32>
      %ge3A = arith.constant 0 : i32
      %ge3A_193 = vector.broadcast %ge3A : i32 to vector<16xi32>
      %ge3A_194 = arith.cmpi sge, %sub3A_175, %ge3A_193 : vector<16xi32>
      %jit3A_195 = arith.constant 1.000000e+00 : f32
      %jit3A_196 = arith.constant 0.000000e+00 : f32
      %broadcast_in_dim3A_197 = vector.broadcast %jit3A_195 : f32 to vector<16xf32>
      %broadcast_in_dim3A_198 = vector.broadcast %jit3A_196 : f32 to vector<16xf32>
      %select_n3A_199 = arith.select %ge3A_194, %broadcast_in_dim3A_197, %broadcast_in_dim3A_198 : vector<16xi1>, vector<16xf32>
      %add3A_200 = arith.constant 1 : i32
      %add3A_201 = vector.broadcast %add3A_200 : i32 to vector<16xi32>
      %add3A_202 = arith.addi %sub3A_175, %add3A_201 : vector<16xi32>
      %le3A = arith.constant 127 : i32
      %le3A_203 = vector.broadcast %le3A : i32 to vector<16xi32>
      %le3A_204 = arith.cmpi sle, %add3A_202, %le3A_203 : vector<16xi32>
      %jit3A_205 = arith.constant 1.000000e+00 : f32
      %jit3A_206 = arith.constant 0.000000e+00 : f32
      %broadcast_in_dim3A_207 = vector.broadcast %jit3A_205 : f32 to vector<16xf32>
      %broadcast_in_dim3A_208 = vector.broadcast %jit3A_206 : f32 to vector<16xf32>
      %select_n3A_209 = arith.select %le3A_204, %broadcast_in_dim3A_207, %broadcast_in_dim3A_208 : vector<16xi1>, vector<16xf32>
      %ge3A_210 = arith.constant 0 : i32
      %ge3A_211 = vector.broadcast %ge3A_210 : i32 to vector<16xi32>
      %ge3A_212 = arith.cmpi sge, %sub3A_182, %ge3A_211 : vector<16xi32>
      %jit3A_213 = arith.constant 1.000000e+00 : f32
      %jit3A_214 = arith.constant 0.000000e+00 : f32
      %broadcast_in_dim3A_215 = vector.broadcast %jit3A_213 : f32 to vector<16xf32>
      %broadcast_in_dim3A_216 = vector.broadcast %jit3A_214 : f32 to vector<16xf32>
      %select_n3A_217 = arith.select %ge3A_212, %broadcast_in_dim3A_215, %broadcast_in_dim3A_216 : vector<16xi1>, vector<16xf32>
      %add3A_218 = arith.constant 1 : i32
      %add3A_219 = vector.broadcast %add3A_218 : i32 to vector<16xi32>
      %add3A_220 = arith.addi %sub3A_182, %add3A_219 : vector<16xi32>
      %le3A_221 = arith.constant 127 : i32
      %le3A_222 = vector.broadcast %le3A_221 : i32 to vector<16xi32>
      %le3A_223 = arith.cmpi sle, %add3A_220, %le3A_222 : vector<16xi32>
      %jit3A_224 = arith.constant 1.000000e+00 : f32
      %jit3A_225 = arith.constant 0.000000e+00 : f32
      %broadcast_in_dim3A_226 = vector.broadcast %jit3A_224 : f32 to vector<16xf32>
      %broadcast_in_dim3A_227 = vector.broadcast %jit3A_225 : f32 to vector<16xf32>
      %select_n3A_228 = arith.select %le3A_223, %broadcast_in_dim3A_226, %broadcast_in_dim3A_227 : vector<16xi1>, vector<16xf32>
      %jit3A_229 = arith.constant 0 : i32
      %jit3A_230 = arith.constant 127 : i32
      %max3A = vector.broadcast %jit3A_229 : i32 to vector<16xi32>
      %max3A_231 = arith.maxsi %max3A, %sub3A_175 : vector<16xi32>
      %min3A_232 = vector.broadcast %jit3A_230 : i32 to vector<16xi32>
      %min3A_233 = arith.minsi %min3A_232, %max3A_231 : vector<16xi32>
      %add3A_234 = arith.constant 1 : i32
      %add3A_235 = vector.broadcast %add3A_234 : i32 to vector<16xi32>
      %add3A_236 = arith.addi %sub3A_175, %add3A_235 : vector<16xi32>
      %jit3A_237 = arith.constant 0 : i32
      %jit3A_238 = arith.constant 127 : i32
      %max3A_239 = vector.broadcast %jit3A_237 : i32 to vector<16xi32>
      %max3A_240 = arith.maxsi %max3A_239, %add3A_236 : vector<16xi32>
      %min3A_241 = vector.broadcast %jit3A_238 : i32 to vector<16xi32>
      %min3A_242 = arith.minsi %min3A_241, %max3A_240 : vector<16xi32>
      %jit3A_243 = arith.constant 0 : i32
      %jit3A_244 = arith.constant 127 : i32
      %max3A_245 = vector.broadcast %jit3A_243 : i32 to vector<16xi32>
      %max3A_246 = arith.maxsi %max3A_245, %sub3A_182 : vector<16xi32>
      %min3A_247 = vector.broadcast %jit3A_244 : i32 to vector<16xi32>
      %min3A_248 = arith.minsi %min3A_247, %max3A_246 : vector<16xi32>
      %add3A_249 = arith.constant 1 : i32
      %add3A_250 = vector.broadcast %add3A_249 : i32 to vector<16xi32>
      %add3A_251 = arith.addi %sub3A_182, %add3A_250 : vector<16xi32>
      %jit3A_252 = arith.constant 0 : i32
      %jit3A_253 = arith.constant 127 : i32
      %max3A_254 = vector.broadcast %jit3A_252 : i32 to vector<16xi32>
      %max3A_255 = arith.maxsi %max3A_254, %add3A_251 : vector<16xi32>
      %min3A_256 = vector.broadcast %jit3A_253 : i32 to vector<16xi32>
      %min3A_257 = arith.minsi %min3A_256, %max3A_255 : vector<16xi32>
      %mul3A_258 = arith.constant 16384 : i32
      %mul3A_259 = vector.broadcast %mul3A_258 : i32 to vector<16xi32>
      %mul3A_260 = arith.muli %convert_element_type3A, %mul3A_259 : vector<16xi32>
      %mul3A_261 = arith.constant 128 : i32
      %mul3A_262 = vector.broadcast %mul3A_261 : i32 to vector<16xi32>
      %mul3A_263 = arith.muli %min3A_248, %mul3A_262 : vector<16xi32>
      %add3A_264 = arith.addi %mul3A_260, %mul3A_263 : vector<16xi32>
      %mul3A_265 = arith.constant 128 : i32
      %mul3A_266 = vector.broadcast %mul3A_265 : i32 to vector<16xi32>
      %mul3A_267 = arith.muli %min3A_257, %mul3A_266 : vector<16xi32>
      %add3A_268 = arith.addi %mul3A_260, %mul3A_267 : vector<16xi32>
      %mul3A_269 = arith.constant 4 : i32
      %mul3A_270 = vector.broadcast %mul3A_269 : i32 to vector<16xi32>
      %mul3A_271 = arith.muli %iota3A, %mul3A_270 : vector<16xi32>
      %mul3A_272 = arith.constant 64 : i32
      %mul3A_273 = arith.muli %add3A_32, %mul3A_272 : i32
      %add3A_274 = vector.broadcast %mul3A_273 : i32 to vector<16xi32>
      %add3A_275 = arith.addi %mul3A_271, %add3A_274 : vector<16xi32>
      %add3A_276 = arith.addi %add3A_264, %min3A_233 : vector<16xi32>
      tpu.vector_store_idx %arg6[%add3A_275], %add3A_276 : memref<6144xi32, #tpu.memory_space<vmem>>[vector<16xi32>], vector<16xi32>,
      %add3A_277 = arith.constant 1 : i32
      %add3A_278 = vector.broadcast %add3A_277 : i32 to vector<16xi32>
      %add3A_279 = arith.addi %add3A_275, %add3A_278 : vector<16xi32>
      %add3A_280 = arith.addi %add3A_264, %min3A_242 : vector<16xi32>
      tpu.vector_store_idx %arg6[%add3A_279], %add3A_280 : memref<6144xi32, #tpu.memory_space<vmem>>[vector<16xi32>], vector<16xi32>,
      %add3A_281 = arith.constant 2 : i32
      %add3A_282 = vector.broadcast %add3A_281 : i32 to vector<16xi32>
      %add3A_283 = arith.addi %add3A_275, %add3A_282 : vector<16xi32>
      %add3A_284 = arith.addi %add3A_268, %min3A_233 : vector<16xi32>
      tpu.vector_store_idx %arg6[%add3A_283], %add3A_284 : memref<6144xi32, #tpu.memory_space<vmem>>[vector<16xi32>], vector<16xi32>,
      %add3A_285 = arith.constant 3 : i32
      %add3A_286 = vector.broadcast %add3A_285 : i32 to vector<16xi32>
      %add3A_287 = arith.addi %add3A_275, %add3A_286 : vector<16xi32>
      %add3A_288 = arith.addi %add3A_268, %min3A_242 : vector<16xi32>
      tpu.vector_store_idx %arg6[%add3A_287], %add3A_288 : memref<6144xi32, #tpu.memory_space<vmem>>[vector<16xi32>], vector<16xi32>,
      %mul3A_289 = arith.mulf %sub3A_192, %sub3A_187 : vector<16xf32>
      %mul3A_290 = arith.mulf %mul3A_289, %select_n3A_217 : vector<16xf32>
      %mul3A_291 = arith.mulf %mul3A_290, %select_n3A_199 : vector<16xf32>
      tpu.vector_store_idx %arg7[%add3A_275], %mul3A_291 : memref<6144xf32, #tpu.memory_space<vmem>>[vector<16xi32>], vector<16xf32>,
      %add3A_292 = arith.constant 1 : i32
      %add3A_293 = vector.broadcast %add3A_292 : i32 to vector<16xi32>
      %add3A_294 = arith.addi %add3A_275, %add3A_293 : vector<16xi32>
      %mul3A_295 = arith.mulf %sub3A_192, %sub3A_184 : vector<16xf32>
      %mul3A_296 = arith.mulf %mul3A_295, %select_n3A_217 : vector<16xf32>
      %mul3A_297 = arith.mulf %mul3A_296, %select_n3A_209 : vector<16xf32>
      tpu.vector_store_idx %arg7[%add3A_294], %mul3A_297 : memref<6144xf32, #tpu.memory_space<vmem>>[vector<16xi32>], vector<16xf32>,
      %add3A_298 = arith.constant 2 : i32
      %add3A_299 = vector.broadcast %add3A_298 : i32 to vector<16xi32>
      %add3A_300 = arith.addi %add3A_275, %add3A_299 : vector<16xi32>
      %mul3A_301 = arith.mulf %sub3A_189, %sub3A_187 : vector<16xf32>
      %mul3A_302 = arith.mulf %mul3A_301, %select_n3A_228 : vector<16xf32>
      %mul3A_303 = arith.mulf %mul3A_302, %select_n3A_199 : vector<16xf32>
      tpu.vector_store_idx %arg7[%add3A_300], %mul3A_303 : memref<6144xf32, #tpu.memory_space<vmem>>[vector<16xi32>], vector<16xf32>,
      %add3A_304 = arith.constant 3 : i32
      %add3A_305 = vector.broadcast %add3A_304 : i32 to vector<16xi32>
      %add3A_306 = arith.addi %add3A_275, %add3A_305 : vector<16xi32>
      %mul3A_307 = arith.mulf %sub3A_189, %sub3A_184 : vector<16xf32>
      %mul3A_308 = arith.mulf %mul3A_307, %select_n3A_228 : vector<16xf32>
      %mul3A_309 = arith.mulf %mul3A_308, %select_n3A_209 : vector<16xf32>
      tpu.vector_store_idx %arg7[%add3A_306], %mul3A_309 : memref<6144xf32, #tpu.memory_space<vmem>>[vector<16xi32>], vector<16xf32>,
    }
    %scan3A_7 = arith.constant 96 : i32
    %dma_start3A = arith.constant 0 : i32
    %dma_start3A_8 = tpu.memref_slice %arg6[%dma_start3A] : memref<6144xi32, #tpu.memory_space<vmem>> -> memref<128xi32, #tpu.memory_space<vmem>>
    %dma_start3A_9 = arith.constant 0 : i32
    %dma_start3A_10 = arith.constant 0 : i32
    %dma_start3A_11 = tpu.memref_slice %arg2[%dma_start3A_9, %dma_start3A_10] : memref<32768x256xf32, #tpu.memory_space<hbm>> -> memref<32768x256xf32, #tpu.memory_space<hbm>>
    tpu.enqueue_indirect_dma source(%dma_start3A_11 : memref<32768x256xf32, #tpu.memory_space<hbm>>) target(%arg8 : memref<128x256xf32, #tpu.memory_space<vmem>>) offsets(%dma_start3A_8 : memref<128xi32, #tpu.memory_space<vmem>>) semaphore(%arg12 : memref<!tpu.dma_semaphore, #tpu.memory_space<semaphore_mem>>)
    %scan3A_12 = arith.constant 0 : i32
    %scan3A_13 = arith.constant 24 : i32
    %scan3A_14 = arith.addi %scan3A_12, %scan3A_13 : i32
    %scan3A_15 = arith.constant 1 : i32
    scf.for %scan3A_28 = %scan3A_12 to %scan3A_14 step %scan3A_15  : i32 {
      %mul3A_29 = arith.constant 2 : i32
      %mul3A_30 = arith.muli %scan3A_28, %mul3A_29 : i32
      %add3A_31 = arith.constant 0 : i32
      %add3A_32 = arith.addi %add3A_31, %mul3A_30 : i32
      %ge3A = arith.constant 2 : i32
      %ge3A_33 = arith.cmpi sge, %add3A_32, %ge3A : i32
      %convert_element_type3A = arith.extui %ge3A_33 : i1 to i32
      %cond3A = arith.constant 0 : i32
      %cond3A_34 = arith.cmpi ne, %convert_element_type3A, %cond3A : i32
      scf.if %cond3A_34 {
        %add3A_91 = arith.constant 0 : i32
        %add3A_92 = arith.addi %mul3A_2, %add3A_91 : i32
        %mul3A_93 = arith.constant 256 : i32
        %mul3A_94 = arith.muli %add3A_92, %mul3A_93 : i32
        %dma_wait3A_95 = tpu.memref_slice %arg4[%mul3A_94] : memref<12582912xf32, #tpu.memory_space<hbm>> -> memref<8192xf32, #tpu.memory_space<hbm>>
        %dma_wait3A_96 = tpu.memref_slice %arg4[%mul3A_94] : memref<12582912xf32, #tpu.memory_space<hbm>> -> memref<8192xf32, #tpu.memory_space<hbm>>
        tpu.wait_dma2 semaphore(%arg14 : memref<!tpu.dma_semaphore, #tpu.memory_space<semaphore_mem>>) src(%arg10 : memref<8192xf32, #tpu.memory_space<vmem>>) dst(%dma_wait3A_96 : memref<8192xf32, #tpu.memory_space<hbm>>)
      } else {
      }
      %add3A_35 = arith.constant 1 : i32
      %add3A_36 = arith.addi %add3A_32, %add3A_35 : i32
      %lt3A = arith.constant 48 : i32
      %lt3A_37 = arith.cmpi slt, %add3A_36, %lt3A : i32
      %convert_element_type3A_38 = arith.extui %lt3A_37 : i1 to i32
      %cond3A_39 = arith.constant 0 : i32
      %cond3A_40 = arith.cmpi ne, %convert_element_type3A_38, %cond3A_39 : i32
      scf.if %cond3A_40 {
        %add3A_91 = arith.constant 1 : i32
        %add3A_92 = arith.addi %add3A_32, %add3A_91 : i32
        %mul3A_93 = arith.constant 128 : i32
        %mul3A_94 = arith.muli %add3A_92, %mul3A_93 : i32
        %dma_start3A_95 = tpu.memref_slice %arg6[%mul3A_94] : memref<6144xi32, #tpu.memory_space<vmem>> -> memref<128xi32, #tpu.memory_space<vmem>>
        %dma_start3A_96 = arith.constant 0 : i32
        %dma_start3A_97 = arith.constant 0 : i32
        %dma_start3A_98 = tpu.memref_slice %arg2[%dma_start3A_96, %dma_start3A_97] : memref<32768x256xf32, #tpu.memory_space<hbm>> -> memref<32768x256xf32, #tpu.memory_space<hbm>>
        tpu.enqueue_indirect_dma source(%dma_start3A_98 : memref<32768x256xf32, #tpu.memory_space<hbm>>) target(%arg9 : memref<128x256xf32, #tpu.memory_space<vmem>>) offsets(%dma_start3A_95 : memref<128xi32, #tpu.memory_space<vmem>>) semaphore(%arg13 : memref<!tpu.dma_semaphore, #tpu.memory_space<semaphore_mem>>)
      } else {
      }
      %mul3A_41 = arith.constant 128 : i32
      %mul3A_42 = arith.muli %add3A_32, %mul3A_41 : i32
      %dma_wait3A_43 = tpu.memref_slice %arg6[%mul3A_42] : memref<6144xi32, #tpu.memory_space<vmem>> -> memref<128xi32, #tpu.memory_space<vmem>>
      %dma_wait3A_44 = arith.constant 0 : i32
      %dma_wait3A_45 = arith.constant 0 : i32
      %dma_wait3A_46 = tpu.memref_slice %arg2[%dma_wait3A_44, %dma_wait3A_45] : memref<32768x256xf32, #tpu.memory_space<hbm>> -> memref<32768x256xf32, #tpu.memory_space<hbm>>
      tpu.wait_indirect_dma semaphore(%arg12 : memref<!tpu.dma_semaphore, #tpu.memory_space<semaphore_mem>>) src(%dma_wait3A_46 : memref<32768x256xf32, #tpu.memory_space<hbm>>) dst(%arg8 : memref<128x256xf32, #tpu.memory_space<vmem>>)
      %scan3A_47 = arith.constant 0 : i32
      %scan3A_48 = arith.constant 32 : i32
      %scan3A_49 = arith.addi %scan3A_47, %scan3A_48 : i32
      %scan3A_50 = arith.constant 1 : i32
      scf.for %scan3A_91 = %scan3A_47 to %scan3A_49 step %scan3A_50  : i32 {
        %mul3A_92 = arith.constant 1 : i32
        %mul3A_93 = arith.muli %scan3A_91, %mul3A_92 : i32
        %add3A_94 = arith.constant 0 : i32
        %add3A_95 = arith.addi %add3A_94, %mul3A_93 : i32
        %mul3A_96 = arith.constant 128 : i32
        %mul3A_97 = arith.muli %add3A_32, %mul3A_96 : i32
        %mul3A_98 = arith.constant 4 : i32
        %mul3A_99 = arith.muli %add3A_95, %mul3A_98 : i32
        %add3A_100 = arith.addi %mul3A_97, %mul3A_99 : i32
        %add3A_101 = vector.broadcast %add3A_100 : i32 to vector<16xi32>
        %add3A_102 = arith.addi %broadcast_in_dim3A_3, %add3A_101 : vector<16xi32>
        %gather3A = tpu.vector_load_idx %arg7[%add3A_102] : memref<6144xf32, #tpu.memory_space<vmem>>[vector<16xi32>], vector<16xf32>,
        %add3A_103 = arith.constant 1 : i32
        %add3A_104 = arith.addi %add3A_100, %add3A_103 : i32
        %add3A_105 = vector.broadcast %add3A_104 : i32 to vector<16xi32>
        %add3A_106 = arith.addi %broadcast_in_dim3A_3, %add3A_105 : vector<16xi32>
        %gather3A_107 = tpu.vector_load_idx %arg7[%add3A_106] : memref<6144xf32, #tpu.memory_space<vmem>>[vector<16xi32>], vector<16xf32>,
        %add3A_108 = arith.constant 2 : i32
        %add3A_109 = arith.addi %add3A_100, %add3A_108 : i32
        %add3A_110 = vector.broadcast %add3A_109 : i32 to vector<16xi32>
        %add3A_111 = arith.addi %broadcast_in_dim3A_3, %add3A_110 : vector<16xi32>
        %gather3A_112 = tpu.vector_load_idx %arg7[%add3A_111] : memref<6144xf32, #tpu.memory_space<vmem>>[vector<16xi32>], vector<16xf32>,
        %add3A_113 = arith.constant 3 : i32
        %add3A_114 = arith.addi %add3A_100, %add3A_113 : i32
        %add3A_115 = vector.broadcast %add3A_114 : i32 to vector<16xi32>
        %add3A_116 = arith.addi %broadcast_in_dim3A_3, %add3A_115 : vector<16xi32>
        %gather3A_117 = tpu.vector_load_idx %arg7[%add3A_116] : memref<6144xf32, #tpu.memory_space<vmem>>[vector<16xi32>], vector<16xf32>,
        %mul3A_118 = arith.constant 4 : i32
        %mul3A_119 = arith.muli %add3A_95, %mul3A_118 : i32
        %get3A = arith.index_cast %mul3A_119 : i32 to index
        %get3A_120 = arith.constant 0 : index
        %get3A_121 = tpu.vector_load %arg8[%get3A, %get3A_120] {strides = array<i32>} : memref<128x256xf32, #tpu.memory_space<vmem>>, vector<16xf32>,
        %mul3A_122 = arith.mulf %get3A_121, %gather3A : vector<16xf32>
        %add3A_123 = arith.constant 1 : i32
        %add3A_124 = arith.addi %mul3A_119, %add3A_123 : i32
        %get3A_125 = arith.index_cast %add3A_124 : i32 to index
        %get3A_126 = arith.constant 0 : index
        %get3A_127 = tpu.vector_load %arg8[%get3A_125, %get3A_126] {strides = array<i32>} : memref<128x256xf32, #tpu.memory_space<vmem>>, vector<16xf32>,
        %mul3A_128 = arith.mulf %get3A_127, %gather3A_107 : vector<16xf32>
        %add3A_129 = arith.constant 2 : i32
        %add3A_130 = arith.addi %mul3A_119, %add3A_129 : i32
        %get3A_131 = arith.index_cast %add3A_130 : i32 to index
        %get3A_132 = arith.constant 0 : index
        %get3A_133 = tpu.vector_load %arg8[%get3A_131, %get3A_132] {strides = array<i32>} : memref<128x256xf32, #tpu.memory_space<vmem>>, vector<16xf32>,
        %mul3A_134 = arith.mulf %get3A_133, %gather3A_112 : vector<16xf32>
        %add3A_135 = arith.constant 3 : i32
        %add3A_136 = arith.addi %mul3A_119, %add3A_135 : i32
        %get3A_137 = arith.index_cast %add3A_136 : i32 to index
        %get3A_138 = arith.constant 0 : index
        %get3A_139 = tpu.vector_load %arg8[%get3A_137, %get3A_138] {strides = array<i32>} : memref<128x256xf32, #tpu.memory_space<vmem>>, vector<16xf32>,
        %mul3A_140 = arith.mulf %get3A_139, %gather3A_117 : vector<16xf32>
        %add3A_141 = arith.addf %mul3A_122, %mul3A_128 : vector<16xf32>
        %add3A_142 = arith.addf %mul3A_134, %mul3A_140 : vector<16xf32>
        %add3A_143 = arith.addf %add3A_141, %add3A_142 : vector<16xf32>
        %get3A_144 = arith.index_cast %mul3A_119 : i32 to index
        %get3A_145 = arith.constant 16 : index
        %get3A_146 = tpu.vector_load %arg8[%get3A_144, %get3A_145] {strides = array<i32>} : memref<128x256xf32, #tpu.memory_space<vmem>>, vector<16xf32>,
        %mul3A_147 = arith.mulf %get3A_146, %gather3A : vector<16xf32>
        %add3A_148 = arith.constant 1 : i32
        %add3A_149 = arith.addi %mul3A_119, %add3A_148 : i32
        %get3A_150 = arith.index_cast %add3A_149 : i32 to index
        %get3A_151 = arith.constant 16 : index
        %get3A_152 = tpu.vector_load %arg8[%get3A_150, %get3A_151] {strides = array<i32>} : memref<128x256xf32, #tpu.memory_space<vmem>>, vector<16xf32>,
        %mul3A_153 = arith.mulf %get3A_152, %gather3A_107 : vector<16xf32>
        %add3A_154 = arith.constant 2 : i32
        %add3A_155 = arith.addi %mul3A_119, %add3A_154 : i32
        %get3A_156 = arith.index_cast %add3A_155 : i32 to index
        %get3A_157 = arith.constant 16 : index
        %get3A_158 = tpu.vector_load %arg8[%get3A_156, %get3A_157] {strides = array<i32>} : memref<128x256xf32, #tpu.memory_space<vmem>>, vector<16xf32>,
        %mul3A_159 = arith.mulf %get3A_158, %gather3A_112 : vector<16xf32>
        %add3A_160 = arith.constant 3 : i32
        %add3A_161 = arith.addi %mul3A_119, %add3A_160 : i32
        %get3A_162 = arith.index_cast %add3A_161 : i32 to index
        %get3A_163 = arith.constant 16 : index
        %get3A_164 = tpu.vector_load %arg8[%get3A_162, %get3A_163] {strides = array<i32>} : memref<128x256xf32, #tpu.memory_space<vmem>>, vector<16xf32>,
        %mul3A_165 = arith.mulf %get3A_164, %gather3A_117 : vector<16xf32>
        %add3A_166 = arith.addf %mul3A_147, %mul3A_153 : vector<16xf32>
        %add3A_167 = arith.addf %mul3A_159, %mul3A_165 : vector<16xf32>
        %add3A_168 = arith.addf %add3A_166, %add3A_167 : vector<16xf32>
        %get3A_169 = arith.index_cast %mul3A_119 : i32 to index
        %get3A_170 = arith.constant 32 : index
        %get3A_171 = tpu.vector_load %arg8[%get3A_169, %get3A_170] {strides = array<i32>} : memref<128x256xf32, #tpu.memory_space<vmem>>, vector<16xf32>,
        %mul3A_172 = arith.mulf %get3A_171, %gather3A : vector<16xf32>
        %add3A_173 = arith.constant 1 : i32
        %add3A_174 = arith.addi %mul3A_119, %add3A_173 : i32
        %get3A_175 = arith.index_cast %add3A_174 : i32 to index
        %get3A_176 = arith.constant 32 : index
        %get3A_177 = tpu.vector_load %arg8[%get3A_175, %get3A_176] {strides = array<i32>} : memref<128x256xf32, #tpu.memory_space<vmem>>, vector<16xf32>,
        %mul3A_178 = arith.mulf %get3A_177, %gather3A_107 : vector<16xf32>
        %add3A_179 = arith.constant 2 : i32
        %add3A_180 = arith.addi %mul3A_119, %add3A_179 : i32
        %get3A_181 = arith.index_cast %add3A_180 : i32 to index
        %get3A_182 = arith.constant 32 : index
        %get3A_183 = tpu.vector_load %arg8[%get3A_181, %get3A_182] {strides = array<i32>} : memref<128x256xf32, #tpu.memory_space<vmem>>, vector<16xf32>,
        %mul3A_184 = arith.mulf %get3A_183, %gather3A_112 : vector<16xf32>
        %add3A_185 = arith.constant 3 : i32
        %add3A_186 = arith.addi %mul3A_119, %add3A_185 : i32
        %get3A_187 = arith.index_cast %add3A_186 : i32 to index
        %get3A_188 = arith.constant 32 : index
        %get3A_189 = tpu.vector_load %arg8[%get3A_187, %get3A_188] {strides = array<i32>} : memref<128x256xf32, #tpu.memory_space<vmem>>, vector<16xf32>,
        %mul3A_190 = arith.mulf %get3A_189, %gather3A_117 : vector<16xf32>
        %add3A_191 = arith.addf %mul3A_172, %mul3A_178 : vector<16xf32>
        %add3A_192 = arith.addf %mul3A_184, %mul3A_190 : vector<16xf32>
        %add3A_193 = arith.addf %add3A_191, %add3A_192 : vector<16xf32>
        %get3A_194 = arith.index_cast %mul3A_119 : i32 to index
        %get3A_195 = arith.constant 48 : index
        %get3A_196 = tpu.vector_load %arg8[%get3A_194, %get3A_195] {strides = array<i32>} : memref<128x256xf32, #tpu.memory_space<vmem>>, vector<16xf32>,
        %mul3A_197 = arith.mulf %get3A_196, %gather3A : vector<16xf32>
        %add3A_198 = arith.constant 1 : i32
        %add3A_199 = arith.addi %mul3A_119, %add3A_198 : i32
        %get3A_200 = arith.index_cast %add3A_199 : i32 to index
        %get3A_201 = arith.constant 48 : index
        %get3A_202 = tpu.vector_load %arg8[%get3A_200, %get3A_201] {strides = array<i32>} : memref<128x256xf32, #tpu.memory_space<vmem>>, vector<16xf32>,
        %mul3A_203 = arith.mulf %get3A_202, %gather3A_107 : vector<16xf32>
        %add3A_204 = arith.constant 2 : i32
        %add3A_205 = arith.addi %mul3A_119, %add3A_204 : i32
        %get3A_206 = arith.index_cast %add3A_205 : i32 to index
        %get3A_207 = arith.constant 48 : index
        %get3A_208 = tpu.vector_load %arg8[%get3A_206, %get3A_207] {strides = array<i32>} : memref<128x256xf32, #tpu.memory_space<vmem>>, vector<16xf32>,
        %mul3A_209 = arith.mulf %get3A_208, %gather3A_112 : vector<16xf32>
        %add3A_210 = arith.constant 3 : i32
        %add3A_211 = arith.addi %mul3A_119, %add3A_210 : i32
        %get3A_212 = arith.index_cast %add3A_211 : i32 to index
        %get3A_213 = arith.constant 48 : index
        %get3A_214 = tpu.vector_load %arg8[%get3A_212, %get3A_213] {strides = array<i32>} : memref<128x256xf32, #tpu.memory_space<vmem>>, vector<16xf32>,
        %mul3A_215 = arith.mulf %get3A_214, %gather3A_117 : vector<16xf32>
        %add3A_216 = arith.addf %mul3A_197, %mul3A_203 : vector<16xf32>
        %add3A_217 = arith.addf %mul3A_209, %mul3A_215 : vector<16xf32>
        %add3A_218 = arith.addf %add3A_216, %add3A_217 : vector<16xf32>
        %mul3A_219 = arith.constant 256 : i32
        %mul3A_220 = arith.muli %add3A_95, %mul3A_219 : i32
        %add3A_221 = arith.constant 0 : i32
        %add3A_222 = arith.addi %mul3A_220, %add3A_221 : i32
        %swap3A = arith.index_cast %add3A_222 : i32 to index
        %swap3A_223 = tpu.vector_load %arg10[%swap3A] {strides = array<i32>} : memref<8192xf32, #tpu.memory_space<vmem>>, vector<16xf32>,
        tpu.vector_store %arg10[%swap3A], %add3A_143 {strides = array<i32>} : memref<8192xf32, #tpu.memory_space<vmem>>, vector<16xf32>,
        %mul3A_224 = arith.constant 256 : i32
        %mul3A_225 = arith.muli %add3A_95, %mul3A_224 : i32
        %add3A_226 = arith.constant 16 : i32
        %add3A_227 = arith.addi %mul3A_225, %add3A_226 : i32
        %swap3A_228 = arith.index_cast %add3A_227 : i32 to index
        %swap3A_229 = tpu.vector_load %arg10[%swap3A_228] {strides = array<i32>} : memref<8192xf32, #tpu.memory_space<vmem>>, vector<16xf32>,
        tpu.vector_store %arg10[%swap3A_228], %add3A_168 {strides = array<i32>} : memref<8192xf32, #tpu.memory_space<vmem>>, vector<16xf32>,
        %mul3A_230 = arith.constant 256 : i32
        %mul3A_231 = arith.muli %add3A_95, %mul3A_230 : i32
        %add3A_232 = arith.constant 32 : i32
        %add3A_233 = arith.addi %mul3A_231, %add3A_232 : i32
        %swap3A_234 = arith.index_cast %add3A_233 : i32 to index
        %swap3A_235 = tpu.vector_load %arg10[%swap3A_234] {strides = array<i32>} : memref<8192xf32, #tpu.memory_space<vmem>>, vector<16xf32>,
        tpu.vector_store %arg10[%swap3A_234], %add3A_193 {strides = array<i32>} : memref<8192xf32, #tpu.memory_space<vmem>>, vector<16xf32>,
        %mul3A_236 = arith.constant 256 : i32
        %mul3A_237 = arith.muli %add3A_95, %mul3A_236 : i32
        %add3A_238 = arith.constant 48 : i32
        %add3A_239 = arith.addi %mul3A_237, %add3A_238 : i32
        %swap3A_240 = arith.index_cast %add3A_239 : i32 to index
        %swap3A_241 = tpu.vector_load %arg10[%swap3A_240] {strides = array<i32>} : memref<8192xf32, #tpu.memory_space<vmem>>, vector<16xf32>,
        tpu.vector_store %arg10[%swap3A_240], %add3A_218 {strides = array<i32>} : memref<8192xf32, #tpu.memory_space<vmem>>, vector<16xf32>,
        %get3A_242 = arith.index_cast %mul3A_119 : i32 to index
        %get3A_243 = arith.constant 64 : index
        %get3A_244 = tpu.vector_load %arg8[%get3A_242, %get3A_243] {strides = array<i32>} : memref<128x256xf32, #tpu.memory_space<vmem>>, vector<16xf32>,
        %mul3A_245 = arith.mulf %get3A_244, %gather3A : vector<16xf32>
        %add3A_246 = arith.constant 1 : i32
        %add3A_247 = arith.addi %mul3A_119, %add3A_246 : i32
        %get3A_248 = arith.index_cast %add3A_247 : i32 to index
        %get3A_249 = arith.constant 64 : index
        %get3A_250 = tpu.vector_load %arg8[%get3A_248, %get3A_249] {strides = array<i32>} : memref<128x256xf32, #tpu.memory_space<vmem>>, vector<16xf32>,
        %mul3A_251 = arith.mulf %get3A_250, %gather3A_107 : vector<16xf32>
        %add3A_252 = arith.constant 2 : i32
        %add3A_253 = arith.addi %mul3A_119, %add3A_252 : i32
        %get3A_254 = arith.index_cast %add3A_253 : i32 to index
        %get3A_255 = arith.constant 64 : index
        %get3A_256 = tpu.vector_load %arg8[%get3A_254, %get3A_255] {strides = array<i32>} : memref<128x256xf32, #tpu.memory_space<vmem>>, vector<16xf32>,
        %mul3A_257 = arith.mulf %get3A_256, %gather3A_112 : vector<16xf32>
        %add3A_258 = arith.constant 3 : i32
        %add3A_259 = arith.addi %mul3A_119, %add3A_258 : i32
        %get3A_260 = arith.index_cast %add3A_259 : i32 to index
        %get3A_261 = arith.constant 64 : index
        %get3A_262 = tpu.vector_load %arg8[%get3A_260, %get3A_261] {strides = array<i32>} : memref<128x256xf32, #tpu.memory_space<vmem>>, vector<16xf32>,
        %mul3A_263 = arith.mulf %get3A_262, %gather3A_117 : vector<16xf32>
        %add3A_264 = arith.addf %mul3A_245, %mul3A_251 : vector<16xf32>
        %add3A_265 = arith.addf %mul3A_257, %mul3A_263 : vector<16xf32>
        %add3A_266 = arith.addf %add3A_264, %add3A_265 : vector<16xf32>
        %get3A_267 = arith.index_cast %mul3A_119 : i32 to index
        %get3A_268 = arith.constant 80 : index
        %get3A_269 = tpu.vector_load %arg8[%get3A_267, %get3A_268] {strides = array<i32>} : memref<128x256xf32, #tpu.memory_space<vmem>>, vector<16xf32>,
        %mul3A_270 = arith.mulf %get3A_269, %gather3A : vector<16xf32>
        %add3A_271 = arith.constant 1 : i32
        %add3A_272 = arith.addi %mul3A_119, %add3A_271 : i32
        %get3A_273 = arith.index_cast %add3A_272 : i32 to index
        %get3A_274 = arith.constant 80 : index
        %get3A_275 = tpu.vector_load %arg8[%get3A_273, %get3A_274] {strides = array<i32>} : memref<128x256xf32, #tpu.memory_space<vmem>>, vector<16xf32>,
        %mul3A_276 = arith.mulf %get3A_275, %gather3A_107 : vector<16xf32>
        %add3A_277 = arith.constant 2 : i32
        %add3A_278 = arith.addi %mul3A_119, %add3A_277 : i32
        %get3A_279 = arith.index_cast %add3A_278 : i32 to index
        %get3A_280 = arith.constant 80 : index
        %get3A_281 = tpu.vector_load %arg8[%get3A_279, %get3A_280] {strides = array<i32>} : memref<128x256xf32, #tpu.memory_space<vmem>>, vector<16xf32>,
        %mul3A_282 = arith.mulf %get3A_281, %gather3A_112 : vector<16xf32>
        %add3A_283 = arith.constant 3 : i32
        %add3A_284 = arith.addi %mul3A_119, %add3A_283 : i32
        %get3A_285 = arith.index_cast %add3A_284 : i32 to index
        %get3A_286 = arith.constant 80 : index
        %get3A_287 = tpu.vector_load %arg8[%get3A_285, %get3A_286] {strides = array<i32>} : memref<128x256xf32, #tpu.memory_space<vmem>>, vector<16xf32>,
        %mul3A_288 = arith.mulf %get3A_287, %gather3A_117 : vector<16xf32>
        %add3A_289 = arith.addf %mul3A_270, %mul3A_276 : vector<16xf32>
        %add3A_290 = arith.addf %mul3A_282, %mul3A_288 : vector<16xf32>
        %add3A_291 = arith.addf %add3A_289, %add3A_290 : vector<16xf32>
        %get3A_292 = arith.index_cast %mul3A_119 : i32 to index
        %get3A_293 = arith.constant 96 : index
        %get3A_294 = tpu.vector_load %arg8[%get3A_292, %get3A_293] {strides = array<i32>} : memref<128x256xf32, #tpu.memory_space<vmem>>, vector<16xf32>,
        %mul3A_295 = arith.mulf %get3A_294, %gather3A : vector<16xf32>
        %add3A_296 = arith.constant 1 : i32
        %add3A_297 = arith.addi %mul3A_119, %add3A_296 : i32
        %get3A_298 = arith.index_cast %add3A_297 : i32 to index
        %get3A_299 = arith.constant 96 : index
        %get3A_300 = tpu.vector_load %arg8[%get3A_298, %get3A_299] {strides = array<i32>} : memref<128x256xf32, #tpu.memory_space<vmem>>, vector<16xf32>,
        %mul3A_301 = arith.mulf %get3A_300, %gather3A_107 : vector<16xf32>
        %add3A_302 = arith.constant 2 : i32
        %add3A_303 = arith.addi %mul3A_119, %add3A_302 : i32
        %get3A_304 = arith.index_cast %add3A_303 : i32 to index
        %get3A_305 = arith.constant 96 : index
        %get3A_306 = tpu.vector_load %arg8[%get3A_304, %get3A_305] {strides = array<i32>} : memref<128x256xf32, #tpu.memory_space<vmem>>, vector<16xf32>,
        %mul3A_307 = arith.mulf %get3A_306, %gather3A_112 : vector<16xf32>
        %add3A_308 = arith.constant 3 : i32
        %add3A_309 = arith.addi %mul3A_119, %add3A_308 : i32
        %get3A_310 = arith.index_cast %add3A_309 : i32 to index
        %get3A_311 = arith.constant 96 : index
        %get3A_312 = tpu.vector_load %arg8[%get3A_310, %get3A_311] {strides = array<i32>} : memref<128x256xf32, #tpu.memory_space<vmem>>, vector<16xf32>,
        %mul3A_313 = arith.mulf %get3A_312, %gather3A_117 : vector<16xf32>
        %add3A_314 = arith.addf %mul3A_295, %mul3A_301 : vector<16xf32>
        %add3A_315 = arith.addf %mul3A_307, %mul3A_313 : vector<16xf32>
        %add3A_316 = arith.addf %add3A_314, %add3A_315 : vector<16xf32>
        %get3A_317 = arith.index_cast %mul3A_119 : i32 to index
        %get3A_318 = arith.constant 112 : index
        %get3A_319 = tpu.vector_load %arg8[%get3A_317, %get3A_318] {strides = array<i32>} : memref<128x256xf32, #tpu.memory_space<vmem>>, vector<16xf32>,
        %mul3A_320 = arith.mulf %get3A_319, %gather3A : vector<16xf32>
        %add3A_321 = arith.constant 1 : i32
        %add3A_322 = arith.addi %mul3A_119, %add3A_321 : i32
        %get3A_323 = arith.index_cast %add3A_322 : i32 to index
        %get3A_324 = arith.constant 112 : index
        %get3A_325 = tpu.vector_load %arg8[%get3A_323, %get3A_324] {strides = array<i32>} : memref<128x256xf32, #tpu.memory_space<vmem>>, vector<16xf32>,
        %mul3A_326 = arith.mulf %get3A_325, %gather3A_107 : vector<16xf32>
        %add3A_327 = arith.constant 2 : i32
        %add3A_328 = arith.addi %mul3A_119, %add3A_327 : i32
        %get3A_329 = arith.index_cast %add3A_328 : i32 to index
        %get3A_330 = arith.constant 112 : index
        %get3A_331 = tpu.vector_load %arg8[%get3A_329, %get3A_330] {strides = array<i32>} : memref<128x256xf32, #tpu.memory_space<vmem>>, vector<16xf32>,
        %mul3A_332 = arith.mulf %get3A_331, %gather3A_112 : vector<16xf32>
        %add3A_333 = arith.constant 3 : i32
        %add3A_334 = arith.addi %mul3A_119, %add3A_333 : i32
        %get3A_335 = arith.index_cast %add3A_334 : i32 to index
        %get3A_336 = arith.constant 112 : index
        %get3A_337 = tpu.vector_load %arg8[%get3A_335, %get3A_336] {strides = array<i32>} : memref<128x256xf32, #tpu.memory_space<vmem>>, vector<16xf32>,
        %mul3A_338 = arith.mulf %get3A_337, %gather3A_117 : vector<16xf32>
        %add3A_339 = arith.addf %mul3A_320, %mul3A_326 : vector<16xf32>
        %add3A_340 = arith.addf %mul3A_332, %mul3A_338 : vector<16xf32>
        %add3A_341 = arith.addf %add3A_339, %add3A_340 : vector<16xf32>
        %mul3A_342 = arith.constant 256 : i32
        %mul3A_343 = arith.muli %add3A_95, %mul3A_342 : i32
        %add3A_344 = arith.constant 64 : i32
        %add3A_345 = arith.addi %mul3A_343, %add3A_344 : i32
        %swap3A_346 = arith.index_cast %add3A_345 : i32 to index
        %swap3A_347 = tpu.vector_load %arg10[%swap3A_346] {strides = array<i32>} : memref<8192xf32, #tpu.memory_space<vmem>>, vector<16xf32>,
        tpu.vector_store %arg10[%swap3A_346], %add3A_266 {strides = array<i32>} : memref<8192xf32, #tpu.memory_space<vmem>>, vector<16xf32>,
        %mul3A_348 = arith.constant 256 : i32
        %mul3A_349 = arith.muli %add3A_95, %mul3A_348 : i32
        %add3A_350 = arith.constant 80 : i32
        %add3A_351 = arith.addi %mul3A_349, %add3A_350 : i32
        %swap3A_352 = arith.index_cast %add3A_351 : i32 to index
        %swap3A_353 = tpu.vector_load %arg10[%swap3A_352] {strides = array<i32>} : memref<8192xf32, #tpu.memory_space<vmem>>, vector<16xf32>,
        tpu.vector_store %arg10[%swap3A_352], %add3A_291 {strides = array<i32>} : memref<8192xf32, #tpu.memory_space<vmem>>, vector<16xf32>,
        %mul3A_354 = arith.constant 256 : i32
        %mul3A_355 = arith.muli %add3A_95, %mul3A_354 : i32
        %add3A_356 = arith.constant 96 : i32
        %add3A_357 = arith.addi %mul3A_355, %add3A_356 : i32
        %swap3A_358 = arith.index_cast %add3A_357 : i32 to index
        %swap3A_359 = tpu.vector_load %arg10[%swap3A_358] {strides = array<i32>} : memref<8192xf32, #tpu.memory_space<vmem>>, vector<16xf32>,
        tpu.vector_store %arg10[%swap3A_358], %add3A_316 {strides = array<i32>} : memref<8192xf32, #tpu.memory_space<vmem>>, vector<16xf32>,
        %mul3A_360 = arith.constant 256 : i32
        %mul3A_361 = arith.muli %add3A_95, %mul3A_360 : i32
        %add3A_362 = arith.constant 112 : i32
        %add3A_363 = arith.addi %mul3A_361, %add3A_362 : i32
        %swap3A_364 = arith.index_cast %add3A_363 : i32 to index
        %swap3A_365 = tpu.vector_load %arg10[%swap3A_364] {strides = array<i32>} : memref<8192xf32, #tpu.memory_space<vmem>>, vector<16xf32>,
        tpu.vector_store %arg10[%swap3A_364], %add3A_341 {strides = array<i32>} : memref<8192xf32, #tpu.memory_space<vmem>>, vector<16xf32>,
        %get3A_366 = arith.index_cast %mul3A_119 : i32 to index
        %get3A_367 = arith.constant 128 : index
        %get3A_368 = tpu.vector_load %arg8[%get3A_366, %get3A_367] {strides = array<i32>} : memref<128x256xf32, #tpu.memory_space<vmem>>, vector<16xf32>,
        %mul3A_369 = arith.mulf %get3A_368, %gather3A : vector<16xf32>
        %add3A_370 = arith.constant 1 : i32
        %add3A_371 = arith.addi %mul3A_119, %add3A_370 : i32
        %get3A_372 = arith.index_cast %add3A_371 : i32 to index
        %get3A_373 = arith.constant 128 : index
        %get3A_374 = tpu.vector_load %arg8[%get3A_372, %get3A_373] {strides = array<i32>} : memref<128x256xf32, #tpu.memory_space<vmem>>, vector<16xf32>,
        %mul3A_375 = arith.mulf %get3A_374, %gather3A_107 : vector<16xf32>
        %add3A_376 = arith.constant 2 : i32
        %add3A_377 = arith.addi %mul3A_119, %add3A_376 : i32
        %get3A_378 = arith.index_cast %add3A_377 : i32 to index
        %get3A_379 = arith.constant 128 : index
        %get3A_380 = tpu.vector_load %arg8[%get3A_378, %get3A_379] {strides = array<i32>} : memref<128x256xf32, #tpu.memory_space<vmem>>, vector<16xf32>,
        %mul3A_381 = arith.mulf %get3A_380, %gather3A_112 : vector<16xf32>
        %add3A_382 = arith.constant 3 : i32
        %add3A_383 = arith.addi %mul3A_119, %add3A_382 : i32
        %get3A_384 = arith.index_cast %add3A_383 : i32 to index
        %get3A_385 = arith.constant 128 : index
        %get3A_386 = tpu.vector_load %arg8[%get3A_384, %get3A_385] {strides = array<i32>} : memref<128x256xf32, #tpu.memory_space<vmem>>, vector<16xf32>,
        %mul3A_387 = arith.mulf %get3A_386, %gather3A_117 : vector<16xf32>
        %add3A_388 = arith.addf %mul3A_369, %mul3A_375 : vector<16xf32>
        %add3A_389 = arith.addf %mul3A_381, %mul3A_387 : vector<16xf32>
        %add3A_390 = arith.addf %add3A_388, %add3A_389 : vector<16xf32>
        %get3A_391 = arith.index_cast %mul3A_119 : i32 to index
        %get3A_392 = arith.constant 144 : index
        %get3A_393 = tpu.vector_load %arg8[%get3A_391, %get3A_392] {strides = array<i32>} : memref<128x256xf32, #tpu.memory_space<vmem>>, vector<16xf32>,
        %mul3A_394 = arith.mulf %get3A_393, %gather3A : vector<16xf32>
        %add3A_395 = arith.constant 1 : i32
        %add3A_396 = arith.addi %mul3A_119, %add3A_395 : i32
        %get3A_397 = arith.index_cast %add3A_396 : i32 to index
        %get3A_398 = arith.constant 144 : index
        %get3A_399 = tpu.vector_load %arg8[%get3A_397, %get3A_398] {strides = array<i32>} : memref<128x256xf32, #tpu.memory_space<vmem>>, vector<16xf32>,
        %mul3A_400 = arith.mulf %get3A_399, %gather3A_107 : vector<16xf32>
        %add3A_401 = arith.constant 2 : i32
        %add3A_402 = arith.addi %mul3A_119, %add3A_401 : i32
        %get3A_403 = arith.index_cast %add3A_402 : i32 to index
        %get3A_404 = arith.constant 144 : index
        %get3A_405 = tpu.vector_load %arg8[%get3A_403, %get3A_404] {strides = array<i32>} : memref<128x256xf32, #tpu.memory_space<vmem>>, vector<16xf32>,
        %mul3A_406 = arith.mulf %get3A_405, %gather3A_112 : vector<16xf32>
        %add3A_407 = arith.constant 3 : i32
        %add3A_408 = arith.addi %mul3A_119, %add3A_407 : i32
        %get3A_409 = arith.index_cast %add3A_408 : i32 to index
        %get3A_410 = arith.constant 144 : index
        %get3A_411 = tpu.vector_load %arg8[%get3A_409, %get3A_410] {strides = array<i32>} : memref<128x256xf32, #tpu.memory_space<vmem>>, vector<16xf32>,
        %mul3A_412 = arith.mulf %get3A_411, %gather3A_117 : vector<16xf32>
        %add3A_413 = arith.addf %mul3A_394, %mul3A_400 : vector<16xf32>
        %add3A_414 = arith.addf %mul3A_406, %mul3A_412 : vector<16xf32>
        %add3A_415 = arith.addf %add3A_413, %add3A_414 : vector<16xf32>
        %get3A_416 = arith.index_cast %mul3A_119 : i32 to index
        %get3A_417 = arith.constant 160 : index
        %get3A_418 = tpu.vector_load %arg8[%get3A_416, %get3A_417] {strides = array<i32>} : memref<128x256xf32, #tpu.memory_space<vmem>>, vector<16xf32>,
        %mul3A_419 = arith.mulf %get3A_418, %gather3A : vector<16xf32>
        %add3A_420 = arith.constant 1 : i32
        %add3A_421 = arith.addi %mul3A_119, %add3A_420 : i32
        %get3A_422 = arith.index_cast %add3A_421 : i32 to index
        %get3A_423 = arith.constant 160 : index
        %get3A_424 = tpu.vector_load %arg8[%get3A_422, %get3A_423] {strides = array<i32>} : memref<128x256xf32, #tpu.memory_space<vmem>>, vector<16xf32>,
        %mul3A_425 = arith.mulf %get3A_424, %gather3A_107 : vector<16xf32>
        %add3A_426 = arith.constant 2 : i32
        %add3A_427 = arith.addi %mul3A_119, %add3A_426 : i32
        %get3A_428 = arith.index_cast %add3A_427 : i32 to index
        %get3A_429 = arith.constant 160 : index
        %get3A_430 = tpu.vector_load %arg8[%get3A_428, %get3A_429] {strides = array<i32>} : memref<128x256xf32, #tpu.memory_space<vmem>>, vector<16xf32>,
        %mul3A_431 = arith.mulf %get3A_430, %gather3A_112 : vector<16xf32>
        %add3A_432 = arith.constant 3 : i32
        %add3A_433 = arith.addi %mul3A_119, %add3A_432 : i32
        %get3A_434 = arith.index_cast %add3A_433 : i32 to index
        %get3A_435 = arith.constant 160 : index
        %get3A_436 = tpu.vector_load %arg8[%get3A_434, %get3A_435] {strides = array<i32>} : memref<128x256xf32, #tpu.memory_space<vmem>>, vector<16xf32>,
        %mul3A_437 = arith.mulf %get3A_436, %gather3A_117 : vector<16xf32>
        %add3A_438 = arith.addf %mul3A_419, %mul3A_425 : vector<16xf32>
        %add3A_439 = arith.addf %mul3A_431, %mul3A_437 : vector<16xf32>
        %add3A_440 = arith.addf %add3A_438, %add3A_439 : vector<16xf32>
        %get3A_441 = arith.index_cast %mul3A_119 : i32 to index
        %get3A_442 = arith.constant 176 : index
        %get3A_443 = tpu.vector_load %arg8[%get3A_441, %get3A_442] {strides = array<i32>} : memref<128x256xf32, #tpu.memory_space<vmem>>, vector<16xf32>,
        %mul3A_444 = arith.mulf %get3A_443, %gather3A : vector<16xf32>
        %add3A_445 = arith.constant 1 : i32
        %add3A_446 = arith.addi %mul3A_119, %add3A_445 : i32
        %get3A_447 = arith.index_cast %add3A_446 : i32 to index
        %get3A_448 = arith.constant 176 : index
        %get3A_449 = tpu.vector_load %arg8[%get3A_447, %get3A_448] {strides = array<i32>} : memref<128x256xf32, #tpu.memory_space<vmem>>, vector<16xf32>,
        %mul3A_450 = arith.mulf %get3A_449, %gather3A_107 : vector<16xf32>
        %add3A_451 = arith.constant 2 : i32
        %add3A_452 = arith.addi %mul3A_119, %add3A_451 : i32
        %get3A_453 = arith.index_cast %add3A_452 : i32 to index
        %get3A_454 = arith.constant 176 : index
        %get3A_455 = tpu.vector_load %arg8[%get3A_453, %get3A_454] {strides = array<i32>} : memref<128x256xf32, #tpu.memory_space<vmem>>, vector<16xf32>,
        %mul3A_456 = arith.mulf %get3A_455, %gather3A_112 : vector<16xf32>
        %add3A_457 = arith.constant 3 : i32
        %add3A_458 = arith.addi %mul3A_119, %add3A_457 : i32
        %get3A_459 = arith.index_cast %add3A_458 : i32 to index
        %get3A_460 = arith.constant 176 : index
        %get3A_461 = tpu.vector_load %arg8[%get3A_459, %get3A_460] {strides = array<i32>} : memref<128x256xf32, #tpu.memory_space<vmem>>, vector<16xf32>,
        %mul3A_462 = arith.mulf %get3A_461, %gather3A_117 : vector<16xf32>
        %add3A_463 = arith.addf %mul3A_444, %mul3A_450 : vector<16xf32>
        %add3A_464 = arith.addf %mul3A_456, %mul3A_462 : vector<16xf32>
        %add3A_465 = arith.addf %add3A_463, %add3A_464 : vector<16xf32>
        %mul3A_466 = arith.constant 256 : i32
        %mul3A_467 = arith.muli %add3A_95, %mul3A_466 : i32
        %add3A_468 = arith.constant 128 : i32
        %add3A_469 = arith.addi %mul3A_467, %add3A_468 : i32
        %swap3A_470 = arith.index_cast %add3A_469 : i32 to index
        %swap3A_471 = tpu.vector_load %arg10[%swap3A_470] {strides = array<i32>} : memref<8192xf32, #tpu.memory_space<vmem>>, vector<16xf32>,
        tpu.vector_store %arg10[%swap3A_470], %add3A_390 {strides = array<i32>} : memref<8192xf32, #tpu.memory_space<vmem>>, vector<16xf32>,
        %mul3A_472 = arith.constant 256 : i32
        %mul3A_473 = arith.muli %add3A_95, %mul3A_472 : i32
        %add3A_474 = arith.constant 144 : i32
        %add3A_475 = arith.addi %mul3A_473, %add3A_474 : i32
        %swap3A_476 = arith.index_cast %add3A_475 : i32 to index
        %swap3A_477 = tpu.vector_load %arg10[%swap3A_476] {strides = array<i32>} : memref<8192xf32, #tpu.memory_space<vmem>>, vector<16xf32>,
        tpu.vector_store %arg10[%swap3A_476], %add3A_415 {strides = array<i32>} : memref<8192xf32, #tpu.memory_space<vmem>>, vector<16xf32>,
        %mul3A_478 = arith.constant 256 : i32
        %mul3A_479 = arith.muli %add3A_95, %mul3A_478 : i32
        %add3A_480 = arith.constant 160 : i32
        %add3A_481 = arith.addi %mul3A_479, %add3A_480 : i32
        %swap3A_482 = arith.index_cast %add3A_481 : i32 to index
        %swap3A_483 = tpu.vector_load %arg10[%swap3A_482] {strides = array<i32>} : memref<8192xf32, #tpu.memory_space<vmem>>, vector<16xf32>,
        tpu.vector_store %arg10[%swap3A_482], %add3A_440 {strides = array<i32>} : memref<8192xf32, #tpu.memory_space<vmem>>, vector<16xf32>,
        %mul3A_484 = arith.constant 256 : i32
        %mul3A_485 = arith.muli %add3A_95, %mul3A_484 : i32
        %add3A_486 = arith.constant 176 : i32
        %add3A_487 = arith.addi %mul3A_485, %add3A_486 : i32
        %swap3A_488 = arith.index_cast %add3A_487 : i32 to index
        %swap3A_489 = tpu.vector_load %arg10[%swap3A_488] {strides = array<i32>} : memref<8192xf32, #tpu.memory_space<vmem>>, vector<16xf32>,
        tpu.vector_store %arg10[%swap3A_488], %add3A_465 {strides = array<i32>} : memref<8192xf32, #tpu.memory_space<vmem>>, vector<16xf32>,
        %get3A_490 = arith.index_cast %mul3A_119 : i32 to index
        %get3A_491 = arith.constant 192 : index
        %get3A_492 = tpu.vector_load %arg8[%get3A_490, %get3A_491] {strides = array<i32>} : memref<128x256xf32, #tpu.memory_space<vmem>>, vector<16xf32>,
        %mul3A_493 = arith.mulf %get3A_492, %gather3A : vector<16xf32>
        %add3A_494 = arith.constant 1 : i32
        %add3A_495 = arith.addi %mul3A_119, %add3A_494 : i32
        %get3A_496 = arith.index_cast %add3A_495 : i32 to index
        %get3A_497 = arith.constant 192 : index
        %get3A_498 = tpu.vector_load %arg8[%get3A_496, %get3A_497] {strides = array<i32>} : memref<128x256xf32, #tpu.memory_space<vmem>>, vector<16xf32>,
        %mul3A_499 = arith.mulf %get3A_498, %gather3A_107 : vector<16xf32>
        %add3A_500 = arith.constant 2 : i32
        %add3A_501 = arith.addi %mul3A_119, %add3A_500 : i32
        %get3A_502 = arith.index_cast %add3A_501 : i32 to index
        %get3A_503 = arith.constant 192 : index
        %get3A_504 = tpu.vector_load %arg8[%get3A_502, %get3A_503] {strides = array<i32>} : memref<128x256xf32, #tpu.memory_space<vmem>>, vector<16xf32>,
        %mul3A_505 = arith.mulf %get3A_504, %gather3A_112 : vector<16xf32>
        %add3A_506 = arith.constant 3 : i32
        %add3A_507 = arith.addi %mul3A_119, %add3A_506 : i32
        %get3A_508 = arith.index_cast %add3A_507 : i32 to index
        %get3A_509 = arith.constant 192 : index
        %get3A_510 = tpu.vector_load %arg8[%get3A_508, %get3A_509] {strides = array<i32>} : memref<128x256xf32, #tpu.memory_space<vmem>>, vector<16xf32>,
        %mul3A_511 = arith.mulf %get3A_510, %gather3A_117 : vector<16xf32>
        %add3A_512 = arith.addf %mul3A_493, %mul3A_499 : vector<16xf32>
        %add3A_513 = arith.addf %mul3A_505, %mul3A_511 : vector<16xf32>
        %add3A_514 = arith.addf %add3A_512, %add3A_513 : vector<16xf32>
        %get3A_515 = arith.index_cast %mul3A_119 : i32 to index
        %get3A_516 = arith.constant 208 : index
        %get3A_517 = tpu.vector_load %arg8[%get3A_515, %get3A_516] {strides = array<i32>} : memref<128x256xf32, #tpu.memory_space<vmem>>, vector<16xf32>,
        %mul3A_518 = arith.mulf %get3A_517, %gather3A : vector<16xf32>
        %add3A_519 = arith.constant 1 : i32
        %add3A_520 = arith.addi %mul3A_119, %add3A_519 : i32
        %get3A_521 = arith.index_cast %add3A_520 : i32 to index
        %get3A_522 = arith.constant 208 : index
        %get3A_523 = tpu.vector_load %arg8[%get3A_521, %get3A_522] {strides = array<i32>} : memref<128x256xf32, #tpu.memory_space<vmem>>, vector<16xf32>,
        %mul3A_524 = arith.mulf %get3A_523, %gather3A_107 : vector<16xf32>
        %add3A_525 = arith.constant 2 : i32
        %add3A_526 = arith.addi %mul3A_119, %add3A_525 : i32
        %get3A_527 = arith.index_cast %add3A_526 : i32 to index
        %get3A_528 = arith.constant 208 : index
        %get3A_529 = tpu.vector_load %arg8[%get3A_527, %get3A_528] {strides = array<i32>} : memref<128x256xf32, #tpu.memory_space<vmem>>, vector<16xf32>,
        %mul3A_530 = arith.mulf %get3A_529, %gather3A_112 : vector<16xf32>
        %add3A_531 = arith.constant 3 : i32
        %add3A_532 = arith.addi %mul3A_119, %add3A_531 : i32
        %get3A_533 = arith.index_cast %add3A_532 : i32 to index
        %get3A_534 = arith.constant 208 : index
        %get3A_535 = tpu.vector_load %arg8[%get3A_533, %get3A_534] {strides = array<i32>} : memref<128x256xf32, #tpu.memory_space<vmem>>, vector<16xf32>,
        %mul3A_536 = arith.mulf %get3A_535, %gather3A_117 : vector<16xf32>
        %add3A_537 = arith.addf %mul3A_518, %mul3A_524 : vector<16xf32>
        %add3A_538 = arith.addf %mul3A_530, %mul3A_536 : vector<16xf32>
        %add3A_539 = arith.addf %add3A_537, %add3A_538 : vector<16xf32>
        %get3A_540 = arith.index_cast %mul3A_119 : i32 to index
        %get3A_541 = arith.constant 224 : index
        %get3A_542 = tpu.vector_load %arg8[%get3A_540, %get3A_541] {strides = array<i32>} : memref<128x256xf32, #tpu.memory_space<vmem>>, vector<16xf32>,
        %mul3A_543 = arith.mulf %get3A_542, %gather3A : vector<16xf32>
        %add3A_544 = arith.constant 1 : i32
        %add3A_545 = arith.addi %mul3A_119, %add3A_544 : i32
        %get3A_546 = arith.index_cast %add3A_545 : i32 to index
        %get3A_547 = arith.constant 224 : index
        %get3A_548 = tpu.vector_load %arg8[%get3A_546, %get3A_547] {strides = array<i32>} : memref<128x256xf32, #tpu.memory_space<vmem>>, vector<16xf32>,
        %mul3A_549 = arith.mulf %get3A_548, %gather3A_107 : vector<16xf32>
        %add3A_550 = arith.constant 2 : i32
        %add3A_551 = arith.addi %mul3A_119, %add3A_550 : i32
        %get3A_552 = arith.index_cast %add3A_551 : i32 to index
        %get3A_553 = arith.constant 224 : index
        %get3A_554 = tpu.vector_load %arg8[%get3A_552, %get3A_553] {strides = array<i32>} : memref<128x256xf32, #tpu.memory_space<vmem>>, vector<16xf32>,
        %mul3A_555 = arith.mulf %get3A_554, %gather3A_112 : vector<16xf32>
        %add3A_556 = arith.constant 3 : i32
        %add3A_557 = arith.addi %mul3A_119, %add3A_556 : i32
        %get3A_558 = arith.index_cast %add3A_557 : i32 to index
        %get3A_559 = arith.constant 224 : index
        %get3A_560 = tpu.vector_load %arg8[%get3A_558, %get3A_559] {strides = array<i32>} : memref<128x256xf32, #tpu.memory_space<vmem>>, vector<16xf32>,
        %mul3A_561 = arith.mulf %get3A_560, %gather3A_117 : vector<16xf32>
        %add3A_562 = arith.addf %mul3A_543, %mul3A_549 : vector<16xf32>
        %add3A_563 = arith.addf %mul3A_555, %mul3A_561 : vector<16xf32>
        %add3A_564 = arith.addf %add3A_562, %add3A_563 : vector<16xf32>
        %get3A_565 = arith.index_cast %mul3A_119 : i32 to index
        %get3A_566 = arith.constant 240 : index
        %get3A_567 = tpu.vector_load %arg8[%get3A_565, %get3A_566] {strides = array<i32>} : memref<128x256xf32, #tpu.memory_space<vmem>>, vector<16xf32>,
        %mul3A_568 = arith.mulf %get3A_567, %gather3A : vector<16xf32>
        %add3A_569 = arith.constant 1 : i32
        %add3A_570 = arith.addi %mul3A_119, %add3A_569 : i32
        %get3A_571 = arith.index_cast %add3A_570 : i32 to index
        %get3A_572 = arith.constant 240 : index
        %get3A_573 = tpu.vector_load %arg8[%get3A_571, %get3A_572] {strides = array<i32>} : memref<128x256xf32, #tpu.memory_space<vmem>>, vector<16xf32>,
        %mul3A_574 = arith.mulf %get3A_573, %gather3A_107 : vector<16xf32>
        %add3A_575 = arith.constant 2 : i32
        %add3A_576 = arith.addi %mul3A_119, %add3A_575 : i32
        %get3A_577 = arith.index_cast %add3A_576 : i32 to index
        %get3A_578 = arith.constant 240 : index
        %get3A_579 = tpu.vector_load %arg8[%get3A_577, %get3A_578] {strides = array<i32>} : memref<128x256xf32, #tpu.memory_space<vmem>>, vector<16xf32>,
        %mul3A_580 = arith.mulf %get3A_579, %gather3A_112 : vector<16xf32>
        %add3A_581 = arith.constant 3 : i32
        %add3A_582 = arith.addi %mul3A_119, %add3A_581 : i32
        %get3A_583 = arith.index_cast %add3A_582 : i32 to index
        %get3A_584 = arith.constant 240 : index
        %get3A_585 = tpu.vector_load %arg8[%get3A_583, %get3A_584] {strides = array<i32>} : memref<128x256xf32, #tpu.memory_space<vmem>>, vector<16xf32>,
        %mul3A_586 = arith.mulf %get3A_585, %gather3A_117 : vector<16xf32>
        %add3A_587 = arith.addf %mul3A_568, %mul3A_574 : vector<16xf32>
        %add3A_588 = arith.addf %mul3A_580, %mul3A_586 : vector<16xf32>
        %add3A_589 = arith.addf %add3A_587, %add3A_588 : vector<16xf32>
        %mul3A_590 = arith.constant 256 : i32
        %mul3A_591 = arith.muli %add3A_95, %mul3A_590 : i32
        %add3A_592 = arith.constant 192 : i32
        %add3A_593 = arith.addi %mul3A_591, %add3A_592 : i32
        %swap3A_594 = arith.index_cast %add3A_593 : i32 to index
        %swap3A_595 = tpu.vector_load %arg10[%swap3A_594] {strides = array<i32>} : memref<8192xf32, #tpu.memory_space<vmem>>, vector<16xf32>,
        tpu.vector_store %arg10[%swap3A_594], %add3A_514 {strides = array<i32>} : memref<8192xf32, #tpu.memory_space<vmem>>, vector<16xf32>,
        %mul3A_596 = arith.constant 256 : i32
        %mul3A_597 = arith.muli %add3A_95, %mul3A_596 : i32
        %add3A_598 = arith.constant 208 : i32
        %add3A_599 = arith.addi %mul3A_597, %add3A_598 : i32
        %swap3A_600 = arith.index_cast %add3A_599 : i32 to index
        %swap3A_601 = tpu.vector_load %arg10[%swap3A_600] {strides = array<i32>} : memref<8192xf32, #tpu.memory_space<vmem>>, vector<16xf32>,
        tpu.vector_store %arg10[%swap3A_600], %add3A_539 {strides = array<i32>} : memref<8192xf32, #tpu.memory_space<vmem>>, vector<16xf32>,
        %mul3A_602 = arith.constant 256 : i32
        %mul3A_603 = arith.muli %add3A_95, %mul3A_602 : i32
        %add3A_604 = arith.constant 224 : i32
        %add3A_605 = arith.addi %mul3A_603, %add3A_604 : i32
        %swap3A_606 = arith.index_cast %add3A_605 : i32 to index
        %swap3A_607 = tpu.vector_load %arg10[%swap3A_606] {strides = array<i32>} : memref<8192xf32, #tpu.memory_space<vmem>>, vector<16xf32>,
        tpu.vector_store %arg10[%swap3A_606], %add3A_564 {strides = array<i32>} : memref<8192xf32, #tpu.memory_space<vmem>>, vector<16xf32>,
        %mul3A_608 = arith.constant 256 : i32
        %mul3A_609 = arith.muli %add3A_95, %mul3A_608 : i32
        %add3A_610 = arith.constant 240 : i32
        %add3A_611 = arith.addi %mul3A_609, %add3A_610 : i32
        %swap3A_612 = arith.index_cast %add3A_611 : i32 to index
        %swap3A_613 = tpu.vector_load %arg10[%swap3A_612] {strides = array<i32>} : memref<8192xf32, #tpu.memory_space<vmem>>, vector<16xf32>,
        tpu.vector_store %arg10[%swap3A_612], %add3A_589 {strides = array<i32>} : memref<8192xf32, #tpu.memory_space<vmem>>, vector<16xf32>,
      }
      %scan3A_51 = arith.constant 32 : i32
      %mul3A_52 = arith.constant 32 : i32
      %mul3A_53 = arith.muli %add3A_32, %mul3A_52 : i32
      %add3A_54 = arith.addi %mul3A_2, %mul3A_53 : i32
      %mul3A_55 = arith.constant 256 : i32
      %mul3A_56 = arith.muli %add3A_54, %mul3A_55 : i32
      %dma_start3A_57 = tpu.memref_slice %arg4[%mul3A_56] : memref<12582912xf32, #tpu.memory_space<hbm>> -> memref<8192xf32, #tpu.memory_space<hbm>>
      %dma_start3A_58 = tpu.memref_slice %arg4[%mul3A_56] : memref<12582912xf32, #tpu.memory_space<hbm>> -> memref<8192xf32, #tpu.memory_space<hbm>>
      tpu.enqueue_dma source(%arg10 : memref<8192xf32, #tpu.memory_space<vmem>>) target(%dma_start3A_58 : memref<8192xf32, #tpu.memory_space<hbm>>) target_semaphore(%arg14 : memref<!tpu.dma_semaphore, #tpu.memory_space<semaphore_mem>>)
      %add3A_59 = arith.constant 1 : i32
      %add3A_60 = arith.addi %add3A_32, %add3A_59 : i32
      %ge3A_61 = arith.constant 2 : i32
      %ge3A_62 = arith.cmpi sge, %add3A_60, %ge3A_61 : i32
      %convert_element_type3A_63 = arith.extui %ge3A_62 : i1 to i32
      %cond3A_64 = arith.constant 0 : i32
      %cond3A_65 = arith.cmpi ne, %convert_element_type3A_63, %cond3A_64 : i32
      scf.if %cond3A_65 {
        %add3A_91 = arith.constant 0 : i32
        %add3A_92 = arith.addi %mul3A_2, %add3A_91 : i32
        %mul3A_93 = arith.constant 256 : i32
        %mul3A_94 = arith.muli %add3A_92, %mul3A_93 : i32
        %dma_wait3A_95 = tpu.memref_slice %arg4[%mul3A_94] : memref<12582912xf32, #tpu.memory_space<hbm>> -> memref<8192xf32, #tpu.memory_space<hbm>>
        %dma_wait3A_96 = tpu.memref_slice %arg4[%mul3A_94] : memref<12582912xf32, #tpu.memory_space<hbm>> -> memref<8192xf32, #tpu.memory_space<hbm>>
        tpu.wait_dma2 semaphore(%arg15 : memref<!tpu.dma_semaphore, #tpu.memory_space<semaphore_mem>>) src(%arg11 : memref<8192xf32, #tpu.memory_space<vmem>>) dst(%dma_wait3A_96 : memref<8192xf32, #tpu.memory_space<hbm>>)
      } else {
      }
      %add3A_66 = arith.constant 1 : i32
      %add3A_67 = arith.addi %add3A_60, %add3A_66 : i32
      %lt3A_68 = arith.constant 48 : i32
      %lt3A_69 = arith.cmpi slt, %add3A_67, %lt3A_68 : i32
      %convert_element_type3A_70 = arith.extui %lt3A_69 : i1 to i32
      %cond3A_71 = arith.constant 0 : i32
      %cond3A_72 = arith.cmpi ne, %convert_element_type3A_70, %cond3A_71 : i32
      scf.if %cond3A_72 {
        %add3A_91 = arith.constant 1 : i32
        %add3A_92 = arith.addi %add3A_60, %add3A_91 : i32
        %mul3A_93 = arith.constant 128 : i32
        %mul3A_94 = arith.muli %add3A_92, %mul3A_93 : i32
        %dma_start3A_95 = tpu.memref_slice %arg6[%mul3A_94] : memref<6144xi32, #tpu.memory_space<vmem>> -> memref<128xi32, #tpu.memory_space<vmem>>
        %dma_start3A_96 = arith.constant 0 : i32
        %dma_start3A_97 = arith.constant 0 : i32
        %dma_start3A_98 = tpu.memref_slice %arg2[%dma_start3A_96, %dma_start3A_97] : memref<32768x256xf32, #tpu.memory_space<hbm>> -> memref<32768x256xf32, #tpu.memory_space<hbm>>
        tpu.enqueue_indirect_dma source(%dma_start3A_98 : memref<32768x256xf32, #tpu.memory_space<hbm>>) target(%arg8 : memref<128x256xf32, #tpu.memory_space<vmem>>) offsets(%dma_start3A_95 : memref<128xi32, #tpu.memory_space<vmem>>) semaphore(%arg12 : memref<!tpu.dma_semaphore, #tpu.memory_space<semaphore_mem>>)
      } else {
      }
      %mul3A_73 = arith.constant 128 : i32
      %mul3A_74 = arith.muli %add3A_60, %mul3A_73 : i32
      %dma_wait3A_75 = tpu.memref_slice %arg6[%mul3A_74] : memref<6144xi32, #tpu.memory_space<vmem>> -> memref<128xi32, #tpu.memory_space<vmem>>
      %dma_wait3A_76 = arith.constant 0 : i32
      %dma_wait3A_77 = arith.constant 0 : i32
      %dma_wait3A_78 = tpu.memref_slice %arg2[%dma_wait3A_76, %dma_wait3A_77] : memref<32768x256xf32, #tpu.memory_space<hbm>> -> memref<32768x256xf32, #tpu.memory_space<hbm>>
      tpu.wait_indirect_dma semaphore(%arg13 : memref<!tpu.dma_semaphore, #tpu.memory_space<semaphore_mem>>) src(%dma_wait3A_78 : memref<32768x256xf32, #tpu.memory_space<hbm>>) dst(%arg9 : memref<128x256xf32, #tpu.memory_space<vmem>>)
      %scan3A_79 = arith.constant 0 : i32
      %scan3A_80 = arith.constant 32 : i32
      %scan3A_81 = arith.addi %scan3A_79, %scan3A_80 : i32
      %scan3A_82 = arith.constant 1 : i32
      scf.for %scan3A_91 = %scan3A_79 to %scan3A_81 step %scan3A_82  : i32 {
        %mul3A_92 = arith.constant 1 : i32
        %mul3A_93 = arith.muli %scan3A_91, %mul3A_92 : i32
        %add3A_94 = arith.constant 0 : i32
        %add3A_95 = arith.addi %add3A_94, %mul3A_93 : i32
        %mul3A_96 = arith.constant 128 : i32
        %mul3A_97 = arith.muli %add3A_60, %mul3A_96 : i32
        %mul3A_98 = arith.constant 4 : i32
        %mul3A_99 = arith.muli %add3A_95, %mul3A_98 : i32
        %add3A_100 = arith.addi %mul3A_97, %mul3A_99 : i32
        %add3A_101 = vector.broadcast %add3A_100 : i32 to vector<16xi32>
        %add3A_102 = arith.addi %broadcast_in_dim3A_3, %add3A_101 : vector<16xi32>
        %gather3A = tpu.vector_load_idx %arg7[%add3A_102] : memref<6144xf32, #tpu.memory_space<vmem>>[vector<16xi32>], vector<16xf32>,
        %add3A_103 = arith.constant 1 : i32
        %add3A_104 = arith.addi %add3A_100, %add3A_103 : i32
        %add3A_105 = vector.broadcast %add3A_104 : i32 to vector<16xi32>
        %add3A_106 = arith.addi %broadcast_in_dim3A_3, %add3A_105 : vector<16xi32>
        %gather3A_107 = tpu.vector_load_idx %arg7[%add3A_106] : memref<6144xf32, #tpu.memory_space<vmem>>[vector<16xi32>], vector<16xf32>,
        %add3A_108 = arith.constant 2 : i32
        %add3A_109 = arith.addi %add3A_100, %add3A_108 : i32
        %add3A_110 = vector.broadcast %add3A_109 : i32 to vector<16xi32>
        %add3A_111 = arith.addi %broadcast_in_dim3A_3, %add3A_110 : vector<16xi32>
        %gather3A_112 = tpu.vector_load_idx %arg7[%add3A_111] : memref<6144xf32, #tpu.memory_space<vmem>>[vector<16xi32>], vector<16xf32>,
        %add3A_113 = arith.constant 3 : i32
        %add3A_114 = arith.addi %add3A_100, %add3A_113 : i32
        %add3A_115 = vector.broadcast %add3A_114 : i32 to vector<16xi32>
        %add3A_116 = arith.addi %broadcast_in_dim3A_3, %add3A_115 : vector<16xi32>
        %gather3A_117 = tpu.vector_load_idx %arg7[%add3A_116] : memref<6144xf32, #tpu.memory_space<vmem>>[vector<16xi32>], vector<16xf32>,
        %mul3A_118 = arith.constant 4 : i32
        %mul3A_119 = arith.muli %add3A_95, %mul3A_118 : i32
        %get3A = arith.index_cast %mul3A_119 : i32 to index
        %get3A_120 = arith.constant 0 : index
        %get3A_121 = tpu.vector_load %arg9[%get3A, %get3A_120] {strides = array<i32>} : memref<128x256xf32, #tpu.memory_space<vmem>>, vector<16xf32>,
        %mul3A_122 = arith.mulf %get3A_121, %gather3A : vector<16xf32>
        %add3A_123 = arith.constant 1 : i32
        %add3A_124 = arith.addi %mul3A_119, %add3A_123 : i32
        %get3A_125 = arith.index_cast %add3A_124 : i32 to index
        %get3A_126 = arith.constant 0 : index
        %get3A_127 = tpu.vector_load %arg9[%get3A_125, %get3A_126] {strides = array<i32>} : memref<128x256xf32, #tpu.memory_space<vmem>>, vector<16xf32>,
        %mul3A_128 = arith.mulf %get3A_127, %gather3A_107 : vector<16xf32>
        %add3A_129 = arith.constant 2 : i32
        %add3A_130 = arith.addi %mul3A_119, %add3A_129 : i32
        %get3A_131 = arith.index_cast %add3A_130 : i32 to index
        %get3A_132 = arith.constant 0 : index
        %get3A_133 = tpu.vector_load %arg9[%get3A_131, %get3A_132] {strides = array<i32>} : memref<128x256xf32, #tpu.memory_space<vmem>>, vector<16xf32>,
        %mul3A_134 = arith.mulf %get3A_133, %gather3A_112 : vector<16xf32>
        %add3A_135 = arith.constant 3 : i32
        %add3A_136 = arith.addi %mul3A_119, %add3A_135 : i32
        %get3A_137 = arith.index_cast %add3A_136 : i32 to index
        %get3A_138 = arith.constant 0 : index
        %get3A_139 = tpu.vector_load %arg9[%get3A_137, %get3A_138] {strides = array<i32>} : memref<128x256xf32, #tpu.memory_space<vmem>>, vector<16xf32>,
        %mul3A_140 = arith.mulf %get3A_139, %gather3A_117 : vector<16xf32>
        %add3A_141 = arith.addf %mul3A_122, %mul3A_128 : vector<16xf32>
        %add3A_142 = arith.addf %mul3A_134, %mul3A_140 : vector<16xf32>
        %add3A_143 = arith.addf %add3A_141, %add3A_142 : vector<16xf32>
        %get3A_144 = arith.index_cast %mul3A_119 : i32 to index
        %get3A_145 = arith.constant 16 : index
        %get3A_146 = tpu.vector_load %arg9[%get3A_144, %get3A_145] {strides = array<i32>} : memref<128x256xf32, #tpu.memory_space<vmem>>, vector<16xf32>,
        %mul3A_147 = arith.mulf %get3A_146, %gather3A : vector<16xf32>
        %add3A_148 = arith.constant 1 : i32
        %add3A_149 = arith.addi %mul3A_119, %add3A_148 : i32
        %get3A_150 = arith.index_cast %add3A_149 : i32 to index
        %get3A_151 = arith.constant 16 : index
        %get3A_152 = tpu.vector_load %arg9[%get3A_150, %get3A_151] {strides = array<i32>} : memref<128x256xf32, #tpu.memory_space<vmem>>, vector<16xf32>,
        %mul3A_153 = arith.mulf %get3A_152, %gather3A_107 : vector<16xf32>
        %add3A_154 = arith.constant 2 : i32
        %add3A_155 = arith.addi %mul3A_119, %add3A_154 : i32
        %get3A_156 = arith.index_cast %add3A_155 : i32 to index
        %get3A_157 = arith.constant 16 : index
        %get3A_158 = tpu.vector_load %arg9[%get3A_156, %get3A_157] {strides = array<i32>} : memref<128x256xf32, #tpu.memory_space<vmem>>, vector<16xf32>,
        %mul3A_159 = arith.mulf %get3A_158, %gather3A_112 : vector<16xf32>
        %add3A_160 = arith.constant 3 : i32
        %add3A_161 = arith.addi %mul3A_119, %add3A_160 : i32
        %get3A_162 = arith.index_cast %add3A_161 : i32 to index
        %get3A_163 = arith.constant 16 : index
        %get3A_164 = tpu.vector_load %arg9[%get3A_162, %get3A_163] {strides = array<i32>} : memref<128x256xf32, #tpu.memory_space<vmem>>, vector<16xf32>,
        %mul3A_165 = arith.mulf %get3A_164, %gather3A_117 : vector<16xf32>
        %add3A_166 = arith.addf %mul3A_147, %mul3A_153 : vector<16xf32>
        %add3A_167 = arith.addf %mul3A_159, %mul3A_165 : vector<16xf32>
        %add3A_168 = arith.addf %add3A_166, %add3A_167 : vector<16xf32>
        %get3A_169 = arith.index_cast %mul3A_119 : i32 to index
        %get3A_170 = arith.constant 32 : index
        %get3A_171 = tpu.vector_load %arg9[%get3A_169, %get3A_170] {strides = array<i32>} : memref<128x256xf32, #tpu.memory_space<vmem>>, vector<16xf32>,
        %mul3A_172 = arith.mulf %get3A_171, %gather3A : vector<16xf32>
        %add3A_173 = arith.constant 1 : i32
        %add3A_174 = arith.addi %mul3A_119, %add3A_173 : i32
        %get3A_175 = arith.index_cast %add3A_174 : i32 to index
        %get3A_176 = arith.constant 32 : index
        %get3A_177 = tpu.vector_load %arg9[%get3A_175, %get3A_176] {strides = array<i32>} : memref<128x256xf32, #tpu.memory_space<vmem>>, vector<16xf32>,
        %mul3A_178 = arith.mulf %get3A_177, %gather3A_107 : vector<16xf32>
        %add3A_179 = arith.constant 2 : i32
        %add3A_180 = arith.addi %mul3A_119, %add3A_179 : i32
        %get3A_181 = arith.index_cast %add3A_180 : i32 to index
        %get3A_182 = arith.constant 32 : index
        %get3A_183 = tpu.vector_load %arg9[%get3A_181, %get3A_182] {strides = array<i32>} : memref<128x256xf32, #tpu.memory_space<vmem>>, vector<16xf32>,
        %mul3A_184 = arith.mulf %get3A_183, %gather3A_112 : vector<16xf32>
        %add3A_185 = arith.constant 3 : i32
        %add3A_186 = arith.addi %mul3A_119, %add3A_185 : i32
        %get3A_187 = arith.index_cast %add3A_186 : i32 to index
        %get3A_188 = arith.constant 32 : index
        %get3A_189 = tpu.vector_load %arg9[%get3A_187, %get3A_188] {strides = array<i32>} : memref<128x256xf32, #tpu.memory_space<vmem>>, vector<16xf32>,
        %mul3A_190 = arith.mulf %get3A_189, %gather3A_117 : vector<16xf32>
        %add3A_191 = arith.addf %mul3A_172, %mul3A_178 : vector<16xf32>
        %add3A_192 = arith.addf %mul3A_184, %mul3A_190 : vector<16xf32>
        %add3A_193 = arith.addf %add3A_191, %add3A_192 : vector<16xf32>
        %get3A_194 = arith.index_cast %mul3A_119 : i32 to index
        %get3A_195 = arith.constant 48 : index
        %get3A_196 = tpu.vector_load %arg9[%get3A_194, %get3A_195] {strides = array<i32>} : memref<128x256xf32, #tpu.memory_space<vmem>>, vector<16xf32>,
        %mul3A_197 = arith.mulf %get3A_196, %gather3A : vector<16xf32>
        %add3A_198 = arith.constant 1 : i32
        %add3A_199 = arith.addi %mul3A_119, %add3A_198 : i32
        %get3A_200 = arith.index_cast %add3A_199 : i32 to index
        %get3A_201 = arith.constant 48 : index
        %get3A_202 = tpu.vector_load %arg9[%get3A_200, %get3A_201] {strides = array<i32>} : memref<128x256xf32, #tpu.memory_space<vmem>>, vector<16xf32>,
        %mul3A_203 = arith.mulf %get3A_202, %gather3A_107 : vector<16xf32>
        %add3A_204 = arith.constant 2 : i32
        %add3A_205 = arith.addi %mul3A_119, %add3A_204 : i32
        %get3A_206 = arith.index_cast %add3A_205 : i32 to index
        %get3A_207 = arith.constant 48 : index
        %get3A_208 = tpu.vector_load %arg9[%get3A_206, %get3A_207] {strides = array<i32>} : memref<128x256xf32, #tpu.memory_space<vmem>>, vector<16xf32>,
        %mul3A_209 = arith.mulf %get3A_208, %gather3A_112 : vector<16xf32>
        %add3A_210 = arith.constant 3 : i32
        %add3A_211 = arith.addi %mul3A_119, %add3A_210 : i32
        %get3A_212 = arith.index_cast %add3A_211 : i32 to index
        %get3A_213 = arith.constant 48 : index
        %get3A_214 = tpu.vector_load %arg9[%get3A_212, %get3A_213] {strides = array<i32>} : memref<128x256xf32, #tpu.memory_space<vmem>>, vector<16xf32>,
        %mul3A_215 = arith.mulf %get3A_214, %gather3A_117 : vector<16xf32>
        %add3A_216 = arith.addf %mul3A_197, %mul3A_203 : vector<16xf32>
        %add3A_217 = arith.addf %mul3A_209, %mul3A_215 : vector<16xf32>
        %add3A_218 = arith.addf %add3A_216, %add3A_217 : vector<16xf32>
        %mul3A_219 = arith.constant 256 : i32
        %mul3A_220 = arith.muli %add3A_95, %mul3A_219 : i32
        %add3A_221 = arith.constant 0 : i32
        %add3A_222 = arith.addi %mul3A_220, %add3A_221 : i32
        %swap3A = arith.index_cast %add3A_222 : i32 to index
        %swap3A_223 = tpu.vector_load %arg11[%swap3A] {strides = array<i32>} : memref<8192xf32, #tpu.memory_space<vmem>>, vector<16xf32>,
        tpu.vector_store %arg11[%swap3A], %add3A_143 {strides = array<i32>} : memref<8192xf32, #tpu.memory_space<vmem>>, vector<16xf32>,
        %mul3A_224 = arith.constant 256 : i32
        %mul3A_225 = arith.muli %add3A_95, %mul3A_224 : i32
        %add3A_226 = arith.constant 16 : i32
        %add3A_227 = arith.addi %mul3A_225, %add3A_226 : i32
        %swap3A_228 = arith.index_cast %add3A_227 : i32 to index
        %swap3A_229 = tpu.vector_load %arg11[%swap3A_228] {strides = array<i32>} : memref<8192xf32, #tpu.memory_space<vmem>>, vector<16xf32>,
        tpu.vector_store %arg11[%swap3A_228], %add3A_168 {strides = array<i32>} : memref<8192xf32, #tpu.memory_space<vmem>>, vector<16xf32>,
        %mul3A_230 = arith.constant 256 : i32
        %mul3A_231 = arith.muli %add3A_95, %mul3A_230 : i32
        %add3A_232 = arith.constant 32 : i32
        %add3A_233 = arith.addi %mul3A_231, %add3A_232 : i32
        %swap3A_234 = arith.index_cast %add3A_233 : i32 to index
        %swap3A_235 = tpu.vector_load %arg11[%swap3A_234] {strides = array<i32>} : memref<8192xf32, #tpu.memory_space<vmem>>, vector<16xf32>,
        tpu.vector_store %arg11[%swap3A_234], %add3A_193 {strides = array<i32>} : memref<8192xf32, #tpu.memory_space<vmem>>, vector<16xf32>,
        %mul3A_236 = arith.constant 256 : i32
        %mul3A_237 = arith.muli %add3A_95, %mul3A_236 : i32
        %add3A_238 = arith.constant 48 : i32
        %add3A_239 = arith.addi %mul3A_237, %add3A_238 : i32
        %swap3A_240 = arith.index_cast %add3A_239 : i32 to index
        %swap3A_241 = tpu.vector_load %arg11[%swap3A_240] {strides = array<i32>} : memref<8192xf32, #tpu.memory_space<vmem>>, vector<16xf32>,
        tpu.vector_store %arg11[%swap3A_240], %add3A_218 {strides = array<i32>} : memref<8192xf32, #tpu.memory_space<vmem>>, vector<16xf32>,
        %get3A_242 = arith.index_cast %mul3A_119 : i32 to index
        %get3A_243 = arith.constant 64 : index
        %get3A_244 = tpu.vector_load %arg9[%get3A_242, %get3A_243] {strides = array<i32>} : memref<128x256xf32, #tpu.memory_space<vmem>>, vector<16xf32>,
        %mul3A_245 = arith.mulf %get3A_244, %gather3A : vector<16xf32>
        %add3A_246 = arith.constant 1 : i32
        %add3A_247 = arith.addi %mul3A_119, %add3A_246 : i32
        %get3A_248 = arith.index_cast %add3A_247 : i32 to index
        %get3A_249 = arith.constant 64 : index
        %get3A_250 = tpu.vector_load %arg9[%get3A_248, %get3A_249] {strides = array<i32>} : memref<128x256xf32, #tpu.memory_space<vmem>>, vector<16xf32>,
        %mul3A_251 = arith.mulf %get3A_250, %gather3A_107 : vector<16xf32>
        %add3A_252 = arith.constant 2 : i32
        %add3A_253 = arith.addi %mul3A_119, %add3A_252 : i32
        %get3A_254 = arith.index_cast %add3A_253 : i32 to index
        %get3A_255 = arith.constant 64 : index
        %get3A_256 = tpu.vector_load %arg9[%get3A_254, %get3A_255] {strides = array<i32>} : memref<128x256xf32, #tpu.memory_space<vmem>>, vector<16xf32>,
        %mul3A_257 = arith.mulf %get3A_256, %gather3A_112 : vector<16xf32>
        %add3A_258 = arith.constant 3 : i32
        %add3A_259 = arith.addi %mul3A_119, %add3A_258 : i32
        %get3A_260 = arith.index_cast %add3A_259 : i32 to index
        %get3A_261 = arith.constant 64 : index
        %get3A_262 = tpu.vector_load %arg9[%get3A_260, %get3A_261] {strides = array<i32>} : memref<128x256xf32, #tpu.memory_space<vmem>>, vector<16xf32>,
        %mul3A_263 = arith.mulf %get3A_262, %gather3A_117 : vector<16xf32>
        %add3A_264 = arith.addf %mul3A_245, %mul3A_251 : vector<16xf32>
        %add3A_265 = arith.addf %mul3A_257, %mul3A_263 : vector<16xf32>
        %add3A_266 = arith.addf %add3A_264, %add3A_265 : vector<16xf32>
        %get3A_267 = arith.index_cast %mul3A_119 : i32 to index
        %get3A_268 = arith.constant 80 : index
        %get3A_269 = tpu.vector_load %arg9[%get3A_267, %get3A_268] {strides = array<i32>} : memref<128x256xf32, #tpu.memory_space<vmem>>, vector<16xf32>,
        %mul3A_270 = arith.mulf %get3A_269, %gather3A : vector<16xf32>
        %add3A_271 = arith.constant 1 : i32
        %add3A_272 = arith.addi %mul3A_119, %add3A_271 : i32
        %get3A_273 = arith.index_cast %add3A_272 : i32 to index
        %get3A_274 = arith.constant 80 : index
        %get3A_275 = tpu.vector_load %arg9[%get3A_273, %get3A_274] {strides = array<i32>} : memref<128x256xf32, #tpu.memory_space<vmem>>, vector<16xf32>,
        %mul3A_276 = arith.mulf %get3A_275, %gather3A_107 : vector<16xf32>
        %add3A_277 = arith.constant 2 : i32
        %add3A_278 = arith.addi %mul3A_119, %add3A_277 : i32
        %get3A_279 = arith.index_cast %add3A_278 : i32 to index
        %get3A_280 = arith.constant 80 : index
        %get3A_281 = tpu.vector_load %arg9[%get3A_279, %get3A_280] {strides = array<i32>} : memref<128x256xf32, #tpu.memory_space<vmem>>, vector<16xf32>,
        %mul3A_282 = arith.mulf %get3A_281, %gather3A_112 : vector<16xf32>
        %add3A_283 = arith.constant 3 : i32
        %add3A_284 = arith.addi %mul3A_119, %add3A_283 : i32
        %get3A_285 = arith.index_cast %add3A_284 : i32 to index
        %get3A_286 = arith.constant 80 : index
        %get3A_287 = tpu.vector_load %arg9[%get3A_285, %get3A_286] {strides = array<i32>} : memref<128x256xf32, #tpu.memory_space<vmem>>, vector<16xf32>,
        %mul3A_288 = arith.mulf %get3A_287, %gather3A_117 : vector<16xf32>
        %add3A_289 = arith.addf %mul3A_270, %mul3A_276 : vector<16xf32>
        %add3A_290 = arith.addf %mul3A_282, %mul3A_288 : vector<16xf32>
        %add3A_291 = arith.addf %add3A_289, %add3A_290 : vector<16xf32>
        %get3A_292 = arith.index_cast %mul3A_119 : i32 to index
        %get3A_293 = arith.constant 96 : index
        %get3A_294 = tpu.vector_load %arg9[%get3A_292, %get3A_293] {strides = array<i32>} : memref<128x256xf32, #tpu.memory_space<vmem>>, vector<16xf32>,
        %mul3A_295 = arith.mulf %get3A_294, %gather3A : vector<16xf32>
        %add3A_296 = arith.constant 1 : i32
        %add3A_297 = arith.addi %mul3A_119, %add3A_296 : i32
        %get3A_298 = arith.index_cast %add3A_297 : i32 to index
        %get3A_299 = arith.constant 96 : index
        %get3A_300 = tpu.vector_load %arg9[%get3A_298, %get3A_299] {strides = array<i32>} : memref<128x256xf32, #tpu.memory_space<vmem>>, vector<16xf32>,
        %mul3A_301 = arith.mulf %get3A_300, %gather3A_107 : vector<16xf32>
        %add3A_302 = arith.constant 2 : i32
        %add3A_303 = arith.addi %mul3A_119, %add3A_302 : i32
        %get3A_304 = arith.index_cast %add3A_303 : i32 to index
        %get3A_305 = arith.constant 96 : index
        %get3A_306 = tpu.vector_load %arg9[%get3A_304, %get3A_305] {strides = array<i32>} : memref<128x256xf32, #tpu.memory_space<vmem>>, vector<16xf32>,
        %mul3A_307 = arith.mulf %get3A_306, %gather3A_112 : vector<16xf32>
        %add3A_308 = arith.constant 3 : i32
        %add3A_309 = arith.addi %mul3A_119, %add3A_308 : i32
        %get3A_310 = arith.index_cast %add3A_309 : i32 to index
        %get3A_311 = arith.constant 96 : index
        %get3A_312 = tpu.vector_load %arg9[%get3A_310, %get3A_311] {strides = array<i32>} : memref<128x256xf32, #tpu.memory_space<vmem>>, vector<16xf32>,
        %mul3A_313 = arith.mulf %get3A_312, %gather3A_117 : vector<16xf32>
        %add3A_314 = arith.addf %mul3A_295, %mul3A_301 : vector<16xf32>
        %add3A_315 = arith.addf %mul3A_307, %mul3A_313 : vector<16xf32>
        %add3A_316 = arith.addf %add3A_314, %add3A_315 : vector<16xf32>
        %get3A_317 = arith.index_cast %mul3A_119 : i32 to index
        %get3A_318 = arith.constant 112 : index
        %get3A_319 = tpu.vector_load %arg9[%get3A_317, %get3A_318] {strides = array<i32>} : memref<128x256xf32, #tpu.memory_space<vmem>>, vector<16xf32>,
        %mul3A_320 = arith.mulf %get3A_319, %gather3A : vector<16xf32>
        %add3A_321 = arith.constant 1 : i32
        %add3A_322 = arith.addi %mul3A_119, %add3A_321 : i32
        %get3A_323 = arith.index_cast %add3A_322 : i32 to index
        %get3A_324 = arith.constant 112 : index
        %get3A_325 = tpu.vector_load %arg9[%get3A_323, %get3A_324] {strides = array<i32>} : memref<128x256xf32, #tpu.memory_space<vmem>>, vector<16xf32>,
        %mul3A_326 = arith.mulf %get3A_325, %gather3A_107 : vector<16xf32>
        %add3A_327 = arith.constant 2 : i32
        %add3A_328 = arith.addi %mul3A_119, %add3A_327 : i32
        %get3A_329 = arith.index_cast %add3A_328 : i32 to index
        %get3A_330 = arith.constant 112 : index
        %get3A_331 = tpu.vector_load %arg9[%get3A_329, %get3A_330] {strides = array<i32>} : memref<128x256xf32, #tpu.memory_space<vmem>>, vector<16xf32>,
        %mul3A_332 = arith.mulf %get3A_331, %gather3A_112 : vector<16xf32>
        %add3A_333 = arith.constant 3 : i32
        %add3A_334 = arith.addi %mul3A_119, %add3A_333 : i32
        %get3A_335 = arith.index_cast %add3A_334 : i32 to index
        %get3A_336 = arith.constant 112 : index
        %get3A_337 = tpu.vector_load %arg9[%get3A_335, %get3A_336] {strides = array<i32>} : memref<128x256xf32, #tpu.memory_space<vmem>>, vector<16xf32>,
        %mul3A_338 = arith.mulf %get3A_337, %gather3A_117 : vector<16xf32>
        %add3A_339 = arith.addf %mul3A_320, %mul3A_326 : vector<16xf32>
        %add3A_340 = arith.addf %mul3A_332, %mul3A_338 : vector<16xf32>
        %add3A_341 = arith.addf %add3A_339, %add3A_340 : vector<16xf32>
        %mul3A_342 = arith.constant 256 : i32
        %mul3A_343 = arith.muli %add3A_95, %mul3A_342 : i32
        %add3A_344 = arith.constant 64 : i32
        %add3A_345 = arith.addi %mul3A_343, %add3A_344 : i32
        %swap3A_346 = arith.index_cast %add3A_345 : i32 to index
        %swap3A_347 = tpu.vector_load %arg11[%swap3A_346] {strides = array<i32>} : memref<8192xf32, #tpu.memory_space<vmem>>, vector<16xf32>,
        tpu.vector_store %arg11[%swap3A_346], %add3A_266 {strides = array<i32>} : memref<8192xf32, #tpu.memory_space<vmem>>, vector<16xf32>,
        %mul3A_348 = arith.constant 256 : i32
        %mul3A_349 = arith.muli %add3A_95, %mul3A_348 : i32
        %add3A_350 = arith.constant 80 : i32
        %add3A_351 = arith.addi %mul3A_349, %add3A_350 : i32
        %swap3A_352 = arith.index_cast %add3A_351 : i32 to index
        %swap3A_353 = tpu.vector_load %arg11[%swap3A_352] {strides = array<i32>} : memref<8192xf32, #tpu.memory_space<vmem>>, vector<16xf32>,
        tpu.vector_store %arg11[%swap3A_352], %add3A_291 {strides = array<i32>} : memref<8192xf32, #tpu.memory_space<vmem>>, vector<16xf32>,
        %mul3A_354 = arith.constant 256 : i32
        %mul3A_355 = arith.muli %add3A_95, %mul3A_354 : i32
        %add3A_356 = arith.constant 96 : i32
        %add3A_357 = arith.addi %mul3A_355, %add3A_356 : i32
        %swap3A_358 = arith.index_cast %add3A_357 : i32 to index
        %swap3A_359 = tpu.vector_load %arg11[%swap3A_358] {strides = array<i32>} : memref<8192xf32, #tpu.memory_space<vmem>>, vector<16xf32>,
        tpu.vector_store %arg11[%swap3A_358], %add3A_316 {strides = array<i32>} : memref<8192xf32, #tpu.memory_space<vmem>>, vector<16xf32>,
        %mul3A_360 = arith.constant 256 : i32
        %mul3A_361 = arith.muli %add3A_95, %mul3A_360 : i32
        %add3A_362 = arith.constant 112 : i32
        %add3A_363 = arith.addi %mul3A_361, %add3A_362 : i32
        %swap3A_364 = arith.index_cast %add3A_363 : i32 to index
        %swap3A_365 = tpu.vector_load %arg11[%swap3A_364] {strides = array<i32>} : memref<8192xf32, #tpu.memory_space<vmem>>, vector<16xf32>,
        tpu.vector_store %arg11[%swap3A_364], %add3A_341 {strides = array<i32>} : memref<8192xf32, #tpu.memory_space<vmem>>, vector<16xf32>,
        %get3A_366 = arith.index_cast %mul3A_119 : i32 to index
        %get3A_367 = arith.constant 128 : index
        %get3A_368 = tpu.vector_load %arg9[%get3A_366, %get3A_367] {strides = array<i32>} : memref<128x256xf32, #tpu.memory_space<vmem>>, vector<16xf32>,
        %mul3A_369 = arith.mulf %get3A_368, %gather3A : vector<16xf32>
        %add3A_370 = arith.constant 1 : i32
        %add3A_371 = arith.addi %mul3A_119, %add3A_370 : i32
        %get3A_372 = arith.index_cast %add3A_371 : i32 to index
        %get3A_373 = arith.constant 128 : index
        %get3A_374 = tpu.vector_load %arg9[%get3A_372, %get3A_373] {strides = array<i32>} : memref<128x256xf32, #tpu.memory_space<vmem>>, vector<16xf32>,
        %mul3A_375 = arith.mulf %get3A_374, %gather3A_107 : vector<16xf32>
        %add3A_376 = arith.constant 2 : i32
        %add3A_377 = arith.addi %mul3A_119, %add3A_376 : i32
        %get3A_378 = arith.index_cast %add3A_377 : i32 to index
        %get3A_379 = arith.constant 128 : index
        %get3A_380 = tpu.vector_load %arg9[%get3A_378, %get3A_379] {strides = array<i32>} : memref<128x256xf32, #tpu.memory_space<vmem>>, vector<16xf32>,
        %mul3A_381 = arith.mulf %get3A_380, %gather3A_112 : vector<16xf32>
        %add3A_382 = arith.constant 3 : i32
        %add3A_383 = arith.addi %mul3A_119, %add3A_382 : i32
        %get3A_384 = arith.index_cast %add3A_383 : i32 to index
        %get3A_385 = arith.constant 128 : index
        %get3A_386 = tpu.vector_load %arg9[%get3A_384, %get3A_385] {strides = array<i32>} : memref<128x256xf32, #tpu.memory_space<vmem>>, vector<16xf32>,
        %mul3A_387 = arith.mulf %get3A_386, %gather3A_117 : vector<16xf32>
        %add3A_388 = arith.addf %mul3A_369, %mul3A_375 : vector<16xf32>
        %add3A_389 = arith.addf %mul3A_381, %mul3A_387 : vector<16xf32>
        %add3A_390 = arith.addf %add3A_388, %add3A_389 : vector<16xf32>
        %get3A_391 = arith.index_cast %mul3A_119 : i32 to index
        %get3A_392 = arith.constant 144 : index
        %get3A_393 = tpu.vector_load %arg9[%get3A_391, %get3A_392] {strides = array<i32>} : memref<128x256xf32, #tpu.memory_space<vmem>>, vector<16xf32>,
        %mul3A_394 = arith.mulf %get3A_393, %gather3A : vector<16xf32>
        %add3A_395 = arith.constant 1 : i32
        %add3A_396 = arith.addi %mul3A_119, %add3A_395 : i32
        %get3A_397 = arith.index_cast %add3A_396 : i32 to index
        %get3A_398 = arith.constant 144 : index
        %get3A_399 = tpu.vector_load %arg9[%get3A_397, %get3A_398] {strides = array<i32>} : memref<128x256xf32, #tpu.memory_space<vmem>>, vector<16xf32>,
        %mul3A_400 = arith.mulf %get3A_399, %gather3A_107 : vector<16xf32>
        %add3A_401 = arith.constant 2 : i32
        %add3A_402 = arith.addi %mul3A_119, %add3A_401 : i32
        %get3A_403 = arith.index_cast %add3A_402 : i32 to index
        %get3A_404 = arith.constant 144 : index
        %get3A_405 = tpu.vector_load %arg9[%get3A_403, %get3A_404] {strides = array<i32>} : memref<128x256xf32, #tpu.memory_space<vmem>>, vector<16xf32>,
        %mul3A_406 = arith.mulf %get3A_405, %gather3A_112 : vector<16xf32>
        %add3A_407 = arith.constant 3 : i32
        %add3A_408 = arith.addi %mul3A_119, %add3A_407 : i32
        %get3A_409 = arith.index_cast %add3A_408 : i32 to index
        %get3A_410 = arith.constant 144 : index
        %get3A_411 = tpu.vector_load %arg9[%get3A_409, %get3A_410] {strides = array<i32>} : memref<128x256xf32, #tpu.memory_space<vmem>>, vector<16xf32>,
        %mul3A_412 = arith.mulf %get3A_411, %gather3A_117 : vector<16xf32>
        %add3A_413 = arith.addf %mul3A_394, %mul3A_400 : vector<16xf32>
        %add3A_414 = arith.addf %mul3A_406, %mul3A_412 : vector<16xf32>
        %add3A_415 = arith.addf %add3A_413, %add3A_414 : vector<16xf32>
        %get3A_416 = arith.index_cast %mul3A_119 : i32 to index
        %get3A_417 = arith.constant 160 : index
        %get3A_418 = tpu.vector_load %arg9[%get3A_416, %get3A_417] {strides = array<i32>} : memref<128x256xf32, #tpu.memory_space<vmem>>, vector<16xf32>,
        %mul3A_419 = arith.mulf %get3A_418, %gather3A : vector<16xf32>
        %add3A_420 = arith.constant 1 : i32
        %add3A_421 = arith.addi %mul3A_119, %add3A_420 : i32
        %get3A_422 = arith.index_cast %add3A_421 : i32 to index
        %get3A_423 = arith.constant 160 : index
        %get3A_424 = tpu.vector_load %arg9[%get3A_422, %get3A_423] {strides = array<i32>} : memref<128x256xf32, #tpu.memory_space<vmem>>, vector<16xf32>,
        %mul3A_425 = arith.mulf %get3A_424, %gather3A_107 : vector<16xf32>
        %add3A_426 = arith.constant 2 : i32
        %add3A_427 = arith.addi %mul3A_119, %add3A_426 : i32
        %get3A_428 = arith.index_cast %add3A_427 : i32 to index
        %get3A_429 = arith.constant 160 : index
        %get3A_430 = tpu.vector_load %arg9[%get3A_428, %get3A_429] {strides = array<i32>} : memref<128x256xf32, #tpu.memory_space<vmem>>, vector<16xf32>,
        %mul3A_431 = arith.mulf %get3A_430, %gather3A_112 : vector<16xf32>
        %add3A_432 = arith.constant 3 : i32
        %add3A_433 = arith.addi %mul3A_119, %add3A_432 : i32
        %get3A_434 = arith.index_cast %add3A_433 : i32 to index
        %get3A_435 = arith.constant 160 : index
        %get3A_436 = tpu.vector_load %arg9[%get3A_434, %get3A_435] {strides = array<i32>} : memref<128x256xf32, #tpu.memory_space<vmem>>, vector<16xf32>,
        %mul3A_437 = arith.mulf %get3A_436, %gather3A_117 : vector<16xf32>
        %add3A_438 = arith.addf %mul3A_419, %mul3A_425 : vector<16xf32>
        %add3A_439 = arith.addf %mul3A_431, %mul3A_437 : vector<16xf32>
        %add3A_440 = arith.addf %add3A_438, %add3A_439 : vector<16xf32>
        %get3A_441 = arith.index_cast %mul3A_119 : i32 to index
        %get3A_442 = arith.constant 176 : index
        %get3A_443 = tpu.vector_load %arg9[%get3A_441, %get3A_442] {strides = array<i32>} : memref<128x256xf32, #tpu.memory_space<vmem>>, vector<16xf32>,
        %mul3A_444 = arith.mulf %get3A_443, %gather3A : vector<16xf32>
        %add3A_445 = arith.constant 1 : i32
        %add3A_446 = arith.addi %mul3A_119, %add3A_445 : i32
        %get3A_447 = arith.index_cast %add3A_446 : i32 to index
        %get3A_448 = arith.constant 176 : index
        %get3A_449 = tpu.vector_load %arg9[%get3A_447, %get3A_448] {strides = array<i32>} : memref<128x256xf32, #tpu.memory_space<vmem>>, vector<16xf32>,
        %mul3A_450 = arith.mulf %get3A_449, %gather3A_107 : vector<16xf32>
        %add3A_451 = arith.constant 2 : i32
        %add3A_452 = arith.addi %mul3A_119, %add3A_451 : i32
        %get3A_453 = arith.index_cast %add3A_452 : i32 to index
        %get3A_454 = arith.constant 176 : index
        %get3A_455 = tpu.vector_load %arg9[%get3A_453, %get3A_454] {strides = array<i32>} : memref<128x256xf32, #tpu.memory_space<vmem>>, vector<16xf32>,
        %mul3A_456 = arith.mulf %get3A_455, %gather3A_112 : vector<16xf32>
        %add3A_457 = arith.constant 3 : i32
        %add3A_458 = arith.addi %mul3A_119, %add3A_457 : i32
        %get3A_459 = arith.index_cast %add3A_458 : i32 to index
        %get3A_460 = arith.constant 176 : index
        %get3A_461 = tpu.vector_load %arg9[%get3A_459, %get3A_460] {strides = array<i32>} : memref<128x256xf32, #tpu.memory_space<vmem>>, vector<16xf32>,
        %mul3A_462 = arith.mulf %get3A_461, %gather3A_117 : vector<16xf32>
        %add3A_463 = arith.addf %mul3A_444, %mul3A_450 : vector<16xf32>
        %add3A_464 = arith.addf %mul3A_456, %mul3A_462 : vector<16xf32>
        %add3A_465 = arith.addf %add3A_463, %add3A_464 : vector<16xf32>
        %mul3A_466 = arith.constant 256 : i32
        %mul3A_467 = arith.muli %add3A_95, %mul3A_466 : i32
        %add3A_468 = arith.constant 128 : i32
        %add3A_469 = arith.addi %mul3A_467, %add3A_468 : i32
        %swap3A_470 = arith.index_cast %add3A_469 : i32 to index
        %swap3A_471 = tpu.vector_load %arg11[%swap3A_470] {strides = array<i32>} : memref<8192xf32, #tpu.memory_space<vmem>>, vector<16xf32>,
        tpu.vector_store %arg11[%swap3A_470], %add3A_390 {strides = array<i32>} : memref<8192xf32, #tpu.memory_space<vmem>>, vector<16xf32>,
        %mul3A_472 = arith.constant 256 : i32
        %mul3A_473 = arith.muli %add3A_95, %mul3A_472 : i32
        %add3A_474 = arith.constant 144 : i32
        %add3A_475 = arith.addi %mul3A_473, %add3A_474 : i32
        %swap3A_476 = arith.index_cast %add3A_475 : i32 to index
        %swap3A_477 = tpu.vector_load %arg11[%swap3A_476] {strides = array<i32>} : memref<8192xf32, #tpu.memory_space<vmem>>, vector<16xf32>,
        tpu.vector_store %arg11[%swap3A_476], %add3A_415 {strides = array<i32>} : memref<8192xf32, #tpu.memory_space<vmem>>, vector<16xf32>,
        %mul3A_478 = arith.constant 256 : i32
        %mul3A_479 = arith.muli %add3A_95, %mul3A_478 : i32
        %add3A_480 = arith.constant 160 : i32
        %add3A_481 = arith.addi %mul3A_479, %add3A_480 : i32
        %swap3A_482 = arith.index_cast %add3A_481 : i32 to index
        %swap3A_483 = tpu.vector_load %arg11[%swap3A_482] {strides = array<i32>} : memref<8192xf32, #tpu.memory_space<vmem>>, vector<16xf32>,
        tpu.vector_store %arg11[%swap3A_482], %add3A_440 {strides = array<i32>} : memref<8192xf32, #tpu.memory_space<vmem>>, vector<16xf32>,
        %mul3A_484 = arith.constant 256 : i32
        %mul3A_485 = arith.muli %add3A_95, %mul3A_484 : i32
        %add3A_486 = arith.constant 176 : i32
        %add3A_487 = arith.addi %mul3A_485, %add3A_486 : i32
        %swap3A_488 = arith.index_cast %add3A_487 : i32 to index
        %swap3A_489 = tpu.vector_load %arg11[%swap3A_488] {strides = array<i32>} : memref<8192xf32, #tpu.memory_space<vmem>>, vector<16xf32>,
        tpu.vector_store %arg11[%swap3A_488], %add3A_465 {strides = array<i32>} : memref<8192xf32, #tpu.memory_space<vmem>>, vector<16xf32>,
        %get3A_490 = arith.index_cast %mul3A_119 : i32 to index
        %get3A_491 = arith.constant 192 : index
        %get3A_492 = tpu.vector_load %arg9[%get3A_490, %get3A_491] {strides = array<i32>} : memref<128x256xf32, #tpu.memory_space<vmem>>, vector<16xf32>,
        %mul3A_493 = arith.mulf %get3A_492, %gather3A : vector<16xf32>
        %add3A_494 = arith.constant 1 : i32
        %add3A_495 = arith.addi %mul3A_119, %add3A_494 : i32
        %get3A_496 = arith.index_cast %add3A_495 : i32 to index
        %get3A_497 = arith.constant 192 : index
        %get3A_498 = tpu.vector_load %arg9[%get3A_496, %get3A_497] {strides = array<i32>} : memref<128x256xf32, #tpu.memory_space<vmem>>, vector<16xf32>,
        %mul3A_499 = arith.mulf %get3A_498, %gather3A_107 : vector<16xf32>
        %add3A_500 = arith.constant 2 : i32
        %add3A_501 = arith.addi %mul3A_119, %add3A_500 : i32
        %get3A_502 = arith.index_cast %add3A_501 : i32 to index
        %get3A_503 = arith.constant 192 : index
        %get3A_504 = tpu.vector_load %arg9[%get3A_502, %get3A_503] {strides = array<i32>} : memref<128x256xf32, #tpu.memory_space<vmem>>, vector<16xf32>,
        %mul3A_505 = arith.mulf %get3A_504, %gather3A_112 : vector<16xf32>
        %add3A_506 = arith.constant 3 : i32
        %add3A_507 = arith.addi %mul3A_119, %add3A_506 : i32
        %get3A_508 = arith.index_cast %add3A_507 : i32 to index
        %get3A_509 = arith.constant 192 : index
        %get3A_510 = tpu.vector_load %arg9[%get3A_508, %get3A_509] {strides = array<i32>} : memref<128x256xf32, #tpu.memory_space<vmem>>, vector<16xf32>,
        %mul3A_511 = arith.mulf %get3A_510, %gather3A_117 : vector<16xf32>
        %add3A_512 = arith.addf %mul3A_493, %mul3A_499 : vector<16xf32>
        %add3A_513 = arith.addf %mul3A_505, %mul3A_511 : vector<16xf32>
        %add3A_514 = arith.addf %add3A_512, %add3A_513 : vector<16xf32>
        %get3A_515 = arith.index_cast %mul3A_119 : i32 to index
        %get3A_516 = arith.constant 208 : index
        %get3A_517 = tpu.vector_load %arg9[%get3A_515, %get3A_516] {strides = array<i32>} : memref<128x256xf32, #tpu.memory_space<vmem>>, vector<16xf32>,
        %mul3A_518 = arith.mulf %get3A_517, %gather3A : vector<16xf32>
        %add3A_519 = arith.constant 1 : i32
        %add3A_520 = arith.addi %mul3A_119, %add3A_519 : i32
        %get3A_521 = arith.index_cast %add3A_520 : i32 to index
        %get3A_522 = arith.constant 208 : index
        %get3A_523 = tpu.vector_load %arg9[%get3A_521, %get3A_522] {strides = array<i32>} : memref<128x256xf32, #tpu.memory_space<vmem>>, vector<16xf32>,
        %mul3A_524 = arith.mulf %get3A_523, %gather3A_107 : vector<16xf32>
        %add3A_525 = arith.constant 2 : i32
        %add3A_526 = arith.addi %mul3A_119, %add3A_525 : i32
        %get3A_527 = arith.index_cast %add3A_526 : i32 to index
        %get3A_528 = arith.constant 208 : index
        %get3A_529 = tpu.vector_load %arg9[%get3A_527, %get3A_528] {strides = array<i32>} : memref<128x256xf32, #tpu.memory_space<vmem>>, vector<16xf32>,
        %mul3A_530 = arith.mulf %get3A_529, %gather3A_112 : vector<16xf32>
        %add3A_531 = arith.constant 3 : i32
        %add3A_532 = arith.addi %mul3A_119, %add3A_531 : i32
        %get3A_533 = arith.index_cast %add3A_532 : i32 to index
        %get3A_534 = arith.constant 208 : index
        %get3A_535 = tpu.vector_load %arg9[%get3A_533, %get3A_534] {strides = array<i32>} : memref<128x256xf32, #tpu.memory_space<vmem>>, vector<16xf32>,
        %mul3A_536 = arith.mulf %get3A_535, %gather3A_117 : vector<16xf32>
        %add3A_537 = arith.addf %mul3A_518, %mul3A_524 : vector<16xf32>
        %add3A_538 = arith.addf %mul3A_530, %mul3A_536 : vector<16xf32>
        %add3A_539 = arith.addf %add3A_537, %add3A_538 : vector<16xf32>
        %get3A_540 = arith.index_cast %mul3A_119 : i32 to index
        %get3A_541 = arith.constant 224 : index
        %get3A_542 = tpu.vector_load %arg9[%get3A_540, %get3A_541] {strides = array<i32>} : memref<128x256xf32, #tpu.memory_space<vmem>>, vector<16xf32>,
        %mul3A_543 = arith.mulf %get3A_542, %gather3A : vector<16xf32>
        %add3A_544 = arith.constant 1 : i32
        %add3A_545 = arith.addi %mul3A_119, %add3A_544 : i32
        %get3A_546 = arith.index_cast %add3A_545 : i32 to index
        %get3A_547 = arith.constant 224 : index
        %get3A_548 = tpu.vector_load %arg9[%get3A_546, %get3A_547] {strides = array<i32>} : memref<128x256xf32, #tpu.memory_space<vmem>>, vector<16xf32>,
        %mul3A_549 = arith.mulf %get3A_548, %gather3A_107 : vector<16xf32>
        %add3A_550 = arith.constant 2 : i32
        %add3A_551 = arith.addi %mul3A_119, %add3A_550 : i32
        %get3A_552 = arith.index_cast %add3A_551 : i32 to index
        %get3A_553 = arith.constant 224 : index
        %get3A_554 = tpu.vector_load %arg9[%get3A_552, %get3A_553] {strides = array<i32>} : memref<128x256xf32, #tpu.memory_space<vmem>>, vector<16xf32>,
        %mul3A_555 = arith.mulf %get3A_554, %gather3A_112 : vector<16xf32>
        %add3A_556 = arith.constant 3 : i32
        %add3A_557 = arith.addi %mul3A_119, %add3A_556 : i32
        %get3A_558 = arith.index_cast %add3A_557 : i32 to index
        %get3A_559 = arith.constant 224 : index
        %get3A_560 = tpu.vector_load %arg9[%get3A_558, %get3A_559] {strides = array<i32>} : memref<128x256xf32, #tpu.memory_space<vmem>>, vector<16xf32>,
        %mul3A_561 = arith.mulf %get3A_560, %gather3A_117 : vector<16xf32>
        %add3A_562 = arith.addf %mul3A_543, %mul3A_549 : vector<16xf32>
        %add3A_563 = arith.addf %mul3A_555, %mul3A_561 : vector<16xf32>
        %add3A_564 = arith.addf %add3A_562, %add3A_563 : vector<16xf32>
        %get3A_565 = arith.index_cast %mul3A_119 : i32 to index
        %get3A_566 = arith.constant 240 : index
        %get3A_567 = tpu.vector_load %arg9[%get3A_565, %get3A_566] {strides = array<i32>} : memref<128x256xf32, #tpu.memory_space<vmem>>, vector<16xf32>,
        %mul3A_568 = arith.mulf %get3A_567, %gather3A : vector<16xf32>
        %add3A_569 = arith.constant 1 : i32
        %add3A_570 = arith.addi %mul3A_119, %add3A_569 : i32
        %get3A_571 = arith.index_cast %add3A_570 : i32 to index
        %get3A_572 = arith.constant 240 : index
        %get3A_573 = tpu.vector_load %arg9[%get3A_571, %get3A_572] {strides = array<i32>} : memref<128x256xf32, #tpu.memory_space<vmem>>, vector<16xf32>,
        %mul3A_574 = arith.mulf %get3A_573, %gather3A_107 : vector<16xf32>
        %add3A_575 = arith.constant 2 : i32
        %add3A_576 = arith.addi %mul3A_119, %add3A_575 : i32
        %get3A_577 = arith.index_cast %add3A_576 : i32 to index
        %get3A_578 = arith.constant 240 : index
        %get3A_579 = tpu.vector_load %arg9[%get3A_577, %get3A_578] {strides = array<i32>} : memref<128x256xf32, #tpu.memory_space<vmem>>, vector<16xf32>,
        %mul3A_580 = arith.mulf %get3A_579, %gather3A_112 : vector<16xf32>
        %add3A_581 = arith.constant 3 : i32
        %add3A_582 = arith.addi %mul3A_119, %add3A_581 : i32
        %get3A_583 = arith.index_cast %add3A_582 : i32 to index
        %get3A_584 = arith.constant 240 : index
        %get3A_585 = tpu.vector_load %arg9[%get3A_583, %get3A_584] {strides = array<i32>} : memref<128x256xf32, #tpu.memory_space<vmem>>, vector<16xf32>,
        %mul3A_586 = arith.mulf %get3A_585, %gather3A_117 : vector<16xf32>
        %add3A_587 = arith.addf %mul3A_568, %mul3A_574 : vector<16xf32>
        %add3A_588 = arith.addf %mul3A_580, %mul3A_586 : vector<16xf32>
        %add3A_589 = arith.addf %add3A_587, %add3A_588 : vector<16xf32>
        %mul3A_590 = arith.constant 256 : i32
        %mul3A_591 = arith.muli %add3A_95, %mul3A_590 : i32
        %add3A_592 = arith.constant 192 : i32
        %add3A_593 = arith.addi %mul3A_591, %add3A_592 : i32
        %swap3A_594 = arith.index_cast %add3A_593 : i32 to index
        %swap3A_595 = tpu.vector_load %arg11[%swap3A_594] {strides = array<i32>} : memref<8192xf32, #tpu.memory_space<vmem>>, vector<16xf32>,
        tpu.vector_store %arg11[%swap3A_594], %add3A_514 {strides = array<i32>} : memref<8192xf32, #tpu.memory_space<vmem>>, vector<16xf32>,
        %mul3A_596 = arith.constant 256 : i32
        %mul3A_597 = arith.muli %add3A_95, %mul3A_596 : i32
        %add3A_598 = arith.constant 208 : i32
        %add3A_599 = arith.addi %mul3A_597, %add3A_598 : i32
        %swap3A_600 = arith.index_cast %add3A_599 : i32 to index
        %swap3A_601 = tpu.vector_load %arg11[%swap3A_600] {strides = array<i32>} : memref<8192xf32, #tpu.memory_space<vmem>>, vector<16xf32>,
        tpu.vector_store %arg11[%swap3A_600], %add3A_539 {strides = array<i32>} : memref<8192xf32, #tpu.memory_space<vmem>>, vector<16xf32>,
        %mul3A_602 = arith.constant 256 : i32
        %mul3A_603 = arith.muli %add3A_95, %mul3A_602 : i32
        %add3A_604 = arith.constant 224 : i32
        %add3A_605 = arith.addi %mul3A_603, %add3A_604 : i32
        %swap3A_606 = arith.index_cast %add3A_605 : i32 to index
        %swap3A_607 = tpu.vector_load %arg11[%swap3A_606] {strides = array<i32>} : memref<8192xf32, #tpu.memory_space<vmem>>, vector<16xf32>,
        tpu.vector_store %arg11[%swap3A_606], %add3A_564 {strides = array<i32>} : memref<8192xf32, #tpu.memory_space<vmem>>, vector<16xf32>,
        %mul3A_608 = arith.constant 256 : i32
        %mul3A_609 = arith.muli %add3A_95, %mul3A_608 : i32
        %add3A_610 = arith.constant 240 : i32
        %add3A_611 = arith.addi %mul3A_609, %add3A_610 : i32
        %swap3A_612 = arith.index_cast %add3A_611 : i32 to index
        %swap3A_613 = tpu.vector_load %arg11[%swap3A_612] {strides = array<i32>} : memref<8192xf32, #tpu.memory_space<vmem>>, vector<16xf32>,
        tpu.vector_store %arg11[%swap3A_612], %add3A_589 {strides = array<i32>} : memref<8192xf32, #tpu.memory_space<vmem>>, vector<16xf32>,
      }
      %scan3A_83 = arith.constant 32 : i32
      %mul3A_84 = arith.constant 32 : i32
      %mul3A_85 = arith.muli %add3A_60, %mul3A_84 : i32
      %add3A_86 = arith.addi %mul3A_2, %mul3A_85 : i32
      %mul3A_87 = arith.constant 256 : i32
      %mul3A_88 = arith.muli %add3A_86, %mul3A_87 : i32
      %dma_start3A_89 = tpu.memref_slice %arg4[%mul3A_88] : memref<12582912xf32, #tpu.memory_space<hbm>> -> memref<8192xf32, #tpu.memory_space<hbm>>
      %dma_start3A_90 = tpu.memref_slice %arg4[%mul3A_88] : memref<12582912xf32, #tpu.memory_space<hbm>> -> memref<8192xf32, #tpu.memory_space<hbm>>
      tpu.enqueue_dma source(%arg11 : memref<8192xf32, #tpu.memory_space<vmem>>) target(%dma_start3A_90 : memref<8192xf32, #tpu.memory_space<hbm>>) target_semaphore(%arg15 : memref<!tpu.dma_semaphore, #tpu.memory_space<semaphore_mem>>)
    }
    %scan3A_16 = arith.constant 24 : i32
    %add3A_17 = arith.constant 0 : i32
    %add3A_18 = arith.addi %mul3A_2, %add3A_17 : i32
    %mul3A_19 = arith.constant 256 : i32
    %mul3A_20 = arith.muli %add3A_18, %mul3A_19 : i32
    %dma_wait3A = tpu.memref_slice %arg4[%mul3A_20] : memref<12582912xf32, #tpu.memory_space<hbm>> -> memref<8192xf32, #tpu.memory_space<hbm>>
    %dma_wait3A_21 = tpu.memref_slice %arg4[%mul3A_20] : memref<12582912xf32, #tpu.memory_space<hbm>> -> memref<8192xf32, #tpu.memory_space<hbm>>
    tpu.wait_dma2 semaphore(%arg14 : memref<!tpu.dma_semaphore, #tpu.memory_space<semaphore_mem>>) src(%arg10 : memref<8192xf32, #tpu.memory_space<vmem>>) dst(%dma_wait3A_21 : memref<8192xf32, #tpu.memory_space<hbm>>)
    %add3A_22 = arith.constant 0 : i32
    %add3A_23 = arith.addi %mul3A_2, %add3A_22 : i32
    %mul3A_24 = arith.constant 256 : i32
    %mul3A_25 = arith.muli %add3A_23, %mul3A_24 : i32
    %dma_wait3A_26 = tpu.memref_slice %arg4[%mul3A_25] : memref<12582912xf32, #tpu.memory_space<hbm>> -> memref<8192xf32, #tpu.memory_space<hbm>>
    %dma_wait3A_27 = tpu.memref_slice %arg4[%mul3A_25] : memref<12582912xf32, #tpu.memory_space<hbm>> -> memref<8192xf32, #tpu.memory_space<hbm>>
    tpu.wait_dma2 semaphore(%arg15 : memref<!tpu.dma_semaphore, #tpu.memory_space<semaphore_mem>>) src(%arg11 : memref<8192xf32, #tpu.memory_space<vmem>>) dst(%dma_wait3A_27 : memref<8192xf32, #tpu.memory_space<hbm>>)
    return
  }
}

</mosaic_0001>

<sc_bundles>
// kernel: kernel.3.cloned.1.call-start
scs
__scs_entry_jumppad:
0x0: {  	(pc) =	sbr.rel $0x88, $3  }
0x1: {  	(tag) =	ssettag $0x0;
	lr =	simm.s32 $0x1  }
0x2: {  	[smem:$0x3F9F] =	sst lr;
	_ =	strace $0xD0000000  }
0x3: {  	_ = 	snop  }
0x4: {  	_ = 	snop  }
0x5: {  	_ = 	snop  }
0x6: {  	_ = 	snop  }
0x7: {  	_ = 	snop  }
__scs_overlays_trampoline_lowered:
0x8: {  	[smem:$0x3FAE] =	sst s0  }
0x9: {  	[smem:$0x3FAF] =	sst s1  }
0xa: {  	[smem:$0x3FB0] =	sst s2  }
0xb: {  	[smem:$0x3FB1] =	sst s3  }
0xc: {  	[smem:$0x3FB2] =	sst s4  }
0xd: {  	[smem:$0x3FB3] =	sst s5  }
0xe: {  	[smem:$0x3FB4] =	sst s6  }
0xf: {  	[smem:$0x3FB5] =	sst s7  }
0x10: {  	[smem:$0x3FB6] =	sst s8  }
0x11: {  	[smem:$0x3FB7] =	sst s9;
	s0 =	simm.s32 @!p0 $0x0  }
0x12: {  	s1 =	sld [smem:$0x3F9D];
	s0 =	simm.s32 @p0 $0x1  }
0x13: {  	[smem:$0x3FB8] =	sst s0;
	s0 =	simm.s32 @!p1 $0x0  }
0x14: {  	s2 =	sld [smem:$0x3F9C];
	s0 =	simm.s32 @p1 $0x1  }
0x15: {  	[smem:$0x3FB9] =	sst s0;
	s0 =	simm.s32 @!p2 $0x0  }
0x16: {  	s3 =	sld [smem:$0x3FDB];
	s0 =	simm.s32 @p2 $0x1  }
0x17: {  	s4 =	simm.s32 $0x1BF5;
	[smem:$0x3FBB] =	sst s0  }
0x18: {  	s0 =	sld [smem:$0x3F9E];
	_ =	swait.ge [sflag:s4], $0x0  }
0x19: {  	s7 =	sld [smem:$0x3F9F]  }
0x1a: {  	s8 =	sadd.s32 $0xFFFFE003, lr  }
0x1b: {  	s9 =	sadd.s32 $0xFFFFFEF7, lr;
	s5 =	simm.s32 $0xFFFFFFFF;
	p2 =	slt.u32 s8, $0xFFFFF086  }
0x1c: {  	p1 =	slt.u32 s9, $0xF7A;
	s5 =	simm.s32 @!p2 $0x0  }
0x1d: {  	s5 =	simm.s32 @p1 $0x1;
	p0 =	seq.s32 s7, s2  }
0x1e: {  	s7 =	smul.u32 @!p0 $0xF7A, s2;
	p2 =	seq.s32 @!p0 s5, $0x0  }
0x1f: {  	s9 =	smul.u32 $0xF7A, s1;
	s8 =	simm.s32 @!p0 $0x1BF5;
	p2 =	por !p2, p0  }
0x20: {  	[sflag:s8] =	ssyncset.s32 @!p0 $0xFFFFF086;
	s6 =	sadd.s32 @!p0 s3, s7;
	s7 =	simm.s32 @!p0 $0x108  }
0x21: {  	s3 =	sadd.s32 s3, s9;
	s6 =	sadd.s32 @!p0 $0x88, s6;
	s7 =	simm.s32 @p2 $0x1082  }
0x22: {  	[simem:s7], [sflag:s8] =	dma.local @!p0 [hbm:s6], $0xF7A  }
0x23: {  	s9 =	sor.u32 $0xD0000000, s2;
	s6 =	simm.s32 $0x108;
	_ =	swait.ge @!p0 [sflag:s8], $0x0  }
0x24: {  	s3 =	sadd.s32 $0x88, s3;
	s6 =	simm.s32 @!p1 $0x1082;
	[sflag:s4] =	ssyncset.s32 $0xFFFFF086  }
0x25: {  	[simem:s6], [sflag:s4] =	dma.local [hbm:s3], $0xF7A  }
0x26: {  	[smem:$0x3F9F] =	sst s1;
	(tag) =	ssettag s2;
	_ =	strace s9  }
0x27: {  	s1 =	sld [smem:$0x3FAF]  }
0x28: {  	s2 =	sld [smem:$0x3FB0]  }
0x29: {  	s4 =	sld [smem:$0x3FB2]  }
0x2a: {  	p0 =	seq.s32 s5, $0x0;
	s5 =	sld [smem:$0x3FB3]  }
0x2b: {  	s6 =	sld [smem:$0x3FB4]  }
0x2c: {  	s7 =	sld [smem:$0x3FB5]  }
0x2d: {  	s3 =	simm.s32 $0x108;
	s8 =	sld [smem:$0x3FB6]  }
0x2e: {  	s3 =	simm.s32 @!p0 $0x1082;
	s9 =	sld [smem:$0x3FB7]  }
0x2f: {  	lr =	sadd.s32 s0, s3;
	s0 =	sld [smem:$0x3FAE]  }
0x30: {  	s3 =	sld [smem:$0x3FB1]  }
0x31: {  	[smem:$0x3FBA] =	sst s10  }
0x32: {  	s10 =	sld [smem:$0x3FB8];
	_ =	sdelay $0x3  }
0x33: {  	p0 =	seq.s32 s10, $0x1;
	s10 =	sld [smem:$0x3FBA];
	_ =	sdelay $0x3  }
0x34: {  	[smem:$0x3FBA] =	sst s10  }
0x35: {  	s10 =	sld [smem:$0x3FB9];
	_ =	sdelay $0x3  }
0x36: {  	p1 =	seq.s32 s10, $0x1;
	s10 =	sld [smem:$0x3FBA];
	_ =	sdelay $0x3  }
0x37: {  	[smem:$0x3FBA] =	sst s10  }
0x38: {  	s10 =	sld [smem:$0x3FBB]  }
0x39: {  	_ = 	snop;
	(pc) =	sbr.ind lr, $3  }
0x3a: {  	_ = 	snop  }
0x3b: {  	_ = 	snop  }
0x3c: {  	p2 =	seq.s32 s10, $0x1;
	s10 =	sld [smem:$0x3FBA]  }
0x3d: {  	_ =	shalt  }
0x3e: {  	_ =	shalt  }
0x3f: {  	_ =	shalt  }
0x40: {  	_ =	shalt  }
0x41: {  	_ =	shalt  }
0x42: {  	_ =	shalt  }
0x43: {  	_ =	shalt  }
0x44: {  	_ =	shalt  }
0x45: {  	_ =	shalt  }
0x46: {  	_ =	shalt  }
0x47: {  	_ =	shalt  }
0x48: {  	_ =	shalt  }
0x49: {  	_ =	shalt  }
0x4a: {  	_ =	shalt  }
0x4b: {  	_ =	shalt  }
0x4c: {  	_ =	shalt  }
0x4d: {  	_ =	shalt  }
0x4e: {  	_ =	shalt  }
0x4f: {  	_ =	shalt  }
0x50: {  	_ =	shalt  }
0x51: {  	_ =	shalt  }
0x52: {  	_ =	shalt  }
0x53: {  	_ =	shalt  }
0x54: {  	_ =	shalt  }
0x55: {  	_ =	shalt  }
0x56: {  	_ =	shalt  }
0x57: {  	_ =	shalt  }
0x58: {  	_ =	shalt  }
0x59: {  	_ =	shalt  }
0x5a: {  	_ =	shalt  }
0x5b: {  	_ =	shalt  }
0x5c: {  	_ =	shalt  }
0x5d: {  	_ =	shalt  }
0x5e: {  	_ =	shalt  }
0x5f: {  	_ =	shalt  }
0x60: {  	_ =	shalt  }
0x61: {  	_ =	shalt  }
0x62: {  	_ =	shalt  }
0x63: {  	_ =	shalt  }
0x64: {  	_ =	shalt  }
0x65: {  	_ =	shalt  }
0x66: {  	_ =	shalt  }
0x67: {  	_ =	shalt  }
0x68: {  	_ =	shalt  }
0x69: {  	_ =	shalt  }
0x6a: {  	_ =	shalt  }
0x6b: {  	_ =	shalt  }
0x6c: {  	_ =	shalt  }
0x6d: {  	_ =	shalt  }
0x6e: {  	_ =	shalt  }
0x6f: {  	_ =	shalt  }
0x70: {  	_ =	shalt  }
0x71: {  	_ =	shalt  }
0x72: {  	_ =	shalt  }
0x73: {  	_ =	shalt  }
0x74: {  	_ =	shalt  }
0x75: {  	_ =	shalt  }
0x76: {  	_ =	shalt  }
0x77: {  	_ =	shalt  }
0x78: {  	_ =	shalt  }
0x79: {  	_ =	shalt  }
0x7a: {  	_ =	shalt  }
0x7b: {  	_ =	shalt  }
0x7c: {  	_ =	shalt  }
0x7d: {  	_ =	shalt  }
0x7e: {  	_ =	shalt  }
0x7f: {  	_ =	shalt  }
0x80: {  	_ =	shalt  }
0x81: {  	_ =	shalt  }
0x82: {  	_ =	shalt  }
0x83: {  	_ =	shalt  }
0x84: {  	_ =	shalt  }
0x85: {  	_ =	shalt  }
0x86: {  	_ =	shalt  }
0x87: {  	_ =	shalt  }
.Lfunc_end0:
.L_simem_size_0:
called_computation.2_lowered:
.L_overlay_start_0:
0x88: {  	s2 =	sld [smem:$0x3FD9]  }
0x89: {  	s3 =	sld [smem:$0x3FFE];
	_ =	sdelay $0x1  }
0x8a: {  	s1 =	srdreg.scid  }
0x8b: {  	s0 =	sand.u32 $0x1, s1  }
0x8c: {  	s17 =	sshll.u32 s0, $0xA;
	s2 =	sadd.s32 s3, s2  }
0x8d: {  	s2 =	sadd.s32 s2, s17  }
0x8e: {  	[smem:$0x3FC6] =	sst s2  }
0x8f: {  	_ = 	snop  }
0x90: {  	s2 =	sld [smem:$0x3FD0];
	(tm) =	ssettm $0x1  }
0x91: {  	s18 =	sld [smem:$0x3FFB];
	_ =	sdelay $0x3  }
0x92: {  	_ =	strace s18  }
0x93: {  	s3 =	sld [smem:$0x3FFC];
	_ =	sdelay $0x3  }
0x94: {  	_ =	strace s3  }
0x95: {  	s3 =	sld [smem:$0x3FFD];
	_ =	sdelay $0x3  }
0x96: {  	_ =	strace s3  }
0x97: {  	_ =	strace $0x8FFFFFFF  }
0x98: {  	s19 =	sld [smem:$0x3FDB];
	_ =	sdelay $0x1  }
0x99: {  	s4 =	simm.s32 $_scs_section_size  }
0x9a: {  	s5 =	simm.s32 $_size__tile_overlayer_lowered;
	s6 =	simm.s32 $_tile_overlayer_lowered  }
0x9b: {  	s22 =	simm.s32 $0x1BFF;
	s21 =	sshll.u32 s6, $0x1;
	s3 =	sadd.s32 s4, s19  }
0x9c: {  	s7 =	simm.s32 $0x0;
	s20 =	sshll.u32 s5, $0x1;
	s5 =	sadd.s32 s21, s3  }
0x9d: {  	[timem:s7], [sflag:s22] =	dma.local [hbm:s5], s20  }
0x9e: {  	_ =	swait.ge [sflag:s22], s20  }
0x9f: {  	s4 =	ssub.s32 $0x0, s20;
	[sflag:s22] =	ssyncset.done $0x0  }
0xa0: {  	[sflag:s22] =	ssyncadd.s32 s4;
	_ =	sdelay $0x1  }
0xa1: {  	s23 =	simm.s32 $0x1B8B  }
0xa2: {  	_ =	swait.ge [sflag:s23], $0x1  }
0xa3: {  	[sflag:s23] =	ssyncset.done $0x0  }
0xa4: {  	s25 =	simm.s32 $0x1B8E;
	s24 =	sld [smem:$0x3FFE];
	[sflag:s23] =	ssyncadd.s32 $0xFFFFFFFF  }
0xa5: {  	s26 =	simm.s32 $execute0_lowered;
	[smem:$0x3FD2] =	sst s25  }
0xa6: {  	s5 =	sshll.u32 s26, $0x1;
	_ =	strace $0x80000049;
	[dreg:$0x1] =	wrdreg $0xFFFFFFFF  }
0xa7: {  	s28 =	simm.s32 $_size_execute0_lowered;
	s3 =	sadd.s32 s3, s5;
	[dreg:$0x0] =	wrdreg $0x0  }
0xa8: {  	s5 =	sshll.u32 s28, $0x1;
	[dreg:$0x2] =	wrdreg s3  }
0xa9: {  	[dreg:$0x3] =	wrdreg s5  }
0xaa: {  	[dreg:$0x4] =	wrdreg $0xC0  }
0xab: {  	_ =	task [dreg:s7], $0x5FFFF  }
0xac: {  	[dreg:$0x1] =	wrdreg $0xFFFFFFFF  }
0xad: {  	[dreg:$0x0] =	wrdreg $0x60  }
0xae: {  	[dreg:$0x2] =	wrdreg s2  }
0xaf: {  	[dreg:$0x3] =	wrdreg s24  }
0xb0: {  	[dreg:$0x4] =	wrdreg $0x9  }
0xb1: {  	_ =	task.clear_ibuf [dreg:s7], $0x5FFFF;
	_ =	strace $0x90000049  }
0xb2: {  	s29 =	simm.s32 $0x9;
	_ =	strace $0x8000004B  }
0xb3: {  	_ =	swait.ge [sflag:s29], $0x1  }
0xb4: {  	[sflag:s29] =	ssyncadd.s32 $0xFFFFFFFF  }
0xb5: {  	_ =	strace $0x9000004B  }
0xb6: {  	_ =	sfence  }
0xb7: {  	s30 =	sld [smem:$0x0];
	_ =	sdelay $0x2  }
0xb8: {  	s31 =	sshll.u32 s1, $0xD;
	s1 =	sshrl.u32 s1, $0x2  }
0xb9: {  	s3 =	sand.u32 $0x4000, s31;
	s1 =	sadd.s32 s1, s30  }
0xba: {  	s0 =	sor.u32 s3, s0;
	s1 =	sshll.u32 s1, $0x11  }
0xbb: {  	s0 =	sor.u32 s1, s0  }
0xbc: {  	s0 =	sadd.s32 $0x8F2B, s0  }
0xbd: {  	[sflag:s0] =	ssyncadd.remote.s32 $0x1  }
0xbe: {  	_ =	sfence.sel $0xFFFF  }
0xbf: {  	[dreg:$0x0] =	wrdreg $0xFFFFFFFF;
	(pc) =	sbr.abs _section_cstart, $3  }
0xc0: {  	[dreg:$0x1] =	wrdreg $0xFFFFFFFF  }
0xc1: {  	_ =	task.clear_ibuf [dreg:s7], $0x2FFFF;
	_ =	strace $0x9FFFFFFF  }
0xc2: {  	(tm) =	ssettm $0x7FFFFFFF  }
0xc3: {  	_ =	shalt  }
tec
execute0_lowered:
.L_overlay_start_1:
0x0: {  	(tag) =	ssettag $0x1  }
0x1: {  	s0 =	rddreg [dreg:$0x1]  }
0x2: {  	s19 =	simm.s32 $0x0;
	s2 =	srdreg.scid;
	s1 =	stileid.u32;
	v2 =	vimm.s32 $0xECA86420  }
0x3: {  	v0 =	vlaneseq.u32;
	v1 =	vimm.s32 $0x0;
	vm0 =	vcmask $0xB08;
	[smem:$0x7FF] =	sst s19;
	s2 =	sand.u32 $0x1, s2;
	s3 =	sadd.s32 $0xE00, s0  }
0x4: {  	vm1 =	vcmask $0x1310;
	vm2 =	vcmask $0x1B18;
	vm3 =	vcmask $0x300;
	s7 =	smul.u32 $0xC00, s1;
	s8 =	sshll.u32 s1, $0x1;
	s5 =	sadd.s32 $0x1200, s0  }
0x5: {  	vm4 =	vcmask $0x2320;
	vm5 =	vcmask $0x2B28;
	vm6 =	vcmask $0x3330;
	_ =	strace $0x8000004A;
	[dreg:$0x3] =	wrdreg s3;
	s9 =	smul.u32 $0x600, s2  }
0x6: {  	vm7 =	vcmask $0x3B38;
	vm8 =	vmmov $0xff;
	v5 =	vimm.f32 $0.0e+00;
	s4 =	ssub.s32 $0x2, s2;
	s2 =	sor.u32 s2, s8;
	[dreg:$0x4] =	wrdreg s5  }
0x7: {  	vm9 =	vmmov $0xffff;
	v2 =	vunpack.c.l.s4.s8 v2;
	v3 =	vmul.u32 $0x4, v0;
	s6 =	sshrl.u32 s4, $0x1;
	s30 =	smul.u32 $0x60000, s2;
	s31 =	sadd.s32 s9, s7  }
0x8: {  	v4 =	vmul.u32 $0x2, v0;
	v9 =	vand.u32 $0x7, v0;
	v10 =	vshrl.u32 v0, $0x3;
	s29 =	ssub.s32 s4, s6;
	[dreg:$0x7] =	wrdreg s31  }
0x9: {  	v11 =	vor.u32 $0x8, v0;
	v10 =	vmul.u32 $0x8, v10;
	v2 =	vunpack.c.0.s8.s32 v2;
	s0 =	smax.u32 s29, $0x1;
	[dreg:$0x5] =	wrdreg s30  }
0xa: {  	v6 =	vor.u32 $0x1, v3;
	v7 =	vor.u32 $0x2, v3;
	v8 =	vor.u32 $0x3, v3;
	s2 =	simm.s32 $0x0;
	[dreg:$0x6] =	wrdreg s0  }
.LBB2_1:
0xb: {  	s1 =	rddreg [dreg:$0x7]  }
0xc: {  	v12 =	vor.u32 s1, v0  }
0xd: {  	v13 =	vmulhi.u32 $0x5397829D, v12;
	_ =	sdelay $0x1  }
0xe: {  	v13 =	vshrl.u32 v13, $0x4  }
0xf: {  	v14 =	vmul.u32 $0xFFFFFFCF, v13  }
0x10: {  	v15 =	vmov s1;
	v16 =	vsub.s32 $0x0, v12  }
0x11: {  	vm10 =	veq.s32 v15, v0;
	vm11 =	vne.s32 v14, v16  }
0x12: {  	vm10 =	vmand vm10, vm11  }
0x13: {  	v14 =	vsel vm10, $0xFFFFFFFF, v1  }
0x14: {  	[dreg:$0x8] =	wrdreg s2;
	v14 =	vadd.s32 v14, v13  }
0x15: {  	s0 =	rddreg [dreg:$0x3];
	s3 =	simm.s32 $0x5;
	v13 =	vmul.u32 $0xFFFFFFCF, v14  }
0x16: {  	[tilespmem:s19], [sflag:$0x5] =	stream.linear.gather [hbm4b:s0+s19], $0x1400, $0x38;
	[tilespmem:$0x18400] =	vst v63  }
0x17: {  	_ =	swait.ge [sflag:s3], $0x1400;
	v13 =	vadd.s32 v12, v13  }
0x18: {  	(v2sf) =	vpush v13, $0x2  }
0x19: {  	(v2sf) =	vpush v13, $0x5;
	_ =	sdelay $0x2  }
0x1a: {  	(v2sf) =	vpush v13, $0xC  }
0x1b: {  	(v2sf) =	vpush v13, $0x1;
	_ =	sdelay $0x1  }
0x1c: {  	(v2sf) =	vpush v13, $0x0;
	_ =	sdelay $0x1  }
0x1d: {  	(v2sf) =	vpush v13, $0x8  }
0x1e: {  	(v2sf) =	vpush v13, $0x9  }
0x1f: {  	(v2sf) =	vpush v13, $0xD  }
0x20: {  	(v2sf) =	vpush v13, $0x3  }
0x21: {  	(v2sf) =	vpush v13, $0xE;
	_ =	sdelay $0x1  }
0x22: {  	s11 =	spop (v2sf)  }
0x23: {  	s4 =	spop (v2sf);
	s7 =	smulhi.u32 $0x92492493, s11  }
0x24: {  	s30 =	sshra.s32 s11, $0x1F;
	s9 =	smulhi.u32 $0x92492493, s4  }
0x25: {  	s20 =	sshra.s32 s4, $0x1F;
	s30 =	smul.u32 $0x92492493, s30  }
0x26: {  	s8 =	spop (v2sf);
	s13 =	smul.u32 $0x92492493, s20  }
0x27: {  	s12 =	spop (v2sf);
	s15 =	smulhi.u32 $0x92492493, s8  }
0x28: {  	(v2sf) =	vpush v13, $0x4;
	s29 =	sshra.s32 s8, $0x1F;
	s26 =	smulhi.u32 $0x92492493, s12  }
0x29: {  	s14 =	spop (v2sf);
	(v2sf) =	vpush v13, $0x6;
	s29 =	smul.u32 $0x92492493, s29  }
0x2a: {  	s23 =	smulhi.u32 $0x92492493, s14;
	s24 =	sshra.s32 s14, $0x1F  }
0x2b: {  	s22 =	ssub.s32 s7, s11;
	s0 =	spop (v2sf);
	(v2sf) =	vpush v13, $0xF;
	s24 =	smul.u32 $0x92492493, s24  }
0x2c: {  	s25 =	spop (v2sf);
	s21 =	smulhi.u32 $0x92492493, s0;
	s26 =	ssub.s32 s26, s12  }
0x2d: {  	s12 =	sshra.s32 s12, $0x1F;
	s28 =	spop (v2sf);
	s20 =	smulhi.u32 $0x92492493, s25  }
0x2e: {  	s9 =	ssub.s32 s9, s4;
	(v2sf) =	vpush v13, $0x7;
	s12 =	smul.u32 $0x92492493, s12;
	s4 =	spop (v2sf)  }
0x2f: {  	s14 =	ssub.s32 s23, s14;
	s31 =	smulhi.u32 $0x92492493, s28;
	(v2sf) =	vpush v13, $0xA;
	s16 =	spop (v2sf)  }
0x30: {  	s17 =	sshra.s32 s25, $0x1F;
	s14 =	sadd.s32 s24, s14;
	s24 =	smulhi.u32 $0x92492493, s16  }
0x31: {  	s22 =	sadd.s32 s30, s22;
	s17 =	smul.u32 $0x92492493, s17;
	(v2sf) =	vpush v13, $0xB  }
0x32: {  	s11 =	sshra.s32 s16, $0x1F;
	s16 =	ssub.s32 s24, s16;
	s24 =	sadd.s32 $0x10, s1  }
0x33: {  	s8 =	ssub.s32 s15, s8;
	s6 =	sshra.s32 s28, $0x1F;
	s5 =	smulhi.u32 $0x92492493, s4;
	v12 =	vor.u32 s24, v0  }
0x34: {  	s23 =	ssub.s32 s21, s0;
	s0 =	sshra.s32 s0, $0x1F;
	s7 =	smul.u32 $0x92492493, s6;
	v15 =	vmulhi.u32 $0x5397829D, v12  }
0x35: {  	s8 =	sadd.s32 s29, s8;
	s18 =	sshra.s32 s4, $0x1F;
	s0 =	smul.u32 $0x92492493, s0  }
0x36: {  	s20 =	ssub.s32 s20, s25;
	s12 =	sadd.s32 s12, s26;
	s10 =	smul.u32 $0x92492493, s18;
	v15 =	vshrl.u32 v15, $0x4  }
0x37: {  	s18 =	spop (v2sf);
	s28 =	ssub.s32 s31, s28;
	s17 =	sadd.s32 s17, s20;
	v16 =	vmul.u32 $0xFFFFFFCF, v15  }
0x38: {  	s2 =	ssub.s32 s5, s4;
	s21 =	smul.u32 $0x92492493, s11;
	v17 =	vmov s24;
	v18 =	vsub.s32 $0x0, v12;
	s4 =	spop (v2sf)  }
0x39: {  	s15 =	sadd.s32 s10, s2;
	vm10 =	veq.s32 v17, v0;
	vm11 =	vne.s32 v16, v18;
	s26 =	smulhi.u32 $0x92492493, s4;
	s5 =	sshra.s32 s4, $0x1F  }
0x3a: {  	s2 =	sadd.s32 s13, s9;
	v16 =	vmov s14;
	s6 =	spop (v2sf);
	vm10 =	vmand vm10, vm11;
	s9 =	smul.u32 $0x92492493, s5  }
0x3b: {  	s7 =	sadd.s32 s7, s28;
	v16 =	vnsel vm3, $0x0, v16;
	s28 =	smulhi.u32 $0x92492493, s6;
	s30 =	sshra.s32 s6, $0x1F;
	v17 =	vsel vm10, $0xFFFFFFFF, v1  }
0x3c: {  	s0 =	sadd.s32 s0, s23;
	v18 =	vmov s8;
	v16 =	vsel vm0, s12, v16;
	s5 =	sshra.s32 s18, $0x1F;
	s10 =	smul.u32 $0x92492493, s30;
	v17 =	vadd.s32 v17, v15  }
0x3d: {  	s16 =	sadd.s32 s21, s16;
	s31 =	spop (v2sf);
	v15 =	vsel vm1, s22, v16;
	v16 =	vsel vm0, s7, v18;
	s8 =	smul.u32 $0x92492493, s5;
	v18 =	vmul.u32 $0xFFFFFFCF, v17  }
0x3e: {  	s30 =	spop (v2sf);
	s13 =	ssub.s32 s28, s6;
	s28 =	smulhi.u32 $0x92492493, s18  }
0x3f: {  	s23 =	sshra.s32 s31, $0x1F;
	s11 =	smulhi.u32 $0x92492493, s30;
	s29 =	sshra.s32 s30, $0x1F;
	v12 =	vadd.s32 v12, v18  }
0x40: {  	s13 =	sadd.s32 s10, s13;
	s1 =	spop (v2sf);
	s21 =	smul.u32 $0x92492493, s29;
	(v2sf) =	vpush v12, $0x2  }
0x41: {  	v19 =	vmov s0;
	s10 =	smulhi.u32 $0x92492493, s1;
	s6 =	ssub.s32 s11, s30;
	s11 =	sshra.s32 s1, $0x1F  }
0x42: {  	v19 =	vsel vm0, s17, v19;
	s28 =	ssub.s32 s28, s18;
	s12 =	sadd.s32 s21, s6;
	s21 =	smul.u32 $0x92492493, s11  }
0x43: {  	vm10 =	vlt.s32 v14, $0x3E7;
	v15 =	vsel vm2, s15, v15;
	v16 =	vsel vm1, s16, v16;
	s25 =	smulhi.u32 $0x92492493, s31;
	s22 =	sadd.s32 s8, s28;
	s20 =	ssub.s32 s10, s1  }
0x44: {  	s4 =	ssub.s32 s26, s4;
	v16 =	vsel vm2, s13, v16;
	s8 =	smul.u32 $0x92492493, s23;
	v15 =	vsel vm4, s22, v15;
	v18 =	vsel vm1, s12, v19;
	s0 =	sadd.s32 s21, s20  }
0x45: {  	s4 =	sadd.s32 s9, s4;
	s26 =	ssub.s32 s25, s31;
	(v2sf) =	vpush v12, $0x5;
	v15 =	vsel vm5, s2, v15;
	v18 =	vsel vm2, s0, v18  }
0x46: {  	s31 =	sadd.s32 s8, s26;
	(v2sf) =	vpush v12, $0xC;
	v15 =	vsel vm6, s4, v15;
	v16 =	vcombine.low v18, v16  }
0x47: {  	v14 =	vnsel vm10, $0x3E7, v14;
	(v2sf) =	vpush v12, $0x1;
	v15 =	vsel vm7, s31, v15  }
0x48: {  	v14 =	vmul.u32 $0x5, v14;
	v15 =	vperm.xlane v15, v4;
	v16 =	vperm.xlane v16, v2  }
0x49: {  	(v2sf) =	vpush v12, $0x0  }
0x4a: {  	(v2sf) =	vpush v12, $0x8;
	v15 =	vsel vm8, v15, v16;
	v16 =	vadd.s32 $0x4, v14  }
0x4b: {  	v18 =	vadd.s32 $0x2, v14;
	(v2sf) =	vpush v12, $0x9;
	v15 =	vadd.s32 v13, v15  }
0x4c: {  	(v2sf) =	vpush v12, $0xD;
	v19 =	vshrl.u32 v15, $0x1F;
	v15 =	vshra.s32 v15, $0x2  }
0x4d: {  	[sflag:s3] =	ssyncset.done $0x0;
	(v2sf) =	vpush v12, $0x3;
	v19 =	vadd.s32 v19, v15  }
0x4e: {  	[sflag:s3] =	ssyncadd.s32 $0xFFFFEC00;
	v20 =	vadd.s32 $0x3, v14;
	v15 =	vmul.u32 $0xFFFFFFF9, v19  }
0x4f: {  	v21 =	vadd.s32 $0x1, v14;
	v22 =	vld.idx.msk [tilespmem:v16+s19+$0x0], $0xffff;
	s30 =	spop (v2sf);
	(v2sf) =	vpush v12, $0xE  }
0x50: {  	vm10 =	vlt.s32 v13, $0x1;
	v16 =	vadd.s32 v13, v15;
	v15 =	vld.idx.msk [tilespmem:v18+s19+$0x0], $0xffff;
	(v2sf) =	vpush v12, $0x4  }
0x51: {  	vm11 =	vlt.s32 v16, $0x0;
	v13 =	vadd.s32 $0x7, v16;
	vm12 =	vne.s32 v16, $0x0  }
0x52: {  	v13 =	vsel vm11, v13, v16;
	vm11 =	vlt.s32 v17, $0x3E7;
	vm10 =	vmand vm10, vm12  }
0x53: {  	s25 =	simm.s32 $0x0;
	s23 =	simm.s32 $0x40;
	v18 =	vcvt.s32.f32 v13;
	v16 =	vsel vm10, $0xFFFFFFFF, v1;
	v13 =	vnsel vm11, $0x3E7, v17;
	v17 =	vld.idx.msk [tilespmem:v20+s19+$0x0], $0xffff  }
0x54: {  	s26 =	simm.s32 $0x80;
	s4 =	smulhi.u32 $0x92492493, s30;
	s28 =	spop (v2sf);
	v20 =	vadd.s32 v16, v19;
	v16 =	vld.idx.msk [tilespmem:v21+s19+$0x0], $0xffff  }
0x55: {  	s29 =	smulhi.u32 $0x92492493, s28;
	s0 =	sshra.s32 s28, $0x1F;
	s2 =	spop (v2sf);
	v19 =	vmul.f32 $1.428571490e-01, v18;
	v20 =	vcvt.s32.f32 v20;
	v18 =	vsub.f32 v22, v15  }
.LBB2_2:
0x56: {  	p0 =	sne.s32 s26, $0x17C0;
	s8 =	smul.u32 $0x92492493, s0;
	s9 =	spop (v2sf)  }
0x57: {  	s0 =	smov.u32 s26;
	s7 =	sshra.s32 s2, $0x1F;
	s12 =	sshra.s32 s30, $0x1F  }
0x58: {  	s4 =	ssub.s32 s4, s30;
	s15 =	spop (v2sf);
	(v2sf) =	vpush v12, $0x6;
	v19 =	vadd.f32 $7.142857460e-02, v19;
	v20 =	vmul.f32 $1.428571490e-01, v20;
	s22 =	smulhi.u32 $0x92492493, s9  }
0x59: {  	v17 =	vsub.f32 v17, v16;
	s16 =	smulhi.u32 $0x92492493, s15;
	s13 =	sshra.s32 s15, $0x1F;
	s17 =	spop (v2sf);
	v14 =	vld.idx.msk [tilespmem:v14+s19+$0x0], $0xffff  }
0x5a: {  	s14 =	ssub.s32 s29, s28;
	s18 =	smul.u32 $0x92492493, s13;
	(v2sf) =	vpush v12, $0xF;
	s20 =	spop (v2sf);
	v20 =	vadd.f32 $7.142857460e-02, v20  }
0x5b: {  	s29 =	smulhi.u32 $0x92492493, s2;
	v17 =	vmul.f32 v17, v19;
	s13 =	sshra.s32 s20, $0x1F;
	s19 =	spop (v2sf)  }
0x5c: {  	s15 =	ssub.s32 s16, s15;
	s21 =	smulhi.u32 $0x92492493, s19;
	s16 =	spop (v2sf);
	(v2sf) =	vpush v12, $0x7;
	v18 =	vmul.f32 v18, v20  }
0x5d: {  	s28 =	smulhi.u32 $0x92492493, s17;
	s15 =	sadd.s32 s18, s15;
	v16 =	vadd.f32 v17, v16;
	s18 =	sshra.s32 s16, $0x1F;
	(v2sf) =	vpush v12, $0xA  }
0x5e: {  	s22 =	ssub.s32 s22, s9;
	s3 =	smulhi.u32 $0x92492493, s20;
	s5 =	spop (v2sf);
	(v2sf) =	vpush v12, $0xB;
	v15 =	vadd.f32 v18, v15  }
0x5f: {  	s1 =	sshra.s32 s9, $0x1F;
	v14 =	vtrunc.f32 v14;
	v16 =	vmul.f32 $2.500000000e-01, v16;
	s6 =	smulhi.u32 $0x92492493, s5;
	s9 =	spop (v2sf)  }
0x60: {  	s10 =	sshra.s32 s19, $0x1F;
	s11 =	smulhi.u32 $0x92492493, s16;
	v14 =	vcvt.f32.s32 v14;
	s31 =	sshra.s32 s9, $0x1F;
	v15 =	vmul.f32 $2.500000000e-01, v15  }
0x61: {  	s30 =	ssub.s32 s29, s2;
	s28 =	ssub.s32 s28, s17;
	s10 =	smul.u32 $0x92492493, s10;
	v18 =	vadd.f32 $-5.000000000e-01, v16  }
0x62: {  	s29 =	sshra.s32 s17, $0x1F;
	s3 =	ssub.s32 s3, s20;
	s2 =	smul.u32 $0x92492493, s18;
	v16 =	vmov s15;
	v19 =	vadd.f32 $-5.000000000e-01, v15  }
0x63: {  	s15 =	ssub.s32 s21, s19;
	s21 =	simm.s32 $0x1400;
	s19 =	simm.s32 $0x0;
	v17 =	vnsel vm3, $0x0, v16;
	v15 =	vadd.f32 $1.000000000e+00, v18  }
0x64: {  	s1 =	smul.u32 $0x92492493, s1;
	s17 =	sshra.s32 s5, $0x1F;
	s11 =	ssub.s32 s11, s16;
	v16 =	vadd.f32 $1.000000000e+00, v19  }
0x65: {  	s11 =	sadd.s32 s2, s11;
	s5 =	ssub.s32 s6, s5;
	s6 =	smul.u32 $0x92492493, s17;
	v20 =	vtrunc.f32 v15;
	v15 =	vor.u32 s25, v8  }
0x66: {  	s12 =	smul.u32 $0x92492493, s12;
	s1 =	sadd.s32 s1, s22;
	s2 =	sadd.s32 s8, s14;
	v20 =	vcvt.f32.s32 v20;
	v21 =	vtrunc.f32 v16;
	v16 =	vor.u32 s25, v6  }
0x67: {  	s8 =	sadd.s32 s10, s15;
	s10 =	smul.u32 $0x92492493, s13;
	v22 =	vsel vm0, s1, v17;
	v17 =	vor.u32 s25, v3;
	s1 =	spop (v2sf);
	v21 =	vcvt.f32.s32 v21  }
0x68: {  	s12 =	sadd.s32 s12, s4;
	v23 =	vadd.s32 $0xFFFFFFFF, v20;
	vm10 =	vlt.s32 v20, $0x80;
	vm12 =	vgt.s32 v20, $0x0;
	s13 =	smulhi.u32 $0x92492493, s1;
	s14 =	sshra.s32 s1, $0x1F  }
0x69: {  	s4 =	sadd.s32 s10, s3;
	v22 =	vsel vm1, s12, v22;
	s3 =	smul.u32 $0x92492493, s14;
	s10 =	spop (v2sf);
	v24 =	vadd.s32 $0xFFFFFFFF, v21;
	vm11 =	vgt.s32 v21, $0x0  }
0x6a: {  	s14 =	smulhi.u32 $0x92492493, s10;
	s12 =	sshra.s32 s10, $0x1F;
	s1 =	ssub.s32 s13, s1;
	v25 =	vcvt.s32.f32 v24;
	vm13 =	vgt.s32 v24, $0x0;
	v26 =	vnsel vm11, $0x0, v21  }
0x6b: {  	s5 =	sadd.s32 s6, s5;
	v22 =	vsel vm2, s11, v22;
	vm11 =	vgt.s32 v23, $0x0;
	s6 =	smul.u32 $0x92492493, s12;
	s12 =	spop (v2sf);
	v27 =	vnsel vm13, $0x0, v24  }
0x6c: {  	s7 =	smul.u32 $0x92492493, s7;
	s11 =	sshra.s32 s12, $0x1F;
	s13 =	spop (v2sf);
	v19 =	vsub.f32 v19, v25;
	v25 =	vnsel vm11, $0x0, v23;
	v27 =	vmin.u32 v27, $0x7F  }
0x6d: {  	vm11 =	vlt.s32 v21, $0x80;
	v21 =	vshll.u32 v14, $0xE;
	s15 =	smulhi.u32 $0x92492493, s13;
	s16 =	sshra.s32 s13, $0x1F;
	s17 =	spop (v2sf);
	v14 =	vshll.u32 v27, $0x7  }
0x6e: {  	s18 =	sadd.s32 s7, s30;
	v20 =	vnsel vm12, $0x0, v20;
	s7 =	sadd.s32 s3, s1;
	s16 =	smul.u32 $0x92492493, s16;
	v27 =	vsub.f32 $1.000000000e+00, v19;
	v14 =	vor.u32 v21, v14  }
0x6f: {  	s26 =	sadd.s32 $0x40, s26;
	v28 =	vmov s18;
	v20 =	vmin.u32 v20, $0x7F;
	vm12 =	vgt.s32 v24, $0xFFFFFFFF;
	s3 =	smulhi.u32 $0x92492493, s9;
	s1 =	sshra.s32 s17, $0x1F  }
0x70: {  	v24 =	vsel vm0, s8, v28;
	s8 =	ssub.s32 s14, s10;
	v25 =	vmin.u32 v25, $0x7F;
	s1 =	smul.u32 $0x92492493, s1;
	v28 =	vor.u32 v20, v14  }
0x71: {  	vm13 =	vgt.s32 v23, $0xFFFFFFFF;
	v24 =	vsel vm1, s5, v24;
	s5 =	sadd.s32 s6, s8;
	s3 =	ssub.s32 s3, s9;
	s6 =	smulhi.u32 $0x92492493, s17;
	v14 =	vor.u32 v25, v14  }
0x72: {  	s24 =	sadd.s32 $0x10, s24;
	v30 =	vor.u32 s25, v7;
	s25 =	smov.u32 s23;
	v29 =	vsel vm12, $0x3F800000, v5;
	v24 =	vsel vm2, s5, v24;
	s5 =	smulhi.u32 $0x92492493, s12;
	[tilespmem:v17+s21+$0x0] =	vst.idx.msk $0xffff, v14  }
0x73: {  	v31 =	vor.u32 s24, v0;
	s23 =	smov.u32 s0;
	v32 =	vsel vm10, $0x3F800000, v5;
	s8 =	smul.u32 $0x92492493, s31;
	s6 =	ssub.s32 s6, s17;
	v14 =	vmul.u32 $0x5, v13;
	[tilespmem:v16+s21+$0x0] =	vst.idx.msk $0xffff, v28  }
0x74: {  	s9 =	smul.u32 $0x92492493, s11;
	v33 =	vsel vm11, $0x3F800000, v5;
	s0 =	ssub.s32 s15, s13;
	s5 =	ssub.s32 s5, s12;
	v13 =	vmulhi.u32 $0x5397829D, v31;
	v28 =	vsel vm13, $0x3F800000, v5  }
0x75: {  	v34 =	vmov s24;
	v23 =	vcvt.s32.f32 v23;
	s3 =	sadd.s32 s8, s3;
	s0 =	sadd.s32 s16, s0;
	s1 =	sadd.s32 s1, s6;
	v35 =	vadd.s32 $0x4, v14  }
0x76: {  	vm10 =	veq.s32 v34, v0;
	v22 =	vsel vm4, s3, v22;
	s6 =	smul.u32 $0x92492493, s29;
	s3 =	sadd.s32 s9, s5;
	v13 =	vshrl.u32 v13, $0x4  }
0x77: {  	v18 =	vsub.f32 v18, v23;
	v23 =	vmin.u32 v26, $0x7F;
	v34 =	vmul.u32 $0xFFFFFFCF, v13  }
0x78: {  	v26 =	vsub.s32 $0x0, v31;
	v23 =	vshll.u32 v23, $0x7;
	v22 =	vsel vm5, s2, v22;
	s5 =	sadd.s32 s6, s28  }
0x79: {  	v21 =	vor.u32 v21, v23;
	v22 =	vsel vm6, s7, v22;
	vm11 =	vne.s32 v34, v26  }
0x7a: {  	v20 =	vor.u32 v20, v21;
	v23 =	vmov s5;
	vm10 =	vmand vm10, vm11  }
0x7b: {  	v21 =	vor.u32 v25, v21;
	v23 =	vsel vm0, s4, v23;
	v26 =	vsel vm10, $0xFFFFFFFF, v1  }
0x7c: {  	v25 =	vsub.f32 $1.000000000e+00, v18;
	v22 =	vsel vm7, s3, v22;
	v13 =	vadd.s32 v26, v13;
	[tilespmem:v30+s21+$0x0] =	vst.idx.msk $0xffff, v21  }
0x7d: {  	v23 =	vsel vm1, s0, v23;
	v21 =	vmul.u32 $0xFFFFFFCF, v13;
	[tilespmem:v15+s21+$0x0] =	vst.idx.msk $0xffff, v20;
	v20 =	vmul.f32 v19, v18  }
0x7e: {  	v22 =	vperm.xlane v22, v4;
	v23 =	vsel vm2, s1, v23;
	v26 =	vmul.f32 v27, v25  }
0x7f: {  	v23 =	vcombine.low v23, v24;
	v21 =	vadd.s32 v31, v21;
	v20 =	vmul.f32 v20, v33  }
0x80: {  	v24 =	vmul.f32 v26, v29;
	v19 =	vmul.f32 v25, v19;
	(v2sf) =	vpush v21, $0x2  }
0x81: {  	v23 =	vperm.xlane v23, v2;
	v18 =	vmul.f32 v27, v18;
	(v2sf) =	vpush v21, $0x5  }
0x82: {  	v24 =	vmul.f32 v24, v28;
	v19 =	vmul.f32 v19, v33;
	(v2sf) =	vpush v21, $0xC  }
0x83: {  	s0 =	simm.s32 $0x2C00;
	v25 =	vadd.s32 $0x3, v14;
	v18 =	vmul.f32 v18, v29;
	(v2sf) =	vpush v21, $0x1  }
0x84: {  	v22 =	vsel vm8, v22, v23;
	(v2sf) =	vpush v21, $0x0;
	[tilespmem:v17+s0+$0x0] =	vst.idx.msk $0xffff, v24;
	v17 =	vmul.f32 v19, v28  }
0x85: {  	vm10 =	vlt.s32 v13, $0x3E7;
	v18 =	vmul.f32 v18, v32;
	(v2sf) =	vpush v21, $0x8  }
0x86: {  	v13 =	vnsel vm10, $0x3E7, v13;
	v19 =	vadd.s32 $0x2, v14;
	(v2sf) =	vpush v21, $0x9  }
0x87: {  	v22 =	vadd.s32 v12, v22;
	(v2sf) =	vpush v21, $0xD;
	[tilespmem:v16+s0+$0x0] =	vst.idx.msk $0xffff, v18;
	v16 =	vmul.f32 v20, v32  }
0x88: {  	v18 =	vshrl.u32 v22, $0x1F;
	v20 =	vshra.s32 v22, $0x2;
	(v2sf) =	vpush v21, $0x3;
	[tilespmem:v30+s0+$0x0] =	vst.idx.msk $0xffff, v17  }
0x89: {  	v22 =	vadd.s32 $0x1, v14;
	v18 =	vadd.s32 v18, v20;
	[tilespmem:v15+s0+$0x0] =	vst.idx.msk $0xffff, v16  }
0x8a: {  	v16 =	vmul.u32 $0xFFFFFFF9, v18;
	(v2sf) =	vpush v21, $0xE;
	v23 =	vld.idx.msk [tilespmem:v35+s19+$0x0], $0xffff  }
0x8b: {  	(v2sf) =	vpush v21, $0x4;
	v15 =	vld.idx.msk [tilespmem:v19+s19+$0x0], $0xffff  }
0x8c: {  	vm10 =	vlt.s32 v12, $0x1;
	v19 =	vadd.s32 v12, v16;
	v12 =	vmov v21  }
.Ltmp0:
0x8d: {  	vm11 =	vne.s32 v19, $0x0;
	vm12 =	vlt.s32 v19, $0x0;
	v20 =	vadd.s32 $0x7, v19;
	v17 =	vld.idx.msk [tilespmem:v25+s19+$0x0], $0xffff;
	(pc) =	sbr.rel @p0 .LBB2_2-.Ltmp0, $4  }
0x8e: {  	v19 =	vsel vm12, v20, v19;
	vm10 =	vmand vm10, vm11;
	v16 =	vld.idx.msk [tilespmem:v22+s19+$0x0], $0xffff  }
0x8f: {  	v19 =	vcvt.s32.f32 v19;
	v20 =	vsel vm10, $0xFFFFFFFF, v1;
	s30 =	spop (v2sf)  }
0x90: {  	v18 =	vadd.s32 v20, v18;
	s4 =	smulhi.u32 $0x92492493, s30;
	s28 =	spop (v2sf)  }
0x91: {  	v19 =	vmul.f32 $1.428571490e-01, v19;
	v20 =	vcvt.s32.f32 v18;
	v18 =	vsub.f32 v23, v15;
	s29 =	smulhi.u32 $0x92492493, s28;
	s0 =	sshra.s32 s28, $0x1F;
	s2 =	spop (v2sf)  }
0x92: {  	s7 =	smul.u32 $0x92492493, s0  }
0x93: {  	s1 =	spop (v2sf);
	s13 =	smulhi.u32 $0x92492493, s2  }
0x94: {  	s15 =	sshra.s32 s30, $0x1F;
	s8 =	smulhi.u32 $0x92492493, s1  }
0x95: {  	s22 =	sshra.s32 s2, $0x1F;
	s18 =	smul.u32 $0x92492493, s15  }
0x96: {  	s4 =	ssub.s32 s4, s30;
	s3 =	spop (v2sf);
	s30 =	smul.u32 $0x92492493, s22  }
0x97: {  	(v2sf) =	vpush v12, $0x6;
	s5 =	smulhi.u32 $0x92492493, s3;
	s6 =	sshra.s32 s3, $0x1F;
	s0 =	spop (v2sf)  }
0x98: {  	v20 =	vmul.f32 $1.428571490e-01, v20;
	v19 =	vadd.f32 $7.142857460e-02, v19;
	v17 =	vsub.f32 v17, v16;
	s6 =	smul.u32 $0x92492493, s6;
	s9 =	spop (v2sf)  }
0x99: {  	(v2sf) =	vpush v12, $0xF;
	s24 =	sadd.s32 s18, s4;
	s18 =	smulhi.u32 $0x92492493, s0;
	s10 =	spop (v2sf)  }
0x9a: {  	s31 =	sshra.s32 s1, $0x1F;
	v20 =	vadd.f32 $7.142857460e-02, v20;
	v17 =	vmul.f32 v17, v19;
	s3 =	ssub.s32 s5, s3;
	s11 =	smulhi.u32 $0x92492493, s10  }
0x9b: {  	s12 =	spop (v2sf);
	s3 =	sadd.s32 s6, s3;
	s6 =	smul.u32 $0x92492493, s31  }
0x9c: {  	v14 =	vld.idx.msk [tilespmem:v14+s19+$0x0], $0xffff;
	(v2sf) =	vpush v12, $0x7;
	v18 =	vmul.f32 v18, v20;
	v40 =	vadd.f32 v17, v16;
	s26 =	sshra.s32 s12, $0x1F;
	s14 =	smulhi.u32 $0x92492493, s12  }
0x9d: {  	v21 =	vor.u32 s25, v8;
	s20 =	ssub.s32 s13, s2;
	s1 =	ssub.s32 s8, s1;
	(v2sf) =	vpush v12, $0xA;
	s5 =	smul.u32 $0x92492493, s26  }
0x9e: {  	v41 =	vmov s3;
	v15 =	vadd.f32 v18, v15;
	s1 =	sadd.s32 s6, s1;
	v16 =	vmul.f32 $2.500000000e-01, v40;
	s17 =	ssub.s32 s11, s10;
	s10 =	sshra.s32 s10, $0x1F  }
0x9f: {  	v22 =	vor.u32 s25, v6;
	v23 =	vor.u32 s25, v3;
	v17 =	vnsel vm3, $0x0, v41;
	s12 =	ssub.s32 s14, s12;
	s14 =	spop (v2sf);
	s10 =	smul.u32 $0x92492493, s10  }
0xa0: {  	s11 =	sadd.s32 s30, s20;
	(v2sf) =	vpush v12, $0xB;
	s16 =	smulhi.u32 $0x92492493, s14;
	v15 =	vmul.f32 $2.500000000e-01, v15;
	v16 =	vadd.f32 $-5.000000000e-01, v16;
	s8 =	sshra.s32 s14, $0x1F  }
0xa1: {  	v27 =	vor.u32 s25, v7;
	v14 =	vtrunc.f32 v14;
	v17 =	vsel vm0, s1, v17;
	s26 =	spop (v2sf);
	s31 =	smul.u32 $0x92492493, s8;
	s3 =	sadd.s32 s10, s17  }
0xa2: {  	v44 =	vmov s11;
	s17 =	smulhi.u32 $0x92492493, s26;
	v15 =	vadd.f32 $-5.000000000e-01, v15;
	s6 =	ssub.s32 s16, s14;
	v42 =	vadd.f32 $1.000000000e+00, v16;
	s16 =	sshra.s32 s26, $0x1F  }
0xa3: {  	v14 =	vcvt.f32.s32 v14;
	v17 =	vsel vm1, s24, v17;
	v20 =	vsel vm0, s3, v44;
	s1 =	sadd.s32 s31, s6;
	s3 =	smul.u32 $0x92492493, s16  }
0xa4: {  	s22 =	smulhi.u32 $0x92492493, s9;
	s5 =	sadd.s32 s5, s12;
	v43 =	vadd.f32 $1.000000000e+00, v15;
	v18 =	vtrunc.f32 v42;
	v20 =	vsel vm1, s1, v20;
	s1 =	ssub.s32 s17, s26  }
0xa5: {  	v13 =	vmul.u32 $0x5, v13;
	s20 =	sshra.s32 s9, $0x1F;
	s24 =	ssub.s32 s29, s28;
	v17 =	vsel vm2, s5, v17;
	v18 =	vcvt.f32.s32 v18;
	s1 =	sadd.s32 s3, s1  }
0xa6: {  	s4 =	smul.u32 $0x92492493, s20;
	v14 =	vshll.u32 v14, $0xE;
	s7 =	sadd.s32 s7, s24;
	s26 =	sshra.s32 s0, $0x1F;
	v19 =	vtrunc.f32 v43;
	v17 =	vsel vm4, s1, v17  }
0xa7: {  	s0 =	ssub.s32 s18, s0;
	s2 =	spop (v2sf);
	s1 =	smul.u32 $0x92492493, s26;
	v19 =	vcvt.f32.s32 v19;
	v24 =	vadd.s32 $0xFFFFFFFF, v18;
	vm12 =	vgt.s32 v18, $0x0  }
0xa8: {  	s3 =	ssub.s32 s22, s9;
	s12 =	spop (v2sf);
	vm10 =	vlt.s32 v18, $0x80;
	s28 =	smulhi.u32 $0x92492493, s2;
	v17 =	vsel vm5, s7, v17;
	v18 =	vnsel vm12, $0x0, v18  }
0xa9: {  	s29 =	sshra.s32 s2, $0x1F;
	s13 =	smulhi.u32 $0x92492493, s12;
	s0 =	sadd.s32 s1, s0;
	v30 =	vcvt.s32.f32 v24;
	v25 =	vadd.s32 $0xFFFFFFFF, v19;
	vm11 =	vgt.s32 v19, $0x0  }
0xaa: {  	s3 =	sadd.s32 s4, s3;
	s14 =	sshra.s32 s12, $0x1F;
	s30 =	smul.u32 $0x92492493, s29;
	v31 =	vmov s0;
	v18 =	vmin.u32 v18, $0x7F;
	v26 =	vcvt.s32.f32 v25  }
0xab: {  	s15 =	smul.u32 $0x92492493, s14;
	s31 =	spop (v2sf);
	s2 =	ssub.s32 s28, s2;
	vm13 =	vgt.s32 v25, $0x0;
	v28 =	vnsel vm11, $0x0, v19;
	vm11 =	vgt.s32 v24, $0x0  }
0xac: {  	s5 =	ssub.s32 s13, s12;
	vm12 =	vgt.s32 v25, $0xFFFFFFFF;
	v16 =	vsub.f32 v16, v30;
	v50 =	vsel vm0, s3, v31;
	s18 =	sshra.s32 s31, $0x1F;
	s20 =	smulhi.u32 $0x92492493, s31  }
0xad: {  	s2 =	sadd.s32 s30, s2;
	v29 =	vnsel vm13, $0x0, v25;
	v45 =	vnsel vm11, $0x0, v24;
	s11 =	spop (v2sf);
	vm11 =	vlt.s32 v19, $0x80;
	s22 =	smul.u32 $0x92492493, s18  }
0xae: {  	s5 =	sadd.s32 s15, s5;
	v17 =	vsel vm6, s2, v17;
	vm13 =	vgt.s32 v24, $0xFFFFFFFF;
	v51 =	vsel vm12, $0x3F800000, v5;
	s12 =	smulhi.u32 $0x92492493, s11;
	s13 =	sshra.s32 s11, $0x1F  }
0xaf: {  	v28 =	vmin.u32 v28, $0x7F;
	v20 =	vsel vm2, s5, v20;
	v15 =	vsub.f32 v15, v26;
	s15 =	smul.u32 $0x92492493, s13;
	s14 =	spop (v2sf)  }
0xb0: {  	v29 =	vmin.u32 v29, $0x7F;
	v48 =	vmin.u32 v45, $0x7F;
	s24 =	ssub.s32 s20, s31;
	v28 =	vshll.u32 v28, $0x7;
	s16 =	sshra.s32 s14, $0x1F;
	s17 =	smulhi.u32 $0x92492493, s14  }
0xb1: {  	v53 =	vsub.f32 $1.000000000e+00, v16;
	v46 =	vshll.u32 v29, $0x7;
	s25 =	sadd.s32 s22, s24;
	v47 =	vsub.f32 $1.000000000e+00, v15;
	s4 =	ssub.s32 s12, s11;
	s0 =	smul.u32 $0x92492493, s16  }
0xb2: {  	v19 =	vor.u32 v14, v46;
	v14 =	vor.u32 v14, v28;
	v17 =	vsel vm7, s25, v17;
	s4 =	sadd.s32 s15, s4;
	s1 =	ssub.s32 s17, s14  }
0xb3: {  	v54 =	vmul.f32 v15, v16;
	v15 =	vmul.f32 v53, v15;
	v24 =	vsel vm1, s4, v50;
	s0 =	sadd.s32 s0, s1  }
0xb4: {  	v49 =	vor.u32 v18, v19;
	v19 =	vor.u32 v48, v19;
	v24 =	vsel vm2, s0, v24  }
0xb5: {  	v18 =	vor.u32 v18, v14;
	v55 =	vmul.f32 v47, v53;
	v20 =	vcombine.low v24, v20  }
0xb6: {  	v17 =	vperm.xlane v17, v4;
	v14 =	vor.u32 v48, v14;
	v16 =	vmul.f32 v47, v16  }
0xb7: {  	v33 =	vsel vm11, $0x3F800000, v5;
	[tilespmem:v23+s21+$0x0] =	vst.idx.msk $0xffff, v19;
	v57 =	vmul.f32 v55, v51;
	v20 =	vperm.xlane v20, v2  }
0xb8: {  	v32 =	vsel vm13, $0x3F800000, v5;
	v15 =	vmul.f32 v15, v33;
	[tilespmem:v22+s21+$0x0] =	vst.idx.msk $0xffff, v49;
	v16 =	vmul.f32 v16, v51  }
0xb9: {  	v52 =	vsel vm10, $0x3F800000, v5;
	[tilespmem:v27+s21+$0x0] =	vst.idx.msk $0xffff, v14;
	v14 =	vmul.f32 v57, v32;
	v17 =	vsel vm8, v17, v20  }
0xba: {  	v60 =	vadd.s32 $0x3, v13;
	s26 =	simm.s32 $0x2C00;
	[tilespmem:v21+s21+$0x0] =	vst.idx.msk $0xffff, v18;
	v16 =	vmul.f32 v16, v52;
	v17 =	vadd.s32 v12, v17  }
0xbb: {  	v58 =	vmul.f32 v54, v33;
	[tilespmem:v23+s26+$0x0] =	vst.idx.msk $0xffff, v14;
	v59 =	vshrl.u32 v17, $0x1F;
	v17 =	vshra.s32 v17, $0x2  }
0xbc: {  	v61 =	vmul.f32 v15, v32;
	[tilespmem:v22+s26+$0x0] =	vst.idx.msk $0xffff, v16;
	v22 =	vadd.s32 $0x1, v13;
	v62 =	vadd.s32 v59, v17  }
0xbd: {  	v56 =	vadd.s32 $0x4, v13;
	v63 =	vmul.f32 v58, v52;
	v18 =	vmul.u32 $0xFFFFFFF9, v62  }
0xbe: {  	v23 =	vadd.s32 $0x2, v13;
	[tilespmem:v27+s26+$0x0] =	vst.idx.msk $0xffff, v61  }
0xbf: {  	vm10 =	vlt.s32 v12, $0x1;
	[tilespmem:v21+s26+$0x0] =	vst.idx.msk $0xffff, v63;
	v24 =	vadd.s32 v12, v18  }
0xc0: {  	v25 =	vld.idx.msk [tilespmem:v60+s19+$0x0], $0xffff;
	vm11 =	vne.s32 v24, $0x0;
	vm12 =	vlt.s32 v24, $0x0;
	v18 =	vadd.s32 $0x7, v24  }
0xc1: {  	v17 =	vld.idx.msk [tilespmem:v22+s19+$0x0], $0xffff;
	vm10 =	vmand vm10, vm11;
	v14 =	vsel vm12, v18, v24  }
0xc2: {  	v16 =	vld.idx.msk [tilespmem:v56+s19+$0x0], $0xffff;
	v26 =	vsel vm10, $0xFFFFFFFF, v1;
	v14 =	vcvt.s32.f32 v14  }
0xc3: {  	v19 =	vld.idx.msk [tilespmem:v23+s19+$0x0], $0xffff;
	v15 =	vadd.s32 v26, v62  }
0xc4: {  	v15 =	vcvt.s32.f32 v15;
	v14 =	vmul.f32 $1.428571490e-01, v14;
	_ =	sdelay $0x1  }
0xc5: {  	v12 =	vsub.f32 v25, v17;
	v15 =	vmul.f32 $1.428571490e-01, v15;
	v14 =	vadd.f32 $7.142857460e-02, v14;
	_ =	sdelay $0x1  }
0xc6: {  	v16 =	vsub.f32 v16, v19;
	v15 =	vadd.f32 $7.142857460e-02, v15;
	v12 =	vmul.f32 v12, v14;
	_ =	sdelay $0x1  }
0xc7: {  	v27 =	vmul.f32 v16, v15;
	v12 =	vadd.f32 v12, v17;
	_ =	sdelay $0x1  }
0xc8: {  	v13 =	vld.idx.msk [tilespmem:v13+s19+$0x0], $0xffff;
	v14 =	vadd.f32 v27, v19;
	v12 =	vmul.f32 $2.500000000e-01, v12;
	_ =	sdelay $0x1  }
0xc9: {  	v14 =	vmul.f32 $2.500000000e-01, v14;
	v12 =	vadd.f32 $-5.000000000e-01, v12;
	_ =	sdelay $0x1  }
0xca: {  	v14 =	vadd.f32 $-5.000000000e-01, v14;
	v28 =	vadd.f32 $1.000000000e+00, v12  }
0xcb: {  	v30 =	vor.u32 s23, v8;
	v13 =	vtrunc.f32 v13  }
0xcc: {  	v13 =	vcvt.f32.s32 v13;
	v29 =	vadd.f32 $1.000000000e+00, v14;
	v15 =	vtrunc.f32 v28  }
0xcd: {  	v31 =	vor.u32 s23, v6;
	v46 =	vor.u32 s23, v7;
	v15 =	vcvt.f32.s32 v15  }
0xce: {  	v32 =	vor.u32 s23, v3;
	v13 =	vshll.u32 v13, $0xE;
	v16 =	vtrunc.f32 v29  }
0xcf: {  	v16 =	vcvt.f32.s32 v16;
	v33 =	vadd.s32 $0xFFFFFFFF, v15;
	vm11 =	vgt.s32 v15, $0x0  }
0xd0: {  	vm10 =	vlt.s32 v15, $0x80;
	v39 =	vcvt.s32.f32 v33;
	v15 =	vnsel vm11, $0x0, v15  }
0xd1: {  	v34 =	vadd.s32 $0xFFFFFFFF, v16;
	vm12 =	vgt.s32 v16, $0x0;
	v15 =	vmin.u32 v15, $0x7F  }
0xd2: {  	v35 =	vcvt.s32.f32 v34;
	vm13 =	vgt.s32 v34, $0x0;
	v36 =	vnsel vm12, $0x0, v16  }
0xd3: {  	vm12 =	vgt.s32 v33, $0x0;
	v12 =	vsub.f32 v12, v39;
	vm11 =	vgt.s32 v34, $0xFFFFFFFF  }
0xd4: {  	v37 =	vnsel vm13, $0x0, v34;
	v38 =	vnsel vm12, $0x0, v33;
	vm12 =	vlt.s32 v16, $0x80  }
0xd5: {  	vm13 =	vgt.s32 v33, $0xFFFFFFFF;
	v45 =	vsel vm11, $0x3F800000, v5;
	v14 =	vsub.f32 v14, v35  }
0xd6: {  	v23 =	vmin.u32 v36, $0x7F;
	v24 =	vmin.u32 v37, $0x7F;
	v44 =	vsub.f32 $1.000000000e+00, v12  }
0xd7: {  	v23 =	vshll.u32 v23, $0x7;
	v24 =	vshll.u32 v24, $0x7;
	v40 =	vsub.f32 $1.000000000e+00, v14  }
0xd8: {  	v41 =	vmin.u32 v38, $0x7F;
	v24 =	vor.u32 v13, v24;
	v13 =	vor.u32 v13, v23  }
0xd9: {  	v22 =	vmul.f32 v44, v14;
	v42 =	vor.u32 v15, v24;
	v48 =	vmul.f32 v40, v44  }
0xda: {  	v43 =	vor.u32 v41, v24;
	v15 =	vor.u32 v15, v13;
	v50 =	vmul.f32 v40, v12  }
0xdb: {  	v47 =	vsel vm13, $0x3F800000, v5;
	v13 =	vor.u32 v41, v13;
	[tilespmem:v32+s21+$0x0] =	vst.idx.msk $0xffff, v43;
	v51 =	vmul.f32 v48, v45  }
0xdc: {  	v49 =	vsel vm12, $0x3F800000, v5;
	v12 =	vmul.f32 v14, v12;
	[tilespmem:v31+s21+$0x0] =	vst.idx.msk $0xffff, v42;
	v52 =	vmul.f32 v50, v45  }
0xdd: {  	v53 =	vsel vm10, $0x3F800000, v5;
	v22 =	vmul.f32 v22, v49;
	[tilespmem:v46+s21+$0x0] =	vst.idx.msk $0xffff, v13;
	v54 =	vmul.f32 v51, v47  }
0xde: {  	v12 =	vmul.f32 v12, v49;
	[tilespmem:v30+s21+$0x0] =	vst.idx.msk $0xffff, v15;
	v14 =	vmul.f32 v52, v53  }
0xdf: {  	v55 =	vmul.f32 v22, v47;
	[tilespmem:v32+s26+$0x0] =	vst.idx.msk $0xffff, v54  }
0xe0: {  	v12 =	vmul.f32 v12, v53;
	[tilespmem:v31+s26+$0x0] =	vst.idx.msk $0xffff, v14  }
0xe1: {  	[tilespmem:v46+s26+$0x0] =	vst.idx.msk $0xffff, v55  }
0xe2: {  	[tilespmem:v30+s26+$0x0] =	vst.idx.msk $0xffff, v12  }
0xe3: {  	v12 =	vld [tilespmem:$0x1400];
	_ =	sdelay $0x4  }
0xe4: {  	v56 =	vshll.u32 v12, $0x1  }
0xe5: {  	v12 =	vand.u32 $0x7, v12;
	v13 =	vand.u32 $0xFFFFFFF0, v56  }
0xe6: {  	v12 =	vor.u32 v12, v13  }
0xe7: {  	v13 =	vperm.xlane v12, v9;
	_ =	sdelay $0x1  }
0xe8: {  	v12 =	vperm.xlane v12, v11;
	v13 =	vadd.s32 v10, v13;
	_ =	sdelay $0x1  }
0xe9: {  	v12 =	vadd.s32 v10, v12;
	_ =	sdelay $0x1  }
0xea: {  	s10 =	simm.s32 $0x4400;
	s3 =	rddreg [dreg:$0x0];
	s23 =	simm.s32 $0x0  }
0xeb: {  	[tilespmem:s10], [sflag:$0x1] =	stream.indirect_vreg.gather [hbm4b:s3+s23], $0x80, v13, vm9, $0xb8;
	[tilespmem:$0x18400] =	vst v63  }
0xec: {  	s11 =	simm.s32 $0x4C00  }
0xed: {  	[tilespmem:s11], [sflag:$0x1] =	stream.indirect_vreg.gather [hbm4b:s3+s23], $0x80, v12, vm9, $0xb8;
	[tilespmem:$0x18400] =	vst v63  }
0xee: {  	v12 =	vld [tilespmem:$0x1410];
	_ =	sdelay $0x4  }
0xef: {  	v57 =	vshll.u32 v12, $0x1  }
0xf0: {  	v12 =	vand.u32 $0x7, v12;
	v13 =	vand.u32 $0xFFFFFFF0, v57  }
0xf1: {  	v12 =	vor.u32 v12, v13  }
0xf2: {  	v13 =	vperm.xlane v12, v9;
	_ =	sdelay $0x1  }
0xf3: {  	v12 =	vperm.xlane v12, v11;
	v13 =	vadd.s32 v10, v13;
	_ =	sdelay $0x1  }
0xf4: {  	v12 =	vadd.s32 v10, v12;
	_ =	sdelay $0x1  }
0xf5: {  	s12 =	simm.s32 $0x5400  }
0xf6: {  	[tilespmem:s12], [sflag:$0x1] =	stream.indirect_vreg.gather [hbm4b:s3+s23], $0x80, v13, vm9, $0xb8;
	[tilespmem:$0x18400] =	vst v63  }
0xf7: {  	s13 =	simm.s32 $0x5C00  }
0xf8: {  	[tilespmem:s13], [sflag:$0x1] =	stream.indirect_vreg.gather [hbm4b:s3+s23], $0x80, v12, vm9, $0xb8;
	[tilespmem:$0x18400] =	vst v63  }
0xf9: {  	v12 =	vld [tilespmem:$0x1420];
	_ =	sdelay $0x4  }
0xfa: {  	v58 =	vshll.u32 v12, $0x1  }
0xfb: {  	v12 =	vand.u32 $0x7, v12;
	v13 =	vand.u32 $0xFFFFFFF0, v58  }
0xfc: {  	v12 =	vor.u32 v12, v13  }
0xfd: {  	v13 =	vperm.xlane v12, v9;
	_ =	sdelay $0x1  }
0xfe: {  	v12 =	vperm.xlane v12, v11;
	v13 =	vadd.s32 v10, v13;
	_ =	sdelay $0x1  }
0xff: {  	v12 =	vadd.s32 v10, v12;
	_ =	sdelay $0x1  }
0x100: {  	s14 =	simm.s32 $0x6400  }
0x101: {  	[tilespmem:s14], [sflag:$0x1] =	stream.indirect_vreg.gather [hbm4b:s3+s23], $0x80, v13, vm9, $0xb8;
	[tilespmem:$0x18400] =	vst v63  }
0x102: {  	s15 =	simm.s32 $0x6C00  }
0x103: {  	[tilespmem:s15], [sflag:$0x1] =	stream.indirect_vreg.gather [hbm4b:s3+s23], $0x80, v12, vm9, $0xb8;
	[tilespmem:$0x18400] =	vst v63  }
0x104: {  	v12 =	vld [tilespmem:$0x1430];
	_ =	sdelay $0x4  }
0x105: {  	v59 =	vshll.u32 v12, $0x1  }
0x106: {  	v12 =	vand.u32 $0x7, v12;
	v13 =	vand.u32 $0xFFFFFFF0, v59  }
0x107: {  	v12 =	vor.u32 v12, v13  }
0x108: {  	v13 =	vperm.xlane v12, v9;
	_ =	sdelay $0x1  }
0x109: {  	v12 =	vperm.xlane v12, v11;
	v13 =	vadd.s32 v10, v13;
	_ =	sdelay $0x1  }
0x10a: {  	v12 =	vadd.s32 v10, v12;
	_ =	sdelay $0x1  }
0x10b: {  	s16 =	simm.s32 $0x7400  }
0x10c: {  	[tilespmem:s16], [sflag:$0x1] =	stream.indirect_vreg.gather [hbm4b:s3+s23], $0x80, v13, vm9, $0xb8;
	[tilespmem:$0x18400] =	vst v63  }
0x10d: {  	s17 =	simm.s32 $0x7C00  }
0x10e: {  	[tilespmem:s17], [sflag:$0x1] =	stream.indirect_vreg.gather [hbm4b:s3+s23], $0x80, v12, vm9, $0xb8;
	[tilespmem:$0x18400] =	vst v63  }
0x10f: {  	v12 =	vld [tilespmem:$0x1440];
	_ =	sdelay $0x4  }
0x110: {  	v60 =	vshll.u32 v12, $0x1  }
0x111: {  	v12 =	vand.u32 $0x7, v12;
	v13 =	vand.u32 $0xFFFFFFF0, v60  }
0x112: {  	v12 =	vor.u32 v12, v13  }
0x113: {  	v13 =	vperm.xlane v12, v9;
	_ =	sdelay $0x1  }
0x114: {  	v12 =	vperm.xlane v12, v11;
	v13 =	vadd.s32 v10, v13;
	_ =	sdelay $0x1  }
0x115: {  	v12 =	vadd.s32 v10, v12;
	_ =	sdelay $0x1  }
0x116: {  	s18 =	simm.s32 $0x8400  }
0x117: {  	[tilespmem:s18], [sflag:$0x1] =	stream.indirect_vreg.gather [hbm4b:s3+s23], $0x80, v13, vm9, $0xb8;
	[tilespmem:$0x18400] =	vst v63  }
0x118: {  	s20 =	simm.s32 $0x8C00  }
0x119: {  	[tilespmem:s20], [sflag:$0x1] =	stream.indirect_vreg.gather [hbm4b:s3+s23], $0x80, v12, vm9, $0xb8;
	[tilespmem:$0x18400] =	vst v63  }
0x11a: {  	v12 =	vld [tilespmem:$0x1450];
	_ =	sdelay $0x4  }
0x11b: {  	v61 =	vshll.u32 v12, $0x1  }
0x11c: {  	v12 =	vand.u32 $0x7, v12;
	v13 =	vand.u32 $0xFFFFFFF0, v61  }
0x11d: {  	v12 =	vor.u32 v12, v13  }
0x11e: {  	v13 =	vperm.xlane v12, v9;
	_ =	sdelay $0x1  }
0x11f: {  	v12 =	vperm.xlane v12, v11;
	v13 =	vadd.s32 v10, v13;
	_ =	sdelay $0x1  }
0x120: {  	v12 =	vadd.s32 v10, v12;
	_ =	sdelay $0x1  }
0x121: {  	s21 =	simm.s32 $0x9400  }
0x122: {  	[tilespmem:s21], [sflag:$0x1] =	stream.indirect_vreg.gather [hbm4b:s3+s23], $0x80, v13, vm9, $0xb8;
	[tilespmem:$0x18400] =	vst v63  }
0x123: {  	s22 =	simm.s32 $0x9C00  }
0x124: {  	[tilespmem:s22], [sflag:$0x1] =	stream.indirect_vreg.gather [hbm4b:s3+s23], $0x80, v12, vm9, $0xb8;
	[tilespmem:$0x18400] =	vst v63  }
0x125: {  	v12 =	vld [tilespmem:$0x1460];
	_ =	sdelay $0x4  }
0x126: {  	v62 =	vshll.u32 v12, $0x1  }
0x127: {  	v12 =	vand.u32 $0x7, v12;
	v13 =	vand.u32 $0xFFFFFFF0, v62  }
0x128: {  	v12 =	vor.u32 v12, v13  }
0x129: {  	v13 =	vperm.xlane v12, v9;
	_ =	sdelay $0x1  }
0x12a: {  	v12 =	vperm.xlane v12, v11;
	v13 =	vadd.s32 v10, v13;
	_ =	sdelay $0x1  }
0x12b: {  	v12 =	vadd.s32 v10, v12;
	_ =	sdelay $0x1  }
0x12c: {  	s28 =	simm.s32 $0xA400  }
0x12d: {  	[tilespmem:s28], [sflag:$0x1] =	stream.indirect_vreg.gather [hbm4b:s3+s23], $0x80, v13, vm9, $0xb8;
	[tilespmem:$0x18400] =	vst v63  }
0x12e: {  	s29 =	simm.s32 $0xAC00  }
0x12f: {  	[tilespmem:s29], [sflag:$0x1] =	stream.indirect_vreg.gather [hbm4b:s3+s23], $0x80, v12, vm9, $0xb8;
	[tilespmem:$0x18400] =	vst v63  }
0x130: {  	v12 =	vld [tilespmem:$0x1470];
	_ =	sdelay $0x4  }
0x131: {  	v63 =	vshll.u32 v12, $0x1  }
0x132: {  	v12 =	vand.u32 $0x7, v12;
	v13 =	vand.u32 $0xFFFFFFF0, v63  }
0x133: {  	v12 =	vor.u32 v12, v13  }
0x134: {  	v13 =	vperm.xlane v12, v9;
	_ =	sdelay $0x1  }
0x135: {  	v12 =	vperm.xlane v12, v11;
	v13 =	vadd.s32 v10, v13;
	_ =	sdelay $0x1  }
0x136: {  	v12 =	vadd.s32 v10, v12  }
0x137: {  	s8 =	simm.s32 $0x2C00;
	s6 =	rddreg [dreg:$0x5]  }
0x138: {  	s30 =	simm.s32 $0xB400;
	s31 =	simm.s32 $0xBC00;
	s5 =	rddreg [dreg:$0x4]  }
0x139: {  	[tilespmem:s30], [sflag:$0x1] =	stream.indirect_vreg.gather [hbm4b:s3+s23], $0x80, v13, vm9, $0xb8;
	[tilespmem:$0x18400] =	vst v63  }
0x13a: {  	s24 =	simm.s32 $0x80;
	s25 =	simm.s32 $0x0;
	s26 =	simm.s32 $0x0  }
0x13b: {  	[tilespmem:s31], [sflag:$0x1] =	stream.indirect_vreg.gather [hbm4b:s3+s23], $0x80, v12, vm9, $0xb8;
	[tilespmem:$0x18400] =	vst v63  }
.LBB2_4:
0x13c: {  	p0 =	seq.s32 s26, $0x0  }
0x13d: {  	s0 =	sshll.u32 s26, $0x1;
	s1 =	simm.s32 @!p0 $0x3  }
0x13e: {  	s28 =	sor.u32 $0x1, s0;
	_ =	swait.ge @!p0 [sflag:s1], $0x2000  }
0x13f: {  	s0 =	sshll.u32 s28, $0x7;
	[sflag:s1] =	ssyncset.done @!p0 $0x0  }
0x140: {  	s0 =	sand.u32 $0x3FFFFF80, s0;
	[sflag:s1] =	ssyncadd.s32 @!p0 $0xFFFFE000  }
0x141: {  	v12 =	vld [tilespmem:s0+$0x1400];
	_ =	sdelay $0x4  }
0x142: {  	v13 =	vshll.u32 v12, $0x1  }
0x143: {  	v12 =	vand.u32 $0x7, v12;
	v13 =	vand.u32 $0xFFFFFFF0, v13  }
0x144: {  	v12 =	vor.u32 v12, v13  }
0x145: {  	v13 =	vperm.xlane v12, v9;
	_ =	sdelay $0x1  }
0x146: {  	v12 =	vperm.xlane v12, v11;
	v13 =	vadd.s32 v10, v13;
	_ =	sdelay $0x1  }
0x147: {  	v12 =	vadd.s32 v10, v12;
	_ =	sdelay $0x1  }
0x148: {  	s9 =	simm.s32 $0xC400  }
0x149: {  	[tilespmem:s9], [sflag:$0x2] =	stream.indirect_vreg.gather [hbm4b:s3+s23], $0x80, v13, vm9, $0xb8;
	[tilespmem:$0x18400] =	vst v63  }
0x14a: {  	s2 =	simm.s32 $0xCC00  }
0x14b: {  	[tilespmem:s2], [sflag:$0x2] =	stream.indirect_vreg.gather [hbm4b:s3+s23], $0x80, v12, vm9, $0xb8;
	[tilespmem:$0x18400] =	vst v63  }
0x14c: {  	v12 =	vld [tilespmem:s0+$0x1410];
	_ =	sdelay $0x4  }
0x14d: {  	v57 =	vshll.u32 v12, $0x1  }
0x14e: {  	v12 =	vand.u32 $0x7, v12;
	v13 =	vand.u32 $0xFFFFFFF0, v57  }
0x14f: {  	v12 =	vor.u32 v12, v13  }
0x150: {  	v13 =	vperm.xlane v12, v9;
	_ =	sdelay $0x1  }
0x151: {  	v12 =	vperm.xlane v12, v11;
	v13 =	vadd.s32 v10, v13;
	_ =	sdelay $0x1  }
0x152: {  	v12 =	vadd.s32 v10, v12;
	_ =	sdelay $0x1  }
0x153: {  	s4 =	simm.s32 $0xD400  }
0x154: {  	[tilespmem:s4], [sflag:$0x2] =	stream.indirect_vreg.gather [hbm4b:s3+s23], $0x80, v13, vm9, $0xb8;
	[tilespmem:$0x18400] =	vst v63  }
0x155: {  	s7 =	simm.s32 $0xDC00  }
0x156: {  	[tilespmem:s7], [sflag:$0x2] =	stream.indirect_vreg.gather [hbm4b:s3+s23], $0x80, v12, vm9, $0xb8;
	[tilespmem:$0x18400] =	vst v63  }
0x157: {  	v12 =	vld [tilespmem:s0+$0x1420];
	_ =	sdelay $0x4  }
0x158: {  	v58 =	vshll.u32 v12, $0x1  }
0x159: {  	v12 =	vand.u32 $0x7, v12;
	v13 =	vand.u32 $0xFFFFFFF0, v58  }
0x15a: {  	v12 =	vor.u32 v12, v13  }
0x15b: {  	v13 =	vperm.xlane v12, v9;
	_ =	sdelay $0x1  }
0x15c: {  	v12 =	vperm.xlane v12, v11;
	v13 =	vadd.s32 v10, v13;
	_ =	sdelay $0x1  }
0x15d: {  	v12 =	vadd.s32 v10, v12;
	_ =	sdelay $0x1  }
0x15e: {  	s9 =	simm.s32 $0xE400  }
0x15f: {  	[tilespmem:s9], [sflag:$0x2] =	stream.indirect_vreg.gather [hbm4b:s3+s23], $0x80, v13, vm9, $0xb8;
	[tilespmem:$0x18400] =	vst v63  }
0x160: {  	s2 =	simm.s32 $0xEC00  }
0x161: {  	[tilespmem:s2], [sflag:$0x2] =	stream.indirect_vreg.gather [hbm4b:s3+s23], $0x80, v12, vm9, $0xb8;
	[tilespmem:$0x18400] =	vst v63  }
0x162: {  	v12 =	vld [tilespmem:s0+$0x1430];
	_ =	sdelay $0x4  }
0x163: {  	v59 =	vshll.u32 v12, $0x1  }
0x164: {  	v12 =	vand.u32 $0x7, v12;
	v13 =	vand.u32 $0xFFFFFFF0, v59  }
0x165: {  	v12 =	vor.u32 v12, v13  }
0x166: {  	v13 =	vperm.xlane v12, v9;
	_ =	sdelay $0x1  }
0x167: {  	v12 =	vperm.xlane v12, v11;
	v13 =	vadd.s32 v10, v13;
	_ =	sdelay $0x1  }
0x168: {  	v12 =	vadd.s32 v10, v12;
	_ =	sdelay $0x1  }
0x169: {  	s4 =	simm.s32 $0xF400  }
0x16a: {  	[tilespmem:s4], [sflag:$0x2] =	stream.indirect_vreg.gather [hbm4b:s3+s23], $0x80, v13, vm9, $0xb8;
	[tilespmem:$0x18400] =	vst v63  }
0x16b: {  	s7 =	simm.s32 $0xFC00  }
0x16c: {  	[tilespmem:s7], [sflag:$0x2] =	stream.indirect_vreg.gather [hbm4b:s3+s23], $0x80, v12, vm9, $0xb8;
	[tilespmem:$0x18400] =	vst v63  }
0x16d: {  	v12 =	vld [tilespmem:s0+$0x1440];
	_ =	sdelay $0x4  }
0x16e: {  	v60 =	vshll.u32 v12, $0x1  }
0x16f: {  	v12 =	vand.u32 $0x7, v12;
	v13 =	vand.u32 $0xFFFFFFF0, v60  }
0x170: {  	v12 =	vor.u32 v12, v13  }
0x171: {  	v13 =	vperm.xlane v12, v9;
	_ =	sdelay $0x1  }
0x172: {  	v12 =	vperm.xlane v12, v11;
	v13 =	vadd.s32 v10, v13;
	_ =	sdelay $0x1  }
0x173: {  	v12 =	vadd.s32 v10, v12;
	_ =	sdelay $0x1  }
0x174: {  	s9 =	simm.s32 $0x10400  }
0x175: {  	[tilespmem:s9], [sflag:$0x2] =	stream.indirect_vreg.gather [hbm4b:s3+s23], $0x80, v13, vm9, $0xb8;
	[tilespmem:$0x18400] =	vst v63  }
0x176: {  	s2 =	simm.s32 $0x10C00  }
0x177: {  	[tilespmem:s2], [sflag:$0x2] =	stream.indirect_vreg.gather [hbm4b:s3+s23], $0x80, v12, vm9, $0xb8;
	[tilespmem:$0x18400] =	vst v63  }
0x178: {  	v12 =	vld [tilespmem:s0+$0x1450];
	_ =	sdelay $0x4  }
0x179: {  	v61 =	vshll.u32 v12, $0x1  }
0x17a: {  	v12 =	vand.u32 $0x7, v12;
	v13 =	vand.u32 $0xFFFFFFF0, v61  }
0x17b: {  	v12 =	vor.u32 v12, v13  }
0x17c: {  	v13 =	vperm.xlane v12, v9;
	_ =	sdelay $0x1  }
0x17d: {  	v12 =	vperm.xlane v12, v11;
	v13 =	vadd.s32 v10, v13;
	_ =	sdelay $0x1  }
0x17e: {  	v12 =	vadd.s32 v10, v12;
	_ =	sdelay $0x1  }
0x17f: {  	s4 =	simm.s32 $0x11400  }
0x180: {  	[tilespmem:s4], [sflag:$0x2] =	stream.indirect_vreg.gather [hbm4b:s3+s23], $0x80, v13, vm9, $0xb8;
	[tilespmem:$0x18400] =	vst v63  }
0x181: {  	s7 =	simm.s32 $0x11C00  }
0x182: {  	[tilespmem:s7], [sflag:$0x2] =	stream.indirect_vreg.gather [hbm4b:s3+s23], $0x80, v12, vm9, $0xb8;
	[tilespmem:$0x18400] =	vst v63  }
0x183: {  	v12 =	vld [tilespmem:s0+$0x1460];
	_ =	sdelay $0x4  }
0x184: {  	v62 =	vshll.u32 v12, $0x1  }
0x185: {  	v12 =	vand.u32 $0x7, v12;
	v13 =	vand.u32 $0xFFFFFFF0, v62  }
0x186: {  	v12 =	vor.u32 v12, v13  }
0x187: {  	v13 =	vperm.xlane v12, v9;
	_ =	sdelay $0x1  }
0x188: {  	v12 =	vperm.xlane v12, v11;
	v13 =	vadd.s32 v10, v13;
	_ =	sdelay $0x1  }
0x189: {  	v12 =	vadd.s32 v10, v12;
	_ =	sdelay $0x1  }
0x18a: {  	s9 =	simm.s32 $0x12400  }
0x18b: {  	[tilespmem:s9], [sflag:$0x2] =	stream.indirect_vreg.gather [hbm4b:s3+s23], $0x80, v13, vm9, $0xb8;
	[tilespmem:$0x18400] =	vst v63  }
0x18c: {  	s2 =	simm.s32 $0x12C00  }
0x18d: {  	[tilespmem:s2], [sflag:$0x2] =	stream.indirect_vreg.gather [hbm4b:s3+s23], $0x80, v12, vm9, $0xb8;
	[tilespmem:$0x18400] =	vst v63  }
0x18e: {  	v12 =	vld [tilespmem:s0+$0x1470];
	_ =	sdelay $0x4  }
0x18f: {  	v63 =	vshll.u32 v12, $0x1  }
0x190: {  	v12 =	vand.u32 $0x7, v12;
	v13 =	vand.u32 $0xFFFFFFF0, v63  }
0x191: {  	v12 =	vor.u32 v12, v13  }
0x192: {  	v13 =	vperm.xlane v12, v9;
	_ =	sdelay $0x1  }
0x193: {  	v12 =	vperm.xlane v12, v11;
	v13 =	vadd.s32 v10, v13;
	_ =	sdelay $0x1  }
0x194: {  	v12 =	vadd.s32 v10, v12;
	_ =	sdelay $0x1  }
0x195: {  	s4 =	simm.s32 $0x13400  }
0x196: {  	[tilespmem:s4], [sflag:$0x2] =	stream.indirect_vreg.gather [hbm4b:s3+s23], $0x80, v13, vm9, $0xb8;
	[tilespmem:$0x18400] =	vst v63  }
0x197: {  	s7 =	simm.s32 $0x13C00;
	s9 =	simm.s32 $0x1  }
0x198: {  	[tilespmem:s7], [sflag:$0x2] =	stream.indirect_vreg.gather [hbm4b:s3+s23], $0x80, v12, vm9, $0xb8;
	[tilespmem:$0x18400] =	vst v63  }
0x199: {  	_ =	swait.ge [sflag:s9], $0x8000  }
0x19a: {  	p1 =	por $0x0, $0x0;
	s29 =	smov.u32 s25;
	[sflag:s9] =	ssyncset.done $0x0  }
0x19b: {  	s30 =	simm.s32 $0x0;
	s31 =	simm.s32 $0x0;
	[sflag:s9] =	ssyncadd.s32 $0xFFFF8000  }
.LBB2_5:
0x19c: {  	s9 =	sand.u32 $0x7800, s31;
	s1 =	sand.u32 $0x200, s30  }
0x19d: {  	s2 =	sor.u32 s1, s9  }
0x19e: {  	v40 =	vld [tilespmem:s2+$0x4400]  }
0x19f: {  	v41 =	vld [tilespmem:s2+$0x4480]  }
0x1a0: {  	v12 =	vmov s29;
	s0 =	sadd.s32 $0x1, s29;
	v18 =	vld [tilespmem:s2+$0x4500]  }
0x1a1: {  	s4 =	sadd.s32 $0x2, s29;
	v12 =	vand.u32 $0xFFFFFFFC, v12;
	v13 =	vmov s0;
	v19 =	vld [tilespmem:s2+$0x4580]  }
0x1a2: {  	v14 =	vmov s4;
	v12 =	vbroadcast v12, $0x0;
	v13 =	vand.u32 $0xFFFFFFFD, v13;
	v20 =	vld [tilespmem:s2+$0x4410]  }
0x1a3: {  	v14 =	vand.u32 $0xFFFFFFFE, v14;
	v21 =	vld [tilespmem:s2+$0x4490];
	v13 =	vbroadcast v13, $0x0  }
0x1a4: {  	v22 =	vld [tilespmem:s2+$0x4510];
	v16 =	vbroadcast v14, $0x0  }
0x1a5: {  	s7 =	sadd.s32 $0x3, s29;
	v23 =	vld [tilespmem:s2+$0x4590]  }
0x1a6: {  	v17 =	vmov s7;
	v24 =	vld [tilespmem:s2+$0x4420]  }
0x1a7: {  	v28 =	vld [tilespmem:s2+$0x4430]  }
0x1a8: {  	v15 =	vld.idx.msk [tilespmem:v12+s8+$0x0], $0xffff  }
0x1a9: {  	v14 =	vld.idx.msk [tilespmem:v13+s8+$0x0], $0xffff  }
0x1aa: {  	v12 =	vld.idx.msk [tilespmem:v16+s8+$0x0], $0xffff  }
0x1ab: {  	v13 =	vld.idx.msk [tilespmem:v17+s8+$0x0], $0xffff  }
0x1ac: {  	v25 =	vld [tilespmem:s2+$0x44A0]  }
0x1ad: {  	v26 =	vld [tilespmem:s2+$0x4520];
	v16 =	vmul.f32 v40, v15  }
0x1ae: {  	v27 =	vld [tilespmem:s2+$0x45A0];
	v42 =	vmul.f32 v20, v15;
	v47 =	vmul.f32 v24, v15  }
0x1af: {  	v29 =	vld [tilespmem:s2+$0x44B0];
	v51 =	vmul.f32 v28, v15;
	v17 =	vmul.f32 v41, v14  }
0x1b0: {  	v30 =	vld [tilespmem:s2+$0x4530];
	v18 =	vmul.f32 v18, v12;
	v19 =	vmul.f32 v19, v13  }
0x1b1: {  	v44 =	vld [tilespmem:s2+$0x45B0];
	v43 =	vmul.f32 v21, v14;
	v45 =	vmul.f32 v22, v12  }
0x1b2: {  	v46 =	vmul.f32 v23, v13;
	v48 =	vmul.f32 v25, v14  }
0x1b3: {  	v49 =	vmul.f32 v26, v12;
	v50 =	vmul.f32 v27, v13  }
0x1b4: {  	v52 =	vmul.f32 v29, v14;
	v16 =	vadd.f32 v17, v16;
	v18 =	vadd.f32 v19, v18  }
0x1b5: {  	v53 =	vmul.f32 v30, v12;
	v17 =	vadd.f32 v43, v42;
	v19 =	vadd.f32 v46, v45  }
0x1b6: {  	v21 =	vmul.f32 v44, v13;
	v20 =	vadd.f32 v48, v47;
	v22 =	vadd.f32 v50, v49  }
0x1b7: {  	v16 =	vadd.f32 v18, v16;
	v17 =	vadd.f32 v19, v17  }
0x1b8: {  	s0 =	sshra.s32 s31, $0x2;
	v18 =	vadd.f32 v52, v51;
	v19 =	vadd.f32 v21, v53  }
0x1b9: {  	v20 =	vadd.f32 v22, v20;
	[tilespmem:s0+$0x14400] =	vst v16  }
0x1ba: {  	v54 =	vadd.f32 v19, v18;
	[tilespmem:s0+$0x14410] =	vst v17  }
0x1bb: {  	[tilespmem:s0+$0x14420] =	vst v20  }
0x1bc: {  	[tilespmem:s0+$0x14430] =	vst v54  }
0x1bd: {  	v16 =	vld [tilespmem:s2+$0x4440]  }
0x1be: {  	v17 =	vld [tilespmem:s2+$0x44C0]  }
0x1bf: {  	v55 =	vld [tilespmem:s2+$0x4540]  }
0x1c0: {  	v56 =	vld [tilespmem:s2+$0x45C0]  }
0x1c1: {  	v20 =	vld [tilespmem:s2+$0x4450]  }
0x1c2: {  	v57 =	vld [tilespmem:s2+$0x44D0]  }
0x1c3: {  	v58 =	vld [tilespmem:s2+$0x4550]  }
0x1c4: {  	v59 =	vld [tilespmem:s2+$0x45D0]  }
0x1c5: {  	v60 =	vld [tilespmem:s2+$0x4460]  }
0x1c6: {  	v61 =	vld [tilespmem:s2+$0x44E0]  }
0x1c7: {  	v62 =	vld [tilespmem:s2+$0x4560]  }
0x1c8: {  	v63 =	vld [tilespmem:s2+$0x45E0];
	v16 =	vmul.f32 v16, v15  }
0x1c9: {  	v33 =	vld [tilespmem:s2+$0x4470];
	v17 =	vmul.f32 v17, v14;
	v18 =	vmul.f32 v55, v12  }
0x1ca: {  	v34 =	vld [tilespmem:s2+$0x44F0];
	v19 =	vmul.f32 v56, v13;
	v36 =	vmul.f32 v20, v15  }
0x1cb: {  	v35 =	vld [tilespmem:s2+$0x4570];
	v37 =	vmul.f32 v57, v14;
	v39 =	vmul.f32 v58, v12  }
0x1cc: {  	v38 =	vld [tilespmem:s2+$0x45F0];
	v40 =	vmul.f32 v59, v13;
	v41 =	vmul.f32 v60, v15  }
0x1cd: {  	v42 =	vmul.f32 v61, v14;
	v43 =	vmul.f32 v62, v12  }
0x1ce: {  	v44 =	vmul.f32 v63, v13;
	v45 =	vmul.f32 v33, v15  }
0x1cf: {  	v46 =	vmul.f32 v34, v14;
	v16 =	vadd.f32 v17, v16;
	v18 =	vadd.f32 v19, v18  }
0x1d0: {  	v47 =	vmul.f32 v35, v12;
	v17 =	vadd.f32 v37, v36;
	v19 =	vadd.f32 v40, v39  }
0x1d1: {  	v21 =	vmul.f32 v38, v13;
	v20 =	vadd.f32 v42, v41;
	v22 =	vadd.f32 v44, v43  }
0x1d2: {  	v16 =	vadd.f32 v18, v16;
	v17 =	vadd.f32 v19, v17  }
0x1d3: {  	s1 =	simm.s32 $0x1;
	v18 =	vadd.f32 v46, v45;
	v19 =	vadd.f32 v21, v47  }
0x1d4: {  	s1 =	simm.s32 @!p1 $0x0;
	v20 =	vadd.f32 v22, v20;
	[tilespmem:s0+$0x14440] =	vst v16  }
0x1d5: {  	s1 =	sshll.u32 s1, $0x9;
	v48 =	vadd.f32 v19, v18;
	[tilespmem:s0+$0x14450] =	vst v17  }
0x1d6: {  	s4 =	sadd.s32 s1, s31;
	[tilespmem:s0+$0x14460] =	vst v20  }
0x1d7: {  	s1 =	sor.u32 $0x400, s4;
	s9 =	sadd.s32 $0x80, s4;
	[tilespmem:s0+$0x14470] =	vst v48  }
0x1d8: {  	s7 =	sadd.s32 $0x100, s4;
	s2 =	sor.u32 $0x400, s9;
	v16 =	vld [tilespmem:s1+$0x4400]  }
0x1d9: {  	v17 =	vld [tilespmem:s2+$0x4400];
	s1 =	sor.u32 $0x400, s7;
	s2 =	sadd.s32 $0x180, s4  }
0x1da: {  	v49 =	vld [tilespmem:s1+$0x4400];
	s1 =	sor.u32 $0x400, s2  }
0x1db: {  	v50 =	vld [tilespmem:s1+$0x4400];
	s1 =	sor.u32 $0x410, s4  }
0x1dc: {  	v20 =	vld [tilespmem:s1+$0x4400];
	s1 =	sor.u32 $0x410, s9  }
0x1dd: {  	v51 =	vld [tilespmem:s1+$0x4400];
	s1 =	sor.u32 $0x410, s7  }
0x1de: {  	v52 =	vld [tilespmem:s1+$0x4400];
	s1 =	sor.u32 $0x410, s2  }
0x1df: {  	v53 =	vld [tilespmem:s1+$0x4400];
	s1 =	sor.u32 $0x420, s4  }
0x1e0: {  	v54 =	vld [tilespmem:s1+$0x4400];
	s1 =	sor.u32 $0x420, s9  }
0x1e1: {  	v55 =	vld [tilespmem:s1+$0x4400];
	s1 =	sor.u32 $0x420, s7  }
0x1e2: {  	v56 =	vld [tilespmem:s1+$0x4400];
	s1 =	sor.u32 $0x420, s2  }
0x1e3: {  	v57 =	vld [tilespmem:s1+$0x4400];
	s1 =	sor.u32 $0x430, s4  }
0x1e4: {  	v58 =	vld [tilespmem:s1+$0x4400];
	s1 =	sor.u32 $0x430, s9  }
0x1e5: {  	v16 =	vmul.f32 v16, v15;
	v17 =	vmul.f32 v17, v14;
	v59 =	vld [tilespmem:s1+$0x4400];
	s1 =	sor.u32 $0x430, s7  }
0x1e6: {  	v18 =	vmul.f32 v49, v12;
	v19 =	vmul.f32 v50, v13;
	v60 =	vld [tilespmem:s1+$0x4400];
	s1 =	sor.u32 $0x430, s2  }
0x1e7: {  	v16 =	vadd.f32 v17, v16;
	v61 =	vmul.f32 v20, v15;
	v62 =	vmul.f32 v51, v14;
	v63 =	vld [tilespmem:s1+$0x4400]  }
0x1e8: {  	v18 =	vadd.f32 v19, v18;
	v31 =	vmul.f32 v52, v12;
	v32 =	vmul.f32 v53, v13  }
0x1e9: {  	v17 =	vadd.f32 v62, v61;
	v33 =	vmul.f32 v54, v15;
	v34 =	vmul.f32 v55, v14  }
0x1ea: {  	v19 =	vadd.f32 v32, v31;
	v35 =	vmul.f32 v56, v12;
	v36 =	vmul.f32 v57, v13  }
0x1eb: {  	v16 =	vadd.f32 v18, v16;
	v37 =	vmul.f32 v58, v15;
	v38 =	vmul.f32 v59, v14  }
0x1ec: {  	v17 =	vadd.f32 v19, v17;
	v39 =	vmul.f32 v60, v12;
	v21 =	vmul.f32 v63, v13  }
0x1ed: {  	v20 =	vadd.f32 v34, v33;
	v22 =	vadd.f32 v36, v35  }
0x1ee: {  	v18 =	vadd.f32 v38, v37;
	v19 =	vadd.f32 v21, v39  }
0x1ef: {  	[tilespmem:s0+$0x14480] =	vst v16;
	v20 =	vadd.f32 v22, v20  }
0x1f0: {  	[tilespmem:s0+$0x14490] =	vst v17;
	v40 =	vadd.f32 v19, v18  }
0x1f1: {  	[tilespmem:s0+$0x144A0] =	vst v20  }
0x1f2: {  	s1 =	sor.u32 $0x440, s4;
	[tilespmem:s0+$0x144B0] =	vst v40  }
0x1f3: {  	v16 =	vld [tilespmem:s1+$0x4400];
	s1 =	sor.u32 $0x440, s9  }
0x1f4: {  	v17 =	vld [tilespmem:s1+$0x4400];
	s1 =	sor.u32 $0x440, s7  }
0x1f5: {  	v41 =	vld [tilespmem:s1+$0x4400];
	s1 =	sor.u32 $0x440, s2  }
0x1f6: {  	v42 =	vld [tilespmem:s1+$0x4400];
	s1 =	sor.u32 $0x450, s4  }
0x1f7: {  	v20 =	vld [tilespmem:s1+$0x4400];
	s1 =	sor.u32 $0x450, s9  }
0x1f8: {  	v43 =	vld [tilespmem:s1+$0x4400];
	s1 =	sor.u32 $0x450, s7  }
0x1f9: {  	v44 =	vld [tilespmem:s1+$0x4400];
	s1 =	sor.u32 $0x450, s2  }
0x1fa: {  	v45 =	vld [tilespmem:s1+$0x4400];
	s1 =	sor.u32 $0x460, s4  }
0x1fb: {  	s4 =	sor.u32 $0x470, s4;
	v46 =	vld [tilespmem:s1+$0x4400]  }
0x1fc: {  	s1 =	sor.u32 $0x460, s9;
	v50 =	vld [tilespmem:s4+$0x4400]  }
0x1fd: {  	s4 =	sor.u32 $0x470, s9;
	v47 =	vld [tilespmem:s1+$0x4400]  }
0x1fe: {  	s9 =	sor.u32 $0x470, s2;
	v51 =	vld [tilespmem:s4+$0x4400]  }
0x1ff: {  	s1 =	sor.u32 $0x460, s7;
	v55 =	vld [tilespmem:s9+$0x4400]  }
0x200: {  	v16 =	vmul.f32 v16, v15;
	v17 =	vmul.f32 v17, v14;
	v48 =	vld [tilespmem:s1+$0x4400];
	s1 =	sor.u32 $0x460, s2  }
0x201: {  	v18 =	vmul.f32 v41, v12;
	v19 =	vmul.f32 v42, v13;
	s7 =	sor.u32 $0x470, s7;
	v49 =	vld [tilespmem:s1+$0x4400]  }
0x202: {  	v16 =	vadd.f32 v17, v16;
	v53 =	vmul.f32 v20, v15;
	v52 =	vld [tilespmem:s7+$0x4400];
	v54 =	vmul.f32 v43, v14  }
0x203: {  	v18 =	vadd.f32 v19, v18;
	v56 =	vmul.f32 v44, v12;
	v57 =	vmul.f32 v45, v13  }
0x204: {  	v17 =	vadd.f32 v54, v53;
	v58 =	vmul.f32 v46, v15;
	v15 =	vmul.f32 v50, v15  }
0x205: {  	v19 =	vadd.f32 v57, v56;
	v59 =	vmul.f32 v47, v14;
	v14 =	vmul.f32 v51, v14  }
0x206: {  	v16 =	vadd.f32 v18, v16;
	v60 =	vmul.f32 v48, v12;
	v61 =	vmul.f32 v49, v13  }
0x207: {  	v12 =	vmul.f32 v52, v12;
	v17 =	vadd.f32 v19, v17;
	v13 =	vmul.f32 v55, v13  }
0x208: {  	p2 =	sne.s32 s31, $0x7C00;
	v62 =	vadd.f32 v59, v58;
	v18 =	vadd.f32 v61, v60  }
.Ltmp1:
0x209: {  	v14 =	vadd.f32 v14, v15;
	v12 =	vadd.f32 v13, v12;
	(pc) =	sbr.rel @p2 .LBB2_5-.Ltmp1, $4  }
0x20a: {  	[tilespmem:s0+$0x144C0] =	vst v16;
	v63 =	vadd.f32 v18, v62  }
0x20b: {  	[tilespmem:s0+$0x144D0] =	vst v17;
	v12 =	vadd.f32 v12, v14  }
0x20c: {  	s30 =	sadd.s32 $0x200, s30;
	[tilespmem:s0+$0x144E0] =	vst v63  }
0x20d: {  	s29 =	sadd.s32 $0x4, s29;
	p1 =	por !p1, !p1;
	s31 =	sadd.s32 $0x400, s31;
	[tilespmem:s0+$0x144F0] =	vst v12  }
0x20e: {  	s0 =	sshll.u32 s26, $0xE  }
0x20f: {  	s0 =	sadd.s32 s6, s0  }
0x210: {  	p1 =	seq.s32 @!p0 s26, $0x17;
	s0 =	sshrl.u32 s0, $0x3  }
0x211: {  	s1 =	simm.s32 $0x14400;
	p1 =	por p0, !p1;
	s0 =	sadd.s32 s5, s0  }
0x212: {  	[hbm4b:s0+s19] =	stream.linear.scatter [tilespmem:s1], [sflag:$0x3], $0x2000, $0x38;
	[tilespmem:$0x18400] =	vst v63  }
.Ltmp2:
0x213: {  	_ = 	snop;
	(pc) =	sbr.rel @!p1 .LBB2_8-.Ltmp2, $4  }
0x214: {  	s0 =	simm.s32 @!p0 $0x4  }
0x215: {  	_ =	swait.ge @!p0 [sflag:s0], $0x2000  }
0x216: {  	[sflag:s0] =	ssyncset.done @!p0 $0x0  }
0x217: {  	[sflag:s0] =	ssyncadd.s32 @!p0 $0xFFFFE000  }
0x218: {  	s0 =	sshll.u32 s26, $0x8  }
0x219: {  	s0 =	sand.u32 $0x3FFFFF00, s0  }
0x21a: {  	v12 =	vld [tilespmem:s0+$0x1500];
	_ =	sdelay $0x4  }
0x21b: {  	v13 =	vshll.u32 v12, $0x1  }
0x21c: {  	v12 =	vand.u32 $0x7, v12;
	v13 =	vand.u32 $0xFFFFFFF0, v13  }
0x21d: {  	v12 =	vor.u32 v12, v13  }
0x21e: {  	v13 =	vperm.xlane v12, v9;
	_ =	sdelay $0x1  }
0x21f: {  	v12 =	vperm.xlane v12, v11;
	v13 =	vadd.s32 v10, v13;
	_ =	sdelay $0x1  }
0x220: {  	v12 =	vadd.s32 v10, v12;
	_ =	sdelay $0x2  }
0x221: {  	[tilespmem:s10], [sflag:$0x1] =	stream.indirect_vreg.gather [hbm4b:s3+s19], $0x80, v13, vm9, $0xb8;
	[tilespmem:$0x18400] =	vst v63  }
0x222: {  	_ = 	snop  }
0x223: {  	[tilespmem:s11], [sflag:$0x1] =	stream.indirect_vreg.gather [hbm4b:s3+s19], $0x80, v12, vm9, $0xb8;
	[tilespmem:$0x18400] =	vst v63  }
0x224: {  	v12 =	vld [tilespmem:s0+$0x1510];
	_ =	sdelay $0x4  }
0x225: {  	v57 =	vshll.u32 v12, $0x1  }
0x226: {  	v12 =	vand.u32 $0x7, v12;
	v13 =	vand.u32 $0xFFFFFFF0, v57  }
0x227: {  	v12 =	vor.u32 v12, v13  }
0x228: {  	v13 =	vperm.xlane v12, v9;
	_ =	sdelay $0x1  }
0x229: {  	v12 =	vperm.xlane v12, v11;
	v13 =	vadd.s32 v10, v13;
	_ =	sdelay $0x1  }
0x22a: {  	v12 =	vadd.s32 v10, v12;
	_ =	sdelay $0x2  }
0x22b: {  	[tilespmem:s12], [sflag:$0x1] =	stream.indirect_vreg.gather [hbm4b:s3+s19], $0x80, v13, vm9, $0xb8;
	[tilespmem:$0x18400] =	vst v63  }
0x22c: {  	_ = 	snop  }
0x22d: {  	[tilespmem:s13], [sflag:$0x1] =	stream.indirect_vreg.gather [hbm4b:s3+s19], $0x80, v12, vm9, $0xb8;
	[tilespmem:$0x18400] =	vst v63  }
0x22e: {  	v12 =	vld [tilespmem:s0+$0x1520];
	_ =	sdelay $0x4  }
0x22f: {  	v58 =	vshll.u32 v12, $0x1  }
0x230: {  	v12 =	vand.u32 $0x7, v12;
	v13 =	vand.u32 $0xFFFFFFF0, v58  }
0x231: {  	v12 =	vor.u32 v12, v13  }
0x232: {  	v13 =	vperm.xlane v12, v9;
	_ =	sdelay $0x1  }
0x233: {  	v12 =	vperm.xlane v12, v11;
	v13 =	vadd.s32 v10, v13;
	_ =	sdelay $0x1  }
0x234: {  	v12 =	vadd.s32 v10, v12;
	_ =	sdelay $0x2  }
0x235: {  	[tilespmem:s14], [sflag:$0x1] =	stream.indirect_vreg.gather [hbm4b:s3+s19], $0x80, v13, vm9, $0xb8;
	[tilespmem:$0x18400] =	vst v63  }
0x236: {  	_ = 	snop  }
0x237: {  	[tilespmem:s15], [sflag:$0x1] =	stream.indirect_vreg.gather [hbm4b:s3+s19], $0x80, v12, vm9, $0xb8;
	[tilespmem:$0x18400] =	vst v63  }
0x238: {  	v12 =	vld [tilespmem:s0+$0x1530];
	_ =	sdelay $0x4  }
0x239: {  	v59 =	vshll.u32 v12, $0x1  }
0x23a: {  	v12 =	vand.u32 $0x7, v12;
	v13 =	vand.u32 $0xFFFFFFF0, v59  }
0x23b: {  	v12 =	vor.u32 v12, v13  }
0x23c: {  	v13 =	vperm.xlane v12, v9;
	_ =	sdelay $0x1  }
0x23d: {  	v12 =	vperm.xlane v12, v11;
	v13 =	vadd.s32 v10, v13;
	_ =	sdelay $0x1  }
0x23e: {  	v12 =	vadd.s32 v10, v12;
	_ =	sdelay $0x2  }
0x23f: {  	[tilespmem:s16], [sflag:$0x1] =	stream.indirect_vreg.gather [hbm4b:s3+s19], $0x80, v13, vm9, $0xb8;
	[tilespmem:$0x18400] =	vst v63  }
0x240: {  	_ = 	snop  }
0x241: {  	[tilespmem:s17], [sflag:$0x1] =	stream.indirect_vreg.gather [hbm4b:s3+s19], $0x80, v12, vm9, $0xb8;
	[tilespmem:$0x18400] =	vst v63  }
0x242: {  	v12 =	vld [tilespmem:s0+$0x1540];
	_ =	sdelay $0x4  }
0x243: {  	v60 =	vshll.u32 v12, $0x1  }
0x244: {  	v12 =	vand.u32 $0x7, v12;
	v13 =	vand.u32 $0xFFFFFFF0, v60  }
0x245: {  	v12 =	vor.u32 v12, v13  }
0x246: {  	v13 =	vperm.xlane v12, v9;
	_ =	sdelay $0x1  }
0x247: {  	v12 =	vperm.xlane v12, v11;
	v13 =	vadd.s32 v10, v13;
	_ =	sdelay $0x1  }
0x248: {  	v12 =	vadd.s32 v10, v12;
	_ =	sdelay $0x2  }
0x249: {  	[tilespmem:s18], [sflag:$0x1] =	stream.indirect_vreg.gather [hbm4b:s3+s19], $0x80, v13, vm9, $0xb8;
	[tilespmem:$0x18400] =	vst v63  }
0x24a: {  	_ = 	snop  }
0x24b: {  	[tilespmem:s20], [sflag:$0x1] =	stream.indirect_vreg.gather [hbm4b:s3+s19], $0x80, v12, vm9, $0xb8;
	[tilespmem:$0x18400] =	vst v63  }
0x24c: {  	v12 =	vld [tilespmem:s0+$0x1550];
	_ =	sdelay $0x4  }
0x24d: {  	v61 =	vshll.u32 v12, $0x1  }
0x24e: {  	v12 =	vand.u32 $0x7, v12;
	v13 =	vand.u32 $0xFFFFFFF0, v61  }
0x24f: {  	v12 =	vor.u32 v12, v13  }
0x250: {  	v13 =	vperm.xlane v12, v9;
	_ =	sdelay $0x1  }
0x251: {  	v12 =	vperm.xlane v12, v11;
	v13 =	vadd.s32 v10, v13;
	_ =	sdelay $0x1  }
0x252: {  	v12 =	vadd.s32 v10, v12;
	_ =	sdelay $0x2  }
0x253: {  	[tilespmem:s21], [sflag:$0x1] =	stream.indirect_vreg.gather [hbm4b:s3+s19], $0x80, v13, vm9, $0xb8;
	[tilespmem:$0x18400] =	vst v63  }
0x254: {  	_ = 	snop  }
0x255: {  	[tilespmem:s22], [sflag:$0x1] =	stream.indirect_vreg.gather [hbm4b:s3+s19], $0x80, v12, vm9, $0xb8;
	[tilespmem:$0x18400] =	vst v63  }
0x256: {  	v12 =	vld [tilespmem:s0+$0x1560];
	_ =	sdelay $0x4  }
0x257: {  	v62 =	vshll.u32 v12, $0x1  }
0x258: {  	v12 =	vand.u32 $0x7, v12;
	v13 =	vand.u32 $0xFFFFFFF0, v62  }
0x259: {  	v12 =	vor.u32 v12, v13  }
0x25a: {  	v13 =	vperm.xlane v12, v9;
	_ =	sdelay $0x1  }
0x25b: {  	v12 =	vperm.xlane v12, v11;
	v13 =	vadd.s32 v10, v13;
	_ =	sdelay $0x1  }
0x25c: {  	v12 =	vadd.s32 v10, v12;
	_ =	sdelay $0x1  }
0x25d: {  	s1 =	simm.s32 $0xA400  }
0x25e: {  	[tilespmem:s1], [sflag:$0x1] =	stream.indirect_vreg.gather [hbm4b:s3+s19], $0x80, v13, vm9, $0xb8;
	[tilespmem:$0x18400] =	vst v63  }
0x25f: {  	s29 =	simm.s32 $0xAC00  }
0x260: {  	[tilespmem:s29], [sflag:$0x1] =	stream.indirect_vreg.gather [hbm4b:s3+s19], $0x80, v12, vm9, $0xb8;
	[tilespmem:$0x18400] =	vst v63  }
0x261: {  	v12 =	vld [tilespmem:s0+$0x1570];
	_ =	sdelay $0x4  }
0x262: {  	v63 =	vshll.u32 v12, $0x1  }
0x263: {  	v12 =	vand.u32 $0x7, v12;
	v13 =	vand.u32 $0xFFFFFFF0, v63  }
0x264: {  	v12 =	vor.u32 v12, v13  }
0x265: {  	v13 =	vperm.xlane v12, v9;
	_ =	sdelay $0x1  }
0x266: {  	v12 =	vperm.xlane v12, v11;
	v13 =	vadd.s32 v10, v13;
	_ =	sdelay $0x1  }
0x267: {  	v12 =	vadd.s32 v10, v12;
	_ =	sdelay $0x1  }
0x268: {  	s30 =	simm.s32 $0xB400  }
0x269: {  	[tilespmem:s30], [sflag:$0x1] =	stream.indirect_vreg.gather [hbm4b:s3+s19], $0x80, v13, vm9, $0xb8;
	[tilespmem:$0x18400] =	vst v63  }
0x26a: {  	s31 =	simm.s32 $0xBC00  }
0x26b: {  	[tilespmem:s31], [sflag:$0x1] =	stream.indirect_vreg.gather [hbm4b:s3+s19], $0x80, v12, vm9, $0xb8;
	[tilespmem:$0x18400] =	vst v63  }
.LBB2_8:
0x26c: {  	s0 =	simm.s32 $0x2  }
0x26d: {  	_ =	swait.ge [sflag:s0], $0x8000  }
0x26e: {  	s29 =	simm.s32 $0x0;
	p0 =	por $0x0, $0x0;
	[sflag:s0] =	ssyncset.done $0x0  }
0x26f: {  	s30 =	smov.u32 s24;
	s31 =	simm.s32 $0x0;
	[sflag:s0] =	ssyncadd.s32 $0xFFFF8000  }
.LBB2_9:
0x270: {  	s9 =	sand.u32 $0x7800, s31;
	s1 =	sand.u32 $0x200, s29  }
0x271: {  	s2 =	sor.u32 s1, s9  }
0x272: {  	v40 =	vld [tilespmem:s2+$0xC400]  }
0x273: {  	v41 =	vld [tilespmem:s2+$0xC480]  }
0x274: {  	v12 =	vmov s30;
	s0 =	sadd.s32 $0x1, s30;
	v18 =	vld [tilespmem:s2+$0xC500]  }
0x275: {  	s4 =	sadd.s32 $0x2, s30;
	v12 =	vand.u32 $0xFFFFFFFC, v12;
	v13 =	vmov s0;
	v19 =	vld [tilespmem:s2+$0xC580]  }
0x276: {  	v14 =	vmov s4;
	v12 =	vbroadcast v12, $0x0;
	v13 =	vand.u32 $0xFFFFFFFD, v13;
	v20 =	vld [tilespmem:s2+$0xC410]  }
0x277: {  	v14 =	vand.u32 $0xFFFFFFFE, v14;
	v21 =	vld [tilespmem:s2+$0xC490];
	v13 =	vbroadcast v13, $0x0  }
0x278: {  	v22 =	vld [tilespmem:s2+$0xC510];
	v16 =	vbroadcast v14, $0x0  }
0x279: {  	s7 =	sadd.s32 $0x3, s30;
	v23 =	vld [tilespmem:s2+$0xC590]  }
0x27a: {  	v17 =	vmov s7;
	v24 =	vld [tilespmem:s2+$0xC420]  }
0x27b: {  	v28 =	vld [tilespmem:s2+$0xC430]  }
0x27c: {  	v15 =	vld.idx.msk [tilespmem:v12+s8+$0x0], $0xffff  }
0x27d: {  	v14 =	vld.idx.msk [tilespmem:v13+s8+$0x0], $0xffff  }
0x27e: {  	v12 =	vld.idx.msk [tilespmem:v16+s8+$0x0], $0xffff  }
0x27f: {  	v13 =	vld.idx.msk [tilespmem:v17+s8+$0x0], $0xffff  }
0x280: {  	v25 =	vld [tilespmem:s2+$0xC4A0]  }
0x281: {  	v26 =	vld [tilespmem:s2+$0xC520];
	v16 =	vmul.f32 v40, v15  }
0x282: {  	v27 =	vld [tilespmem:s2+$0xC5A0];
	v42 =	vmul.f32 v20, v15;
	v47 =	vmul.f32 v24, v15  }
0x283: {  	v29 =	vld [tilespmem:s2+$0xC4B0];
	v51 =	vmul.f32 v28, v15;
	v17 =	vmul.f32 v41, v14  }
0x284: {  	v30 =	vld [tilespmem:s2+$0xC530];
	v18 =	vmul.f32 v18, v12;
	v19 =	vmul.f32 v19, v13  }
0x285: {  	v44 =	vld [tilespmem:s2+$0xC5B0];
	v43 =	vmul.f32 v21, v14;
	v45 =	vmul.f32 v22, v12  }
0x286: {  	v46 =	vmul.f32 v23, v13;
	v48 =	vmul.f32 v25, v14  }
0x287: {  	v49 =	vmul.f32 v26, v12;
	v50 =	vmul.f32 v27, v13  }
0x288: {  	v52 =	vmul.f32 v29, v14;
	v16 =	vadd.f32 v17, v16;
	v18 =	vadd.f32 v19, v18  }
0x289: {  	v53 =	vmul.f32 v30, v12;
	v17 =	vadd.f32 v43, v42;
	v19 =	vadd.f32 v46, v45  }
0x28a: {  	v21 =	vmul.f32 v44, v13;
	v20 =	vadd.f32 v48, v47;
	v22 =	vadd.f32 v50, v49  }
0x28b: {  	v16 =	vadd.f32 v18, v16;
	v17 =	vadd.f32 v19, v17  }
0x28c: {  	s0 =	sshra.s32 s31, $0x2;
	v18 =	vadd.f32 v52, v51;
	v19 =	vadd.f32 v21, v53  }
0x28d: {  	v20 =	vadd.f32 v22, v20;
	[tilespmem:s0+$0x16400] =	vst v16  }
0x28e: {  	v54 =	vadd.f32 v19, v18;
	[tilespmem:s0+$0x16410] =	vst v17  }
0x28f: {  	[tilespmem:s0+$0x16420] =	vst v20  }
0x290: {  	[tilespmem:s0+$0x16430] =	vst v54  }
0x291: {  	v16 =	vld [tilespmem:s2+$0xC440]  }
0x292: {  	v17 =	vld [tilespmem:s2+$0xC4C0]  }
0x293: {  	v55 =	vld [tilespmem:s2+$0xC540]  }
0x294: {  	v56 =	vld [tilespmem:s2+$0xC5C0]  }
0x295: {  	v20 =	vld [tilespmem:s2+$0xC450]  }
0x296: {  	v57 =	vld [tilespmem:s2+$0xC4D0]  }
0x297: {  	v58 =	vld [tilespmem:s2+$0xC550]  }
0x298: {  	v59 =	vld [tilespmem:s2+$0xC5D0]  }
0x299: {  	v60 =	vld [tilespmem:s2+$0xC460]  }
0x29a: {  	v61 =	vld [tilespmem:s2+$0xC4E0]  }
0x29b: {  	v62 =	vld [tilespmem:s2+$0xC560]  }
0x29c: {  	v63 =	vld [tilespmem:s2+$0xC5E0];
	v16 =	vmul.f32 v16, v15  }
0x29d: {  	v33 =	vld [tilespmem:s2+$0xC470];
	v17 =	vmul.f32 v17, v14;
	v18 =	vmul.f32 v55, v12  }
0x29e: {  	v34 =	vld [tilespmem:s2+$0xC4F0];
	v19 =	vmul.f32 v56, v13;
	v36 =	vmul.f32 v20, v15  }
0x29f: {  	v35 =	vld [tilespmem:s2+$0xC570];
	v37 =	vmul.f32 v57, v14;
	v39 =	vmul.f32 v58, v12  }
0x2a0: {  	v38 =	vld [tilespmem:s2+$0xC5F0];
	v40 =	vmul.f32 v59, v13;
	v41 =	vmul.f32 v60, v15  }
0x2a1: {  	v42 =	vmul.f32 v61, v14;
	v43 =	vmul.f32 v62, v12  }
0x2a2: {  	v44 =	vmul.f32 v63, v13;
	v45 =	vmul.f32 v33, v15  }
0x2a3: {  	v46 =	vmul.f32 v34, v14;
	v16 =	vadd.f32 v17, v16;
	v18 =	vadd.f32 v19, v18  }
0x2a4: {  	v47 =	vmul.f32 v35, v12;
	v17 =	vadd.f32 v37, v36;
	v19 =	vadd.f32 v40, v39  }
0x2a5: {  	v21 =	vmul.f32 v38, v13;
	v20 =	vadd.f32 v42, v41;
	v22 =	vadd.f32 v44, v43  }
0x2a6: {  	v16 =	vadd.f32 v18, v16;
	v17 =	vadd.f32 v19, v17  }
0x2a7: {  	s1 =	simm.s32 $0x1;
	v18 =	vadd.f32 v46, v45;
	v19 =	vadd.f32 v21, v47  }
0x2a8: {  	s1 =	simm.s32 @!p0 $0x0;
	v20 =	vadd.f32 v22, v20;
	[tilespmem:s0+$0x16440] =	vst v16  }
0x2a9: {  	s1 =	sshll.u32 s1, $0x9;
	v48 =	vadd.f32 v19, v18;
	[tilespmem:s0+$0x16450] =	vst v17  }
0x2aa: {  	s4 =	sadd.s32 s1, s31;
	[tilespmem:s0+$0x16460] =	vst v20  }
0x2ab: {  	s1 =	sor.u32 $0x400, s4;
	s9 =	sadd.s32 $0x80, s4;
	[tilespmem:s0+$0x16470] =	vst v48  }
0x2ac: {  	s7 =	sadd.s32 $0x100, s4;
	s2 =	sor.u32 $0x400, s9;
	v16 =	vld [tilespmem:s1+$0xC400]  }
0x2ad: {  	v17 =	vld [tilespmem:s2+$0xC400];
	s1 =	sor.u32 $0x400, s7;
	s2 =	sadd.s32 $0x180, s4  }
0x2ae: {  	v49 =	vld [tilespmem:s1+$0xC400];
	s1 =	sor.u32 $0x400, s2  }
0x2af: {  	v50 =	vld [tilespmem:s1+$0xC400];
	s1 =	sor.u32 $0x410, s4  }
0x2b0: {  	v20 =	vld [tilespmem:s1+$0xC400];
	s1 =	sor.u32 $0x410, s9  }
0x2b1: {  	v51 =	vld [tilespmem:s1+$0xC400];
	s1 =	sor.u32 $0x410, s7  }
0x2b2: {  	v52 =	vld [tilespmem:s1+$0xC400];
	s1 =	sor.u32 $0x410, s2  }
0x2b3: {  	v53 =	vld [tilespmem:s1+$0xC400];
	s1 =	sor.u32 $0x420, s4  }
0x2b4: {  	v54 =	vld [tilespmem:s1+$0xC400];
	s1 =	sor.u32 $0x420, s9  }
0x2b5: {  	v55 =	vld [tilespmem:s1+$0xC400];
	s1 =	sor.u32 $0x420, s7  }
0x2b6: {  	v56 =	vld [tilespmem:s1+$0xC400];
	s1 =	sor.u32 $0x420, s2  }
0x2b7: {  	v57 =	vld [tilespmem:s1+$0xC400];
	s1 =	sor.u32 $0x430, s4  }
0x2b8: {  	v58 =	vld [tilespmem:s1+$0xC400];
	s1 =	sor.u32 $0x430, s9  }
0x2b9: {  	v16 =	vmul.f32 v16, v15;
	v17 =	vmul.f32 v17, v14;
	v59 =	vld [tilespmem:s1+$0xC400];
	s1 =	sor.u32 $0x430, s7  }
0x2ba: {  	v18 =	vmul.f32 v49, v12;
	v19 =	vmul.f32 v50, v13;
	v60 =	vld [tilespmem:s1+$0xC400];
	s1 =	sor.u32 $0x430, s2  }
0x2bb: {  	v16 =	vadd.f32 v17, v16;
	v61 =	vmul.f32 v20, v15;
	v62 =	vmul.f32 v51, v14;
	v63 =	vld [tilespmem:s1+$0xC400]  }
0x2bc: {  	v18 =	vadd.f32 v19, v18;
	v31 =	vmul.f32 v52, v12;
	v32 =	vmul.f32 v53, v13  }
0x2bd: {  	v17 =	vadd.f32 v62, v61;
	v33 =	vmul.f32 v54, v15;
	v34 =	vmul.f32 v55, v14  }
0x2be: {  	v19 =	vadd.f32 v32, v31;
	v35 =	vmul.f32 v56, v12;
	v36 =	vmul.f32 v57, v13  }
0x2bf: {  	v16 =	vadd.f32 v18, v16;
	v37 =	vmul.f32 v58, v15;
	v38 =	vmul.f32 v59, v14  }
0x2c0: {  	v17 =	vadd.f32 v19, v17;
	v39 =	vmul.f32 v60, v12;
	v21 =	vmul.f32 v63, v13  }
0x2c1: {  	v20 =	vadd.f32 v34, v33;
	v22 =	vadd.f32 v36, v35  }
0x2c2: {  	v18 =	vadd.f32 v38, v37;
	v19 =	vadd.f32 v21, v39  }
0x2c3: {  	[tilespmem:s0+$0x16480] =	vst v16;
	v20 =	vadd.f32 v22, v20  }
0x2c4: {  	[tilespmem:s0+$0x16490] =	vst v17;
	v40 =	vadd.f32 v19, v18  }
0x2c5: {  	[tilespmem:s0+$0x164A0] =	vst v20  }
0x2c6: {  	s1 =	sor.u32 $0x440, s4;
	[tilespmem:s0+$0x164B0] =	vst v40  }
0x2c7: {  	v16 =	vld [tilespmem:s1+$0xC400];
	s1 =	sor.u32 $0x440, s9  }
0x2c8: {  	v17 =	vld [tilespmem:s1+$0xC400];
	s1 =	sor.u32 $0x440, s7  }
0x2c9: {  	v41 =	vld [tilespmem:s1+$0xC400];
	s1 =	sor.u32 $0x440, s2  }
0x2ca: {  	v42 =	vld [tilespmem:s1+$0xC400];
	s1 =	sor.u32 $0x450, s4  }
0x2cb: {  	v20 =	vld [tilespmem:s1+$0xC400];
	s1 =	sor.u32 $0x450, s9  }
0x2cc: {  	v43 =	vld [tilespmem:s1+$0xC400];
	s1 =	sor.u32 $0x450, s7  }
0x2cd: {  	v44 =	vld [tilespmem:s1+$0xC400];
	s1 =	sor.u32 $0x450, s2  }
0x2ce: {  	v45 =	vld [tilespmem:s1+$0xC400];
	s1 =	sor.u32 $0x460, s4  }
0x2cf: {  	s4 =	sor.u32 $0x470, s4;
	v46 =	vld [tilespmem:s1+$0xC400]  }
0x2d0: {  	s1 =	sor.u32 $0x460, s9;
	v50 =	vld [tilespmem:s4+$0xC400]  }
0x2d1: {  	s4 =	sor.u32 $0x470, s9;
	v47 =	vld [tilespmem:s1+$0xC400]  }
0x2d2: {  	s9 =	sor.u32 $0x470, s2;
	v51 =	vld [tilespmem:s4+$0xC400]  }
0x2d3: {  	s1 =	sor.u32 $0x460, s7;
	v55 =	vld [tilespmem:s9+$0xC400]  }
0x2d4: {  	v16 =	vmul.f32 v16, v15;
	v17 =	vmul.f32 v17, v14;
	v48 =	vld [tilespmem:s1+$0xC400];
	s1 =	sor.u32 $0x460, s2  }
0x2d5: {  	v18 =	vmul.f32 v41, v12;
	v19 =	vmul.f32 v42, v13;
	s7 =	sor.u32 $0x470, s7;
	v49 =	vld [tilespmem:s1+$0xC400]  }
0x2d6: {  	v16 =	vadd.f32 v17, v16;
	v53 =	vmul.f32 v20, v15;
	v52 =	vld [tilespmem:s7+$0xC400];
	v54 =	vmul.f32 v43, v14  }
0x2d7: {  	v18 =	vadd.f32 v19, v18;
	v56 =	vmul.f32 v44, v12;
	v57 =	vmul.f32 v45, v13  }
0x2d8: {  	v17 =	vadd.f32 v54, v53;
	v58 =	vmul.f32 v46, v15;
	v15 =	vmul.f32 v50, v15  }
0x2d9: {  	v19 =	vadd.f32 v57, v56;
	v59 =	vmul.f32 v47, v14;
	v14 =	vmul.f32 v51, v14  }
0x2da: {  	v16 =	vadd.f32 v18, v16;
	v60 =	vmul.f32 v48, v12;
	v61 =	vmul.f32 v49, v13  }
0x2db: {  	v12 =	vmul.f32 v52, v12;
	v17 =	vadd.f32 v19, v17;
	v13 =	vmul.f32 v55, v13  }
0x2dc: {  	p1 =	sne.s32 s31, $0x7C00;
	v62 =	vadd.f32 v59, v58;
	v18 =	vadd.f32 v61, v60  }
.Ltmp3:
0x2dd: {  	v14 =	vadd.f32 v14, v15;
	v12 =	vadd.f32 v13, v12;
	(pc) =	sbr.rel @p1 .LBB2_9-.Ltmp3, $4  }
0x2de: {  	[tilespmem:s0+$0x164C0] =	vst v16;
	v63 =	vadd.f32 v18, v62  }
0x2df: {  	[tilespmem:s0+$0x164D0] =	vst v17;
	v12 =	vadd.f32 v12, v14  }
0x2e0: {  	s29 =	sadd.s32 $0x200, s29;
	[tilespmem:s0+$0x164E0] =	vst v63  }
0x2e1: {  	s30 =	sadd.s32 $0x4, s30;
	p0 =	por !p0, !p0;
	s31 =	sadd.s32 $0x400, s31;
	[tilespmem:s0+$0x164F0] =	vst v12  }
0x2e2: {  	s26 =	sadd.s32 $0x1, s26  }
0x2e3: {  	p0 =	sne.s32 s26, $0x18  }
.Ltmp4:
0x2e4: {  	s0 =	sshll.u32 s28, $0xD;
	(pc) =	sbr.rel @p0 .LBB2_4-.Ltmp4, $4  }
0x2e5: {  	s0 =	sadd.s32 s6, s0  }
0x2e6: {  	s1 =	simm.s32 $0x16400;
	s0 =	sshrl.u32 s0, $0x3  }
0x2e7: {  	s25 =	sadd.s32 $0x100, s25;
	s24 =	sadd.s32 $0x100, s24;
	s0 =	sadd.s32 s5, s0  }
0x2e8: {  	[hbm4b:s0+s19] =	stream.linear.scatter [tilespmem:s1], [sflag:$0x4], $0x2000, $0x38;
	[tilespmem:$0x18400] =	vst v63  }
0x2e9: {  	s0 =	simm.s32 $0x3  }
0x2ea: {  	_ =	swait.ge [sflag:s0], $0x2000  }
0x2eb: {  	[sflag:s0] =	ssyncset.done $0x0  }
0x2ec: {  	s1 =	simm.s32 $0x4;
	[sflag:s0] =	ssyncadd.s32 $0xFFFFE000  }
0x2ed: {  	_ =	swait.ge [sflag:s1], $0x2000  }
0x2ee: {  	s2 =	rddreg [dreg:$0x8]  }
0x2ef: {  	s31 =	rddreg [dreg:$0x6];
	s2 =	sadd.s32 $0x1, s2  }
0x2f0: {  	p0 =	sne.s32 s2, s31  }
.Ltmp5:
0x2f1: {  	_ = 	snop;
	(pc) =	sbr.rel @p0 .LBB2_1-.Ltmp5, $3  }
0x2f2: {  	_ =	sdelay $0x1  }
0x2f3: {  	[sflag:s1] =	ssyncset.done $0x0  }
0x2f4: {  	[sflag:s1] =	ssyncadd.s32 $0xFFFFE000  }
0x2f5: {  	_ =	sfence.sel $0x180000  }
0x2f6: {  	[bflag:$0x0] =	sbarrier.arrive $0xFFFF  }
0x2f7: {  	_ =	strace $0x9000004A  }
0x2f8: {  	s0 =	stileid.u32;
	[bflag:$0x2] =	sbarrier.arrive $0xFFFF  }
0x2f9: {  	p0 =	sne.s32 s0, $0x0;
	s0 =	rddreg [dreg:$0x2]  }
0x2fa: {  	s0 =	sadd.s32 @!p0 $0x100000, s0  }
0x2fb: {  	[sflag:s0] =	ssyncadd.tile.s32 @!p0 $0x1;
	_ =	shalt  }
.Lfunc_end2:
_tile_overlayer_lowered:
.L_overlay_start_2:
0x2fc: {  	(tag) =	ssettag $0x2  }
0x2fd: {  	s0 =	rddreg [dreg:$0x0];
	s2 =	stileid.u32  }
0x2fe: {  	s1 =	rddreg [dreg:$0x1];
	p0 =	sne.s32 s2, $0x0  }
0x2ff: {  	s3 =	rddreg [dreg:$0x2];
	[bflag:$0x3] =	sbarrier.arrive $0xFFFF;
	s2 =	simm.s32 @!p0 $0x1C05  }
0x300: {  	[timem:s3], [sflag:s2] =	dma.local @!p0 [hbm:s0], s1  }
0x301: {  	s0 =	simm.s32 @!p0 $0x5  }
0x302: {  	_ =	swait.ge @!p0 [sflag:s0], s1  }
0x303: {  	s1 =	ssub.s32 @!p0 $0x0, s1;
	[sflag:s0] =	ssyncset.done @!p0 $0x0  }
0x304: {  	[sflag:s0] =	ssyncadd.s32 @!p0 s1  }
0x305: {  	[bflag:$0x3] =	sbarrier.arrive $0xFFFF  }
0x306: {  	_ =	shalt  }

// kernel: sparse-core-data-format-call.1.cloned.1.call-start
scs
called_computation.1_lowered:
.L_overlay_start_0:
0x0: {  	s2 =	sld [smem:$0x3FD9]  }
0x1: {  	s3 =	sld [smem:$0x3FFE];
	_ =	sdelay $0x1  }
0x2: {  	s1 =	srdreg.scid  }
0x3: {  	s0 =	sand.u32 $0x1, s1  }
0x4: {  	s19 =	sshll.u32 s0, $0xA;
	s2 =	sadd.s32 s3, s2  }
0x5: {  	s2 =	sadd.s32 s2, s19  }
0x6: {  	[smem:$0x3FC6] =	sst s2  }
0x7: {  	_ = 	snop  }
0x8: {  	s2 =	sld [smem:$0x3FC9]  }
0x9: {  	s20 =	sld [smem:$0x3FD0];
	(tm) =	ssettm $0x1  }
0xa: {  	s4 =	sld [smem:$0x3FFB];
	_ =	sdelay $0x3  }
0xb: {  	_ =	strace s4  }
0xc: {  	s4 =	sld [smem:$0x3FFC];
	_ =	sdelay $0x3  }
0xd: {  	_ =	strace s4  }
0xe: {  	s4 =	sld [smem:$0x3FFD];
	_ =	sdelay $0x3  }
0xf: {  	_ =	strace s4  }
0x10: {  	_ =	strace $0x8FFFFFFF  }
0x11: {  	s21 =	sld [smem:$0x3FDB];
	_ =	sdelay $0x1  }
0x12: {  	s5 =	simm.s32 $_scs_section_size  }
0x13: {  	s6 =	simm.s32 $_size__tile_overlayer_lowered;
	s7 =	simm.s32 $_tile_overlayer_lowered  }
0x14: {  	s24 =	simm.s32 $0x1BFF;
	s23 =	sshll.u32 s7, $0x1;
	s4 =	sadd.s32 s5, s21  }
0x15: {  	s8 =	simm.s32 $0x0;
	s22 =	sshll.u32 s6, $0x1;
	s6 =	sadd.s32 s23, s4  }
0x16: {  	[timem:s8], [sflag:s24] =	dma.local [hbm:s6], s22  }
0x17: {  	_ =	swait.ge [sflag:s24], s22  }
0x18: {  	s5 =	ssub.s32 $0x0, s22;
	[sflag:s24] =	ssyncset.done $0x0  }
0x19: {  	[sflag:s24] =	ssyncadd.s32 s5;
	_ =	sdelay $0x1  }
0x1a: {  	s25 =	simm.s32 $0x1B8B  }
0x1b: {  	_ =	swait.ge [sflag:s25], $0x1  }
0x1c: {  	[sflag:s25] =	ssyncset.done $0x0  }
0x1d: {  	s26 =	simm.s32 $0x1B8E;
	[sflag:s25] =	ssyncadd.s32 $0xFFFFFFFF  }
0x1e: {  	s27 =	simm.s32 $execute0_lowered;
	[smem:$0x3FD2] =	sst s26  }
0x1f: {  	s5 =	sshll.u32 s27, $0x1;
	_ =	strace $0x80000046;
	[dreg:$0x1] =	wrdreg $0xFFFFFFFF  }
0x20: {  	s28 =	simm.s32 $_size_execute0_lowered;
	s4 =	sadd.s32 s4, s5;
	[dreg:$0x0] =	wrdreg $0x0  }
0x21: {  	s5 =	sshll.u32 s28, $0x1;
	[dreg:$0x2] =	wrdreg s4  }
0x22: {  	[dreg:$0x3] =	wrdreg s5  }
0x23: {  	[dreg:$0x4] =	wrdreg $0xC0  }
0x24: {  	_ =	task [dreg:s8], $0x5FFFF  }
0x25: {  	[dreg:$0x1] =	wrdreg $0xFFFFFFFF  }
0x26: {  	[dreg:$0x0] =	wrdreg $0x60  }
0x27: {  	[dreg:$0x2] =	wrdreg s2  }
0x28: {  	[dreg:$0x3] =	wrdreg s20  }
0x29: {  	[dreg:$0x4] =	wrdreg $0x9  }
0x2a: {  	_ =	task.clear_ibuf [dreg:s8], $0x5FFFF;
	_ =	strace $0x90000046  }
0x2b: {  	s29 =	simm.s32 $0x9;
	_ =	strace $0x80000048  }
0x2c: {  	_ =	swait.ge [sflag:s29], $0x1  }
0x2d: {  	[sflag:s29] =	ssyncadd.s32 $0xFFFFFFFF  }
0x2e: {  	_ =	strace $0x90000048  }
0x2f: {  	_ =	sfence  }
0x30: {  	s30 =	sld [smem:$0x0];
	_ =	sdelay $0x2  }
0x31: {  	s31 =	sshll.u32 s1, $0xD;
	s1 =	sshrl.u32 s1, $0x2  }
0x32: {  	s3 =	sand.u32 $0x4000, s31;
	s1 =	sadd.s32 s1, s30  }
0x33: {  	s0 =	sor.u32 s3, s0;
	s1 =	sshll.u32 s1, $0x11  }
0x34: {  	s0 =	sor.u32 s1, s0  }
0x35: {  	s0 =	sadd.s32 $0x8F2B, s0  }
0x36: {  	[sflag:s0] =	ssyncadd.remote.s32 $0x1  }
0x37: {  	_ =	sfence.sel $0xFFFF  }
0x38: {  	[dreg:$0x0] =	wrdreg $0xFFFFFFFF;
	(pc) =	sbr.abs _section_cstart, $3  }
0x39: {  	[dreg:$0x1] =	wrdreg $0xFFFFFFFF  }
0x3a: {  	_ =	task.clear_ibuf [dreg:s8], $0x2FFFF;
	_ =	strace $0x9FFFFFFF  }
0x3b: {  	(tm) =	ssettm $0x7FFFFFFF  }
tec
execute0_lowered:
.L_overlay_start_1:
0x0: {  	(tag) =	ssettag $0x1  }
0x1: {  	s1 =	rddreg [dreg:$0x0]  }
0x2: {  	s0 =	stileid.u32;
	s4 =	rddreg [dreg:$0x1]  }
0x3: {  	s7 =	srdreg.scid;
	s10 =	simm.s32 $0x2;
	s16 =	simm.s32 $0x0  }
0x4: {  	p0 =	por $0x0, $0x0;
	s15 =	simm.s32 $0x0;
	s17 =	simm.s32 $0x0  }
0x5: {  	s14 =	simm.s32 $0x0;
	s3 =	sshll.u32 s0, $0x6;
	s2 =	sand.u32 $0x1, s0  }
0x6: {  	s7 =	sshll.u32 s7, $0x4;
	s3 =	sand.u32 $0x80, s3;
	s5 =	ssub.s32 $0x2, s2  }
0x7: {  	s7 =	sand.u32 $0x10, s7;
	s13 =	smov.u32 s2;
	s6 =	ssub.s32 $0x100, s3  }
0x8: {  	s8 =	sshrl.u32 s5, $0x1;
	s5 =	sand.u32 $0x1, s5;
	s9 =	sshrl.u32 s6, $0x7  }
0x9: {  	s6 =	sshrl.u32 s6, $0x8;
	s8 =	sadd.s32 s5, s8;
	s9 =	sand.u32 $0x1, s9  }
.Ltmp0:
0xa: {  	s5 =	rddreg [dreg:$0x2];
	s6 =	sadd.s32 s6, s9;
	(pc) =	sbr.rel .LBB1_1-.Ltmp0, $4  }
0xb: {  	_ =	strace $0x80000047;
	s8 =	smul.u32 s6, s8;
	s6 =	simm.s32 $0x1  }
0xc: {  	s31 =	sor.u32 s0, s7;
	s12 =	smov.u32 s3;
	[sflag:s6] =	ssyncpa.u1 $0x0  }
0xd: {  	s7 =	sshll.u32 s8, $0x4;
	s8 =	sshrl.u32 s31, $0x2;
	[sflag:s10] =	ssyncpa.u1 $0x0  }
0xe: {  	s10 =	simm.s32 $0x800;
	s9 =	sor.u32 $0x1, s7;
	s11 =	smov.u32 s8  }
.LBB1_4:
0xf: {  	v5 =	vld [tilespmem:s21+$0xFFFFFFD0];
	[tilespmem:s20+$0x2040 ss:$0x81] =	vst.msk $0xffff, v1  }
0x10: {  	v58 =	vld [tilespmem:s21+$0xFFFFFFE0];
	[tilespmem:s20+$0x2850 ss:$0x81] =	vst.msk $0xffff, v2  }
0x11: {  	s22 =	sshra.s32 s22, $0x2;
	v59 =	vld [tilespmem:s21+$0xFFFFFFF0];
	[tilespmem:s20+$0x3060 ss:$0x81] =	vst.msk $0xffff, v3  }
0x12: {  	v60 =	vld [tilespmem:s21+$0x0];
	[tilespmem:s20+$0x0 ss:$0x81] =	vst.msk $0xffff, v0;
	s19 =	sadd.s32 s22, s19  }
0x13: {  	v61 =	vld [tilespmem:s21+$0x10];
	[tilespmem:s19+$0x3870 ss:$0x81] =	vst.msk $0xffff, v4  }
0x14: {  	v62 =	vld [tilespmem:s21+$0x20];
	[tilespmem:s19+$0x810 ss:$0x81] =	vst.msk $0xffff, v5  }
0x15: {  	v63 =	vld [tilespmem:s21+$0xFFFFFFC0];
	[tilespmem:s19+$0x1020 ss:$0x81] =	vst.msk $0xffff, v58  }
0x16: {  	s17 =	sshll.u32 s17, $0x13;
	[tilespmem:s19+$0x1830 ss:$0x81] =	vst.msk $0xffff, v59  }
0x17: {  	s28 =	sand.u32 $0xF80, s15;
	s16 =	sshll.u32 s16, $0xC;
	s17 =	sadd.s32 s4, s17;
	[tilespmem:s19+$0x2040 ss:$0x81] =	vst.msk $0xffff, v60  }
0x18: {  	s29 =	sshrl.u32 s15, $0x3;
	s30 =	sand.u32 $0x7, s15;
	s17 =	sadd.s32 s28, s17;
	[tilespmem:s19+$0x2850 ss:$0x81] =	vst.msk $0xffff, v61  }
0x19: {  	s31 =	sand.u32 $0xF, s29;
	s15 =	sshll.u32 s30, $0x12;
	s16 =	sadd.s32 s16, s17;
	[tilespmem:s19+$0x3060 ss:$0x81] =	vst.msk $0xffff, v62  }
0x1a: {  	s15 =	sor.u32 $0x400, s15;
	s16 =	sadd.s32 s31, s16;
	[tilespmem:s19+$0x0 ss:$0x81] =	vst.msk $0xffff, v63  }
0x1b: {  	[hbm4b:s16+s15] =	stream.strided.scatter [tilespmem:s18], [sflag:$0x2], $0x4000, s10, s15, $0x20;
	[tilespmem:$0x10100] =	vst v63  }
.LBB1_5:
0x1c: {  	s18 =	sadd.s32 $0x8, s11  }
0x1d: {  	s15 =	sadd.s32 $0x100, s12;
	s19 =	smov.u32 s12;
	p2 =	sgt.s32 s18, $0x7F  }
0x1e: {  	s19 =	smov.u32 @p2 s15  }
0x1f: {  	s21 =	smov.u32 s13;
	s15 =	sadd.s32 $0x2, s13;
	p3 =	sgt.s32 s19, $0xFF  }
0x20: {  	s21 =	smov.u32 @p3 s15  }
0x21: {  	s18 =	smov.u32 @p2 s8;
	p2 =	sgt.s32 s21, $0x1  }
0x22: {  	p1 =	slt.u32 s14, $0x2;
	s21 =	smov.u32 @p2 s2;
	p2 =	sne.s32 s14, s9  }
.Ltmp1:
0x23: {  	s20 =	simm.s32 @!p1 $0x2;
	(pc) =	sbr.rel @!p2 .LBB1_6-.Ltmp1, $4  }
0x24: {  	s16 =	smov.u32 s11;
	s17 =	smov.u32 s13;
	_ =	swait.ge @!p1 [sflag:s20], $0x4000  }
0x25: {  	p0 =	por !p0, !p0;
	[sflag:s20] =	ssyncset.done @!p1 $0x0;
	s11 =	smov.u32 s18  }
0x26: {  	s19 =	smov.u32 @p3 s3;
	s15 =	smov.u32 s12;
	[sflag:s20] =	ssyncadd.s32 @!p1 $0xFFFFC000  }
0x27: {  	s12 =	smov.u32 s19;
	s14 =	sadd.s32 $0x1, s14;
	s13 =	smov.u32 s21  }
.LBB1_1:
0x28: {  	p1 =	sge.u32 s14, s7;
	s31 =	sadd.s32 $0xFFFFFFFF, s14  }
0x29: {  	s18 =	sxor.u32 @!p1 $0xFFFFFFFF, s14;
	s19 =	sshll.u32 @!p1 s13, $0x13;
	s20 =	sshll.u32 @!p1 s12, $0xB  }
0x2a: {  	s21 =	sshll.u32 @!p1 s11, $0x4;
	s18 =	sshll.u32 @!p1 s18, $0xE;
	s19 =	sadd.s32 @!p1 s1, s19  }
0x2b: {  	s21 =	sand.u32 @!p1 $0x7F0, s21;
	s18 =	sand.u32 @!p1 $0x4000, s18;
	s19 =	sadd.s32 @!p1 s20, s19  }
0x2c: {  	s20 =	simm.s32 @!p1 $0x80;
	s19 =	sadd.s32 @!p1 s21, s19;
	s21 =	simm.s32 @!p1 $0x4000  }
0x2d: {  	[tilespmem:s18], [sflag:$0x1] =	stream.strided.gather @!p1 [hbm4b:s19+s20], $0x4000, s21, s20, $0x38;
	[tilespmem:$0x10100] =	vst v63  }
0x2e: {  	p1 =	sge.u32 s31, s7  }
.Ltmp2:
0x2f: {  	_ = 	snop;
	(pc) =	sbr.rel @p1 .LBB1_5-.Ltmp2, $1  }
0x30: {  	_ =	sdelay $0x3  }
0x31: {  	s18 =	simm.s32 $0x1  }
0x32: {  	_ =	swait.ge [sflag:s6], $0x4000;
	s18 =	simm.s32 @!p0 $0x0  }
0x33: {  	[sflag:s6] =	ssyncset.done $0x0;
	s19 =	sshll.u32 s18, $0xE  }
0x34: {  	[sflag:s6] =	ssyncadd.s32 $0xFFFFC000;
	s21 =	sor.u32 $0x40, s19  }
0x35: {  	s18 =	smul.u32 $0x10200, s18;
	v0 =	vld [tilespmem:s21+$0x30]  }
0x36: {  	v3 =	vld [tilespmem:s21+$0xFFFFFFD0]  }
0x37: {  	s18 =	sshrl.u32 s18, $0x2;
	v4 =	vld [tilespmem:s21+$0xFFFFFFE0]  }
0x38: {  	v5 =	vld [tilespmem:s21+$0xFFFFFFF0];
	s19 =	sor.u32 $0x8000, s18  }
0x39: {  	s31 =	sand.u32 $0x1, s14;
	v1 =	vld [tilespmem:s21+$0x0];
	s20 =	sadd.s32 $0x0, s19  }
0x3a: {  	v2 =	vld [tilespmem:s21+$0x10];
	s18 =	smul.u32 $0x10200, s31;
	[tilespmem:s20+$0x3870 ss:$0x81] =	vst.msk $0xffff, v0  }
0x3b: {  	[tilespmem:s20+$0x810 ss:$0x81] =	vst.msk $0xffff, v3;
	v3 =	vld [tilespmem:s21+$0x20]  }
0x3c: {  	s18 =	sshrl.u32 s18, $0x2;
	v0 =	vld [tilespmem:s21+$0xFFFFFFC0];
	[tilespmem:s20+$0x1020 ss:$0x81] =	vst.msk $0xffff, v4;
	s21 =	sadd.s32 $0x80, s21  }
0x3d: {  	s22 =	simm.s32 $0x4;
	s23 =	simm.s32 $0x8;
	s18 =	sor.u32 $0x8000, s18;
	[tilespmem:s20+$0x1830 ss:$0x81] =	vst.msk $0xffff, v5;
	v4 =	vld [tilespmem:s21+$0x30]  }
.LBB1_3:
0x3e: {  	p1 =	sne.s32 s23, $0x1FC;
	v5 =	vld [tilespmem:s21+$0xFFFFFFD0];
	[tilespmem:s20+$0x2040 ss:$0x81] =	vst.msk $0xffff, v1  }
0x3f: {  	v6 =	vld [tilespmem:s21+$0xFFFFFFE0];
	[tilespmem:s20+$0x2850 ss:$0x81] =	vst.msk $0xffff, v2  }
0x40: {  	s24 =	sshra.s32 s22, $0x2;
	s22 =	smov.u32 s23;
	v7 =	vld [tilespmem:s21+$0xFFFFFFF0];
	[tilespmem:s20+$0x3060 ss:$0x81] =	vst.msk $0xffff, v3  }
.Ltmp3:
0x41: {  	v1 =	vld [tilespmem:s21+$0x0];
	[tilespmem:s20+$0x0 ss:$0x81] =	vst.msk $0xffff, v0;
	s20 =	sadd.s32 s24, s19;
	(pc) =	sbr.rel @p1 .LBB1_3-.Ltmp3, $4  }
0x42: {  	v2 =	vld [tilespmem:s21+$0x10];
	[tilespmem:s20+$0x3870 ss:$0x81] =	vst.msk $0xffff, v4  }
0x43: {  	[tilespmem:s20+$0x810 ss:$0x81] =	vst.msk $0xffff, v5;
	v3 =	vld [tilespmem:s21+$0x20]  }
0x44: {  	v0 =	vld [tilespmem:s21+$0xFFFFFFC0];
	[tilespmem:s20+$0x1020 ss:$0x81] =	vst.msk $0xffff, v6;
	s21 =	sadd.s32 $0x80, s21  }
0x45: {  	s23 =	sadd.s32 $0x4, s23;
	v4 =	vld [tilespmem:s21+$0x30];
	[tilespmem:s20+$0x1830 ss:$0x81] =	vst.msk $0xffff, v7  }
.Ltmp4:
0x46: {  	_ = 	snop;
	(pc) =	sbr.rel .LBB1_4-.Ltmp4, $1  }
0x47: {  	_ =	sdelay $0x3  }
.LBB1_6:
0x48: {  	_ =	sfence.sel $0x180000  }
0x49: {  	s1 =	simm.s32 $0x1;
	[bflag:$0x0] =	sbarrier.arrive $0xFFFF  }
0x4a: {  	s31 =	simm.s32 $0x2;
	[sflag:s1] =	ssyncpa.u1 $0x1  }
0x4b: {  	[sflag:s31] =	ssyncpa.u1 $0x1  }
0x4c: {  	p0 =	sne.s32 s0, $0x0;
	_ =	strace $0x90000047  }
0x4d: {  	s0 =	sadd.s32 @!p0 $0x100000, s5;
	[bflag:$0x2] =	sbarrier.arrive $0xFFFF  }
0x4e: {  	[sflag:s0] =	ssyncadd.tile.s32 @!p0 $0x1;
	_ =	shalt  }
.Lfunc_end1:
_tile_overlayer_lowered:
.L_overlay_start_2:
0x4f: {  	(tag) =	ssettag $0x2  }
0x50: {  	s0 =	rddreg [dreg:$0x0];
	s2 =	stileid.u32  }
0x51: {  	s1 =	rddreg [dreg:$0x1];
	p0 =	sne.s32 s2, $0x0  }
0x52: {  	s3 =	rddreg [dreg:$0x2];
	[bflag:$0x3] =	sbarrier.arrive $0xFFFF;
	s2 =	simm.s32 @!p0 $0x1C01  }
0x53: {  	[timem:s3], [sflag:s2] =	dma.local @!p0 [hbm:s0], s1  }
0x54: {  	s0 =	simm.s32 @!p0 $0x1  }
0x55: {  	_ =	swait.ge @!p0 [sflag:s0], s1  }
0x56: {  	s1 =	ssub.s32 @!p0 $0x0, s1;
	[sflag:s0] =	ssyncset.done @!p0 $0x0  }
0x57: {  	[sflag:s0] =	ssyncadd.s32 @!p0 s1  }
0x58: {  	[bflag:$0x3] =	sbarrier.arrive $0xFFFF  }
0x59: {  	_ =	shalt  }

// kernel: sparse-core-data-format-call.cloned.1.call-start
scs
called_computation_lowered:
.L_overlay_start_0:
0x0: {  	s2 =	sld [smem:$0x3FD9]  }
0x1: {  	s3 =	sld [smem:$0x3FFE];
	_ =	sdelay $0x1  }
0x2: {  	s1 =	srdreg.scid  }
0x3: {  	s0 =	sand.u32 $0x1, s1  }
0x4: {  	s18 =	sshll.u32 s0, $0xA;
	s2 =	sadd.s32 s3, s2  }
0x5: {  	s2 =	sadd.s32 s2, s18  }
0x6: {  	[smem:$0x3FC6] =	sst s2  }
0x7: {  	_ = 	snop  }
0x8: {  	s2 =	sld [smem:$0x3FD0];
	(tm) =	ssettm $0x1  }
0x9: {  	s19 =	sld [smem:$0x3FFB];
	_ =	sdelay $0x3  }
0xa: {  	_ =	strace s19  }
0xb: {  	s3 =	sld [smem:$0x3FFC];
	_ =	sdelay $0x3  }
0xc: {  	_ =	strace s3  }
0xd: {  	s3 =	sld [smem:$0x3FFD];
	_ =	sdelay $0x3  }
0xe: {  	_ =	strace s3  }
0xf: {  	_ =	strace $0x8FFFFFFF  }
0x10: {  	s20 =	sld [smem:$0x3FDB];
	_ =	sdelay $0x1  }
0x11: {  	s4 =	simm.s32 $_scs_section_size  }
0x12: {  	s5 =	simm.s32 $_size__tile_overlayer_lowered;
	s6 =	simm.s32 $_tile_overlayer_lowered  }
0x13: {  	s23 =	simm.s32 $0x1BFF;
	s22 =	sshll.u32 s6, $0x1;
	s3 =	sadd.s32 s4, s20  }
0x14: {  	s7 =	simm.s32 $0x0;
	s21 =	sshll.u32 s5, $0x1;
	s5 =	sadd.s32 s22, s3  }
0x15: {  	[timem:s7], [sflag:s23] =	dma.local [hbm:s5], s21  }
0x16: {  	_ =	swait.ge [sflag:s23], s21  }
0x17: {  	s4 =	ssub.s32 $0x0, s21;
	[sflag:s23] =	ssyncset.done $0x0  }
0x18: {  	[sflag:s23] =	ssyncadd.s32 s4;
	_ =	sdelay $0x1  }
0x19: {  	s24 =	simm.s32 $0x1B8B  }
0x1a: {  	_ =	swait.ge [sflag:s24], $0x1  }
0x1b: {  	[sflag:s24] =	ssyncset.done $0x0  }
0x1c: {  	s26 =	simm.s32 $0x1B8E;
	s25 =	sld [smem:$0x3FFE];
	[sflag:s24] =	ssyncadd.s32 $0xFFFFFFFF  }
0x1d: {  	s27 =	simm.s32 $execute0_lowered;
	[smem:$0x3FD2] =	sst s26  }
0x1e: {  	s5 =	sshll.u32 s27, $0x1;
	_ =	strace $0x8000004C;
	[dreg:$0x1] =	wrdreg $0xFFFFFFFF  }
0x1f: {  	s28 =	simm.s32 $_size_execute0_lowered;
	s3 =	sadd.s32 s3, s5;
	[dreg:$0x0] =	wrdreg $0x0  }
0x20: {  	s5 =	sshll.u32 s28, $0x1;
	[dreg:$0x2] =	wrdreg s3  }
0x21: {  	[dreg:$0x3] =	wrdreg s5  }
0x22: {  	[dreg:$0x4] =	wrdreg $0xC0  }
0x23: {  	_ =	task [dreg:s7], $0x5FFFF  }
0x24: {  	[dreg:$0x1] =	wrdreg $0xFFFFFFFF  }
0x25: {  	[dreg:$0x0] =	wrdreg $0x60  }
0x26: {  	[dreg:$0x2] =	wrdreg s25  }
0x27: {  	[dreg:$0x3] =	wrdreg s2  }
0x28: {  	[dreg:$0x4] =	wrdreg $0x9  }
0x29: {  	_ =	task.clear_ibuf [dreg:s7], $0x5FFFF;
	_ =	strace $0x9000004C  }
0x2a: {  	s29 =	simm.s32 $0x9;
	_ =	strace $0x8000004E  }
0x2b: {  	_ =	swait.ge [sflag:s29], $0x1  }
0x2c: {  	[sflag:s29] =	ssyncadd.s32 $0xFFFFFFFF  }
0x2d: {  	_ =	strace $0x9000004E  }
0x2e: {  	_ =	sfence  }
0x2f: {  	s30 =	sld [smem:$0x0];
	_ =	sdelay $0x2  }
0x30: {  	s31 =	sshll.u32 s1, $0xD;
	s1 =	sshrl.u32 s1, $0x2  }
0x31: {  	s3 =	sand.u32 $0x4000, s31;
	s1 =	sadd.s32 s1, s30  }
0x32: {  	s0 =	sor.u32 s3, s0;
	s1 =	sshll.u32 s1, $0x11  }
0x33: {  	s0 =	sor.u32 s1, s0  }
0x34: {  	s0 =	sadd.s32 $0x8F2B, s0  }
0x35: {  	[sflag:s0] =	ssyncadd.remote.s32 $0x1  }
0x36: {  	_ =	sfence.sel $0xFFFF  }
0x37: {  	[dreg:$0x0] =	wrdreg $0xFFFFFFFF;
	(pc) =	sbr.abs _section_cstart, $3  }
0x38: {  	[dreg:$0x1] =	wrdreg $0xFFFFFFFF  }
0x39: {  	_ =	task.clear_ibuf [dreg:s7], $0x2FFFF;
	_ =	strace $0x9FFFFFFF  }
0x3a: {  	(tm) =	ssettm $0x7FFFFFFF  }
0x3b: {  	_ =	shalt  }
tec
execute0_lowered:
.L_overlay_start_1:
0x0: {  	(tag) =	ssettag $0x1  }
0x1: {  	s0 =	srdreg.scid  }
0x2: {  	s1 =	rddreg [dreg:$0x0];
	s6 =	stileid.u32  }
0x3: {  	_ =	strace $0x8000004D;
	s7 =	simm.s32 $0x19;
	s31 =	simm.s32 $0x2  }
0x4: {  	s20 =	simm.s32 $0x0;
	s12 =	simm.s32 $0x800;
	s13 =	simm.s32 $0x0  }
0x5: {  	s19 =	simm.s32 $0x0;
	s21 =	simm.s32 $0x0;
	s0 =	sshll.u32 s0, $0x7  }
0x6: {  	s14 =	simm.s32 $0x0;
	s15 =	simm.s32 $0x0;
	s3 =	sand.u32 $0x80, s0  }
0x7: {  	s18 =	simm.s32 $0x0;
	s4 =	sshrl.u32 s6, $0x3;
	s0 =	ssub.s32 $0x100, s3  }
0x8: {  	s30 =	sshll.u32 s6, $0x7;
	p0 =	seq.s32 s4, $0x0;
	s2 =	sshrl.u32 s0, $0x7  }
.Ltmp0:
0x9: {  	s0 =	sshrl.u32 s0, $0x8;
	s2 =	sand.u32 $0x1, s2;
	(pc) =	sbr.rel .LBB1_1-.Ltmp0, $4  }
0xa: {  	s6 =	simm.s32 $0x1;
	s7 =	simm.s32 @!p0 $0x18;
	s0 =	sadd.s32 s0, s2  }
0xb: {  	s5 =	sadd.s32 $0xE00, s1;
	[sflag:s6] =	ssyncpa.u1 $0x0;
	s7 =	smul.u32 s7, s0  }
0xc: {  	s8 =	sand.u32 $0x380, s30;
	s16 =	smov.u32 s4;
	[sflag:s31] =	ssyncpa.u1 $0x0  }
0xd: {  	s9 =	sshll.u32 s3, $0x3;
	s17 =	smov.u32 s8;
	s10 =	sadd.s32 $0x1, s7  }
.LBB1_9:
0xe: {  	s0 =	sshll.u32 s15, $0x8  }
0xf: {  	s1 =	sshll.u32 s21, $0x3;
	s2 =	sshll.u32 s15, $0x7;
	s0 =	sand.u32 $0xFFFFF800, s0  }
0x10: {  	s24 =	sand.u32 $0x300, s2;
	s0 =	sor.u32 s0, s1  }
0x11: {  	p0 =	sgt.s32 s14, $0x30;
	s0 =	sor.u32 s24, s0  }
0x12: {  	s26 =	smul.u32 $0x7D00, s14;
	s1 =	smov.u32 s14;
	s0 =	sshrl.u32 s0, $0x8  }
0x13: {  	s1 =	simm.s32 @!p0 $0x30;
	s25 =	smulhi.u32 $0x83126F, s0  }
0x14: {  	s27 =	sshll.u32 s15, $0x4;
	s28 =	sshll.u32 s18, $0xE;
	s1 =	sadd.s32 s22, s1  }
0x15: {  	s29 =	rddreg [dreg:$0x1];
	s11 =	sadd.s32 $0xFFFFFFD0, s1;
	s2 =	sshrl.u32 s25, $0x1  }
0x16: {  	s1 =	ssub.s32 $0x31, s1;
	p0 =	sgt.s32 s11, $0x0;
	s2 =	smul.u32 $0x3E8, s2  }
0x17: {  	s31 =	simm.s32 $0x400;
	s11 =	sadd.s32 s29, s26;
	s1 =	simm.s32 @p0 $0x0  }
0x18: {  	s1 =	smul.u32 s1, s23;
	s0 =	ssub.s32 s0, s2;
	s2 =	sand.u32 $0x10, s27  }
0x19: {  	s21 =	sand.u32 $0x4000, s28;
	s0 =	sshll.u32 s0, $0x5;
	s2 =	sadd.s32 s2, s11  }
0x1a: {  	s30 =	sor.u32 $0x8000, s21;
	s1 =	sand.u32 $0x3FFFFF80, s1;
	s0 =	sadd.s32 s0, s2  }
0x1b: {  	[hbm4b:s0+s31] =	stream.strided.scatter [tilespmem:s30], [sflag:$0x2], s1, s12, s31, $0x38;
	[tilespmem:$0x10000] =	vst v63  }
.LBB1_10:
0x1c: {  	p0 =	slt.u32 s18, $0x2  }
0x1d: {  	p1 =	sgt.s32 @!p0 s20, $0x30  }
0x1e: {  	s0 =	smov.u32 s20;
	s2 =	smov.u32 s19;
	p1 =	por !p1, p0  }
0x1f: {  	s1 =	sshra.s32 @!p0 s20, $0x1F;
	s0 =	simm.s32 @p1 $0x30;
	p1 =	sgt.s32 @!p0 s19, $0x368  }
0x20: {  	s11 =	sshra.s32 @!p0 s19, $0x1F;
	s1 =	sand.u32 @!p0 s1, s20;
	p1 =	por !p1, p0  }
0x21: {  	s0 =	ssub.s32 @!p0 s0, s1;
	s1 =	sand.u32 @!p0 s11, s19;
	s2 =	simm.s32 @p1 $0x368  }
0x22: {  	s1 =	ssub.s32 @!p0 s2, s1  }
0x23: {  	s11 =	sadd.s32 @!p0 $0xFFFFFFD0, s0;
	s0 =	ssub.s32 @!p0 $0x31, s0;
	s1 =	sadd.s32 @!p0 $0xFFFFFC98, s1  }
0x24: {  	p1 =	sgt.s32 @!p0 s11, $0x0;
	p2 =	sgt.s32 @!p0 s1, $0x7F;
	s1 =	sshll.u32 @!p0 s1, $0x7  }
0x25: {  	p1 =	por !p1, p0;
	s1 =	ssub.s32 @!p0 $0x4000, s1;
	p2 =	por !p2, p0  }
0x26: {  	s0 =	simm.s32 @!p1 $0x0;
	s1 =	simm.s32 @!p2 $0x0  }
0x27: {  	s0 =	smul.u32 @!p0 s0, s1;
	s1 =	sadd.s32 $0x2, s16  }
0x28: {  	s22 =	smov.u32 s17;
	s11 =	sadd.s32 $0x400, s17;
	p1 =	sgt.s32 s1, $0x30  }
0x29: {  	s22 =	smov.u32 @p1 s11  }
0x2a: {  	s1 =	smov.u32 @p1 s4;
	p1 =	sgt.s32 s22, $0x3E7  }
0x2b: {  	s13 =	sadd.s32 $0x4000, s13;
	s22 =	smov.u32 @p1 s8;
	p1 =	sne.s32 s18, s10  }
.Ltmp1:
0x2c: {  	s21 =	smov.u32 s3;
	s20 =	smov.u32 s14;
	(pc) =	sbr.rel @!p1 .LBB1_11-.Ltmp1, $4  }
0x2d: {  	s14 =	smov.u32 s16;
	s2 =	simm.s32 @!p0 $0x2;
	s0 =	sand.u32 @!p0 $0x3FFFFF80, s0  }
0x2e: {  	s19 =	smov.u32 s15;
	s15 =	smov.u32 s17;
	_ =	swait.ge @!p0 [sflag:s2], s0  }
0x2f: {  	s0 =	ssub.s32 @!p0 $0x0, s0;
	s16 =	smov.u32 s1;
	[sflag:s2] =	ssyncset.done @!p0 $0x0  }
0x30: {  	s18 =	sadd.s32 $0x1, s18;
	[sflag:s2] =	ssyncadd.s32 @!p0 s0;
	s17 =	smov.u32 s22  }
.LBB1_1:
0x31: {  	p0 =	sge.u32 s18, s7;
	s11 =	smov.u32 s17;
	s31 =	sadd.s32 $0xFFFFFFFF, s18  }
0x32: {  	s0 =	sshll.u32 @!p0 s16, $0x8;
	s1 =	sshll.u32 @!p0 s16, $0x7;
	p1 =	sgt.s32 @!p0 s17, $0x368  }
0x33: {  	p2 =	sgt.s32 @!p0 s16, $0x37;
	s2 =	sshra.s32 @!p0 s16, $0x1F;
	s22 =	sshra.s32 @!p0 s17, $0x1F  }
0x34: {  	s0 =	sand.u32 @!p0 $0xFFFFF800, s0;
	s1 =	sand.u32 @!p0 $0x300, s1;
	p1 =	por !p1, p0  }
0x35: {  	p2 =	por !p2, p0;
	s22 =	sand.u32 @!p0 s22, s17;
	s0 =	sor.u32 @!p0 s9, s0  }
0x36: {  	s11 =	simm.s32 @p1 $0x368;
	s0 =	sor.u32 @!p0 s1, s0;
	s1 =	smov.u32 s16  }
0x37: {  	s2 =	sand.u32 @!p0 s2, s16;
	s11 =	ssub.s32 @!p0 s11, s22;
	s1 =	simm.s32 @p2 $0x37  }
0x38: {  	s0 =	sshrl.u32 @!p0 s0, $0x8;
	s11 =	sadd.s32 @!p0 $0xFFFFFC98, s11;
	s1 =	ssub.s32 @!p0 s1, s2  }
0x39: {  	s2 =	smulhi.u32 @!p0 $0x4924925, s0;
	p2 =	sgt.s32 @!p0 s11, $0x7F;
	s22 =	sadd.s32 @!p0 $0xFFFFFFC9, s1  }
0x3a: {  	s11 =	sshll.u32 @!p0 s11, $0x7;
	s1 =	ssub.s32 @!p0 $0x38, s1;
	p1 =	sgt.s32 @!p0 s22, $0x0  }
0x3b: {  	s11 =	ssub.s32 @!p0 $0x4000, s11;
	s2 =	smul.u32 @!p0 $0x38, s2;
	p1 =	por !p1, p0  }
0x3c: {  	s22 =	sxor.u32 @!p0 $0xFFFFFFFF, s18;
	s1 =	simm.s32 @!p1 $0x0;
	p1 =	por !p2, p0  }
0x3d: {  	s0 =	ssub.s32 @!p0 s0, s2;
	s2 =	smul.u32 @!p0 $0x700, s17;
	s11 =	simm.s32 @!p1 $0x0  }
0x3e: {  	s22 =	sshll.u32 @!p0 s22, $0xE;
	s1 =	smul.u32 @!p0 s1, s11;
	s11 =	sshll.u32 @!p0 s16, $0x4  }
0x3f: {  	s22 =	sand.u32 @!p0 $0x4000, s22;
	s2 =	sadd.s32 @!p0 s5, s2;
	s11 =	sand.u32 @!p0 $0x10, s11  }
0x40: {  	s0 =	sshll.u32 @!p0 s0, $0x5;
	s1 =	sand.u32 @!p0 $0x3FFFFF80, s1;
	s2 =	sadd.s32 @!p0 s11, s2  }
0x41: {  	s11 =	simm.s32 @!p0 $0x3800;
	s0 =	sadd.s32 @!p0 s0, s2;
	s2 =	simm.s32 @!p0 $0x80  }
0x42: {  	[tilespmem:s22], [sflag:$0x1] =	stream.strided.gather @!p0 [hbm4b:s0+s2], s1, s11, s2, $0x38;
	[tilespmem:$0x10000] =	vst v63  }
0x43: {  	p0 =	sge.u32 s31, s7  }
.Ltmp2:
0x44: {  	_ = 	snop;
	(pc) =	sbr.rel @p0 .LBB1_10-.Ltmp2, $1  }
0x45: {  	_ =	sdelay $0x3  }
0x46: {  	p0 =	sgt.s32 s15, $0x368;
	s0 =	smov.u32 s15;
	s1 =	sshra.s32 s15, $0x1F  }
0x47: {  	s2 =	ssub.s32 $0x0, s14;
	s0 =	simm.s32 @!p0 $0x368;
	s1 =	sand.u32 s1, s15  }
0x48: {  	s11 =	sshra.s32 s14, $0x1F;
	s23 =	smov.u32 s14;
	s0 =	ssub.s32 s0, s1  }
0x49: {  	p0 =	sgt.s32 s14, $0x37;
	s22 =	sand.u32 s2, s11;
	s0 =	sadd.s32 $0xFFFFFC98, s0  }
0x4a: {  	s23 =	simm.s32 @!p0 $0x37;
	p0 =	sgt.s32 s0, $0x7F;
	s0 =	sshll.u32 s0, $0x7  }
0x4b: {  	s29 =	sadd.s32 s22, s23;
	s23 =	ssub.s32 $0x4000, s0;
	s0 =	sadd.s32 $0x80, s15  }
0x4c: {  	s2 =	sadd.s32 $0x1, s14;
	s23 =	simm.s32 @p0 $0x0;
	p0 =	slt.s32 s0, $0x3E8  }
0x4d: {  	s30 =	sadd.s32 $0xFFFFFFC9, s29;
	s0 =	simm.s32 @!p0 $0x3E8;
	p0 =	slt.s32 s2, $0x31  }
0x4e: {  	s1 =	ssub.s32 $0x38, s29;
	s24 =	ssub.s32 s0, s15;
	s2 =	simm.s32 @!p0 $0x31  }
0x4f: {  	p1 =	sgt.s32 s30, $0x0;
	s25 =	ssub.s32 s2, s14;
	p0 =	slt.s32 s24, $0x1  }
0x50: {  	s1 =	simm.s32 @p1 $0x0;
	p1 =	slt.s32 @!p0 s25, $0x1  }
0x51: {  	s1 =	smul.u32 s1, s23;
	p0 =	por p0, p1  }
.Ltmp3:
0x52: {  	_ = 	snop;
	(pc) =	sbr.rel @p0 .LBB1_9-.Ltmp3, $4  }
0x53: {  	s31 =	sand.u32 $0x3FFFFF80, s1  }
0x54: {  	_ =	swait.ge [sflag:s6], s31  }
0x55: {  	s0 =	ssub.s32 $0x0, s31;
	[sflag:s6] =	ssyncset.done $0x0  }
0x56: {  	[sflag:s6] =	ssyncadd.s32 s0  }
0x57: {  	s0 =	sshll.u32 s13, $0x2  }
0x58: {  	s0 =	sand.u32 $0x10000, s0  }
0x59: {  	s26 =	sshrl.u32 s0, $0x2  }
0x5a: {  	s28 =	simm.s32 $0x0;
	s29 =	simm.s32 $0x0;
	s27 =	sor.u32 $0x8000, s26  }
.LBB1_4:
0x5b: {  	s0 =	sand.u32 $0x3F80, s28  }
0x5c: {  	s31 =	simm.s32 $0x0;
	s11 =	sadd.s32 s0, s27;
	s0 =	simm.s32 $0x0  }
.LBB1_5:
0x5d: {  	s1 =	sand.u32 $0x7, s31  }
0x5e: {  	s1 =	sadd.s32 s1, s29  }
0x5f: {  	s1 =	sshll.u32 s1, $0x9  }
0x60: {  	s1 =	sshra.s32 s1, $0x2  }
0x61: {  	s2 =	simm.s32 $0xFFFFFFF0;
	s30 =	smov.u32 s11;
	s1 =	sadd.s32 s1, s26  }
.LBB1_6:
0x62: {  	s2 =	sadd.s32 $0x10, s2  }
0x63: {  	v0 =	vld [tilespmem:s1+$0x0];
	p0 =	slt.u32 s2, $0x70  }
.Ltmp4:
0x64: {  	_ = 	snop;
	(pc) =	sbr.rel @p0 .LBB1_6-.Ltmp4, $2  }
0x65: {  	_ =	sdelay $0x2  }
0x66: {  	s1 =	sadd.s32 $0x10, s1;
	[tilespmem:s30+$0x0] =	vst v0;
	s30 =	sadd.s32 $0x10, s30  }
0x67: {  	s0 =	sadd.s32 $0x1, s0  }
0x68: {  	p0 =	sne.s32 s0, s25  }
.Ltmp5:
0x69: {  	_ = 	snop;
	(pc) =	sbr.rel @p0 .LBB1_5-.Ltmp5, $2  }
0x6a: {  	_ =	sdelay $0x2  }
0x6b: {  	s11 =	sadd.s32 $0x4000, s11;
	s31 =	sadd.s32 $0x1, s31  }
0x6c: {  	s29 =	sadd.s32 $0x1, s29  }
0x6d: {  	p0 =	sne.s32 s29, s24  }
.Ltmp6:
0x6e: {  	_ = 	snop;
	(pc) =	sbr.rel @p0 .LBB1_4-.Ltmp6, $4  }
.Ltmp7:
0x6f: {  	_ = 	snop;
	(pc) =	sbr.rel @!p0 .LBB1_9-.Ltmp7, $4  }
0x70: {  	_ = 	snop  }
0x71: {  	_ = 	snop  }
0x72: {  	s28 =	sadd.s32 $0x80, s28  }
0x73: {  	_ = 	snop  }
.LBB1_11:
0x74: {  	_ =	sfence.sel $0x180000  }
0x75: {  	s0 =	simm.s32 $0x1;
	[bflag:$0x0] =	sbarrier.arrive $0xFFFF  }
0x76: {  	s30 =	simm.s32 $0x2;
	[sflag:s0] =	ssyncpa.u1 $0x1  }
0x77: {  	[sflag:s30] =	ssyncpa.u1 $0x1  }
0x78: {  	_ =	strace $0x9000004D  }
0x79: {  	s31 =	stileid.u32;
	[bflag:$0x2] =	sbarrier.arrive $0xFFFF  }
0x7a: {  	p0 =	sne.s32 s31, $0x0;
	s0 =	rddreg [dreg:$0x2]  }
0x7b: {  	s0 =	sadd.s32 @!p0 $0x100000, s0  }
0x7c: {  	[sflag:s0] =	ssyncadd.tile.s32 @!p0 $0x1;
	_ =	shalt  }
.Lfunc_end1:
_tile_overlayer_lowered:
.L_overlay_start_2:
0x7d: {  	(tag) =	ssettag $0x2  }
0x7e: {  	s0 =	rddreg [dreg:$0x0];
	s2 =	stileid.u32  }
0x7f: {  	s1 =	rddreg [dreg:$0x1];
	p0 =	sne.s32 s2, $0x0  }
0x80: {  	s3 =	rddreg [dreg:$0x2];
	[bflag:$0x3] =	sbarrier.arrive $0xFFFF;
	s2 =	simm.s32 @!p0 $0x1C01  }
0x81: {  	[timem:s3], [sflag:s2] =	dma.local @!p0 [hbm:s0], s1  }
0x82: {  	s0 =	simm.s32 @!p0 $0x1  }
0x83: {  	_ =	swait.ge @!p0 [sflag:s0], s1  }
0x84: {  	s1 =	ssub.s32 @!p0 $0x0, s1;
	[sflag:s0] =	ssyncset.done @!p0 $0x0  }
0x85: {  	[sflag:s0] =	ssyncadd.s32 @!p0 s1  }
0x86: {  	[bflag:$0x3] =	sbarrier.arrive $0xFFFF  }
0x87: {  	_ =	shalt  }

</sc_bundles>
